<compile_context>
chip_gen: v7x
topology: tpu7x:2x2x1
jax: 0.10.2.dev20260603
libtpu: 0.0.44.dev20260713+nightly
codegen_flags: <defaults>
</compile_context>

<pallas_src>
import functools

import jax
import jax.numpy as jnp
from jax import lax
from jax.experimental import pallas as pl
from jax.experimental.pallas import tpu as pltpu
from jax.experimental.pallas import tpu_sc as plsc

VOCAB = 1000000
MAX_LEN = 200
EMBED_DIM = 32
BATCH = 16384
SEQ = 200

NUM_CORES = 2
NUM_SUBCORES = 16
NUM_WORKERS = NUM_CORES * NUM_SUBCORES

SEQS_PER_WORKER = BATCH // NUM_WORKERS
SEQS_PER_CHUNK = 8
STEPS = SEQS_PER_WORKER // SEQS_PER_CHUNK
CHUNK = SEQS_PER_CHUNK * SEQ
NBUF = 2


def _sc_body(x_hbm, tok_hbm, pos_hbm, out_hbm, *scratch):
    idx_bufs = scratch[0:NBUF]
    row_bufs = scratch[NBUF:2 * NBUF]
    pos_c = scratch[2 * NBUF]
    sem_g = scratch[2 * NBUF + 1:2 * NBUF + 1 + NBUF]
    sem_s = scratch[2 * NBUF + 1 + NBUF:2 * NBUF + 1 + 2 * NBUF]
    sem_i = scratch[2 * NBUF + 1 + 2 * NBUF:2 * NBUF + 1 + 3 * NBUF]

    wid = lax.axis_index("s") * NUM_CORES + lax.axis_index("c")
    base = wid * SEQS_PER_WORKER

    pltpu.sync_copy(pos_hbm, pos_c)

    def copy_idx_in(b, bat0, copy):
        for k in range(SEQS_PER_CHUNK):
            copy(x_hbm.at[bat0 + k],
                 idx_bufs[b].at[pl.ds(k * SEQ, SEQ)], sem_i[b])

    for b in range(NBUF):
        copy_idx_in(b, base + b * SEQS_PER_CHUNK,
                    lambda s, d, m: pltpu.sync_copy(s, d))
        pltpu.async_copy(tok_hbm.at[idx_bufs[b]], row_bufs[b], sem_g[b])

    def outer(G, _):
        for b in range(NBUF):
            g = G * NBUF + b
            bat0 = base + g * SEQS_PER_CHUNK
            pltpu.make_async_copy(
                tok_hbm.at[idx_bufs[b]], row_bufs[b], sem_g[b]).wait()

            @pl.when(g + NBUF < STEPS)
            def _(b=b, g=g):
                copy_idx_in(b, base + (g + NBUF) * SEQS_PER_CHUNK,
                            pltpu.async_copy)

            @plsc.parallel_loop(0, SEQ, unroll=8)
            def _(j, b=b):
                for h in range(EMBED_DIM // 16):
                    p = pos_c[j, pl.ds(h * 16, 16)]
                    for k in range(SEQS_PER_CHUNK):
                        plsc.addupdate(
                            row_bufs[b].at[k * SEQ + j, pl.ds(h * 16, 16)], p)

            for k in range(SEQS_PER_CHUNK):
                pltpu.async_copy(
                    row_bufs[b].at[pl.ds(k * SEQ, SEQ)],
                    out_hbm.at[bat0 + k], sem_s[b])

            bp = (b - 1) % NBUF
            c = g - 1 + NBUF
            pred = (G >= 1) if b == 0 else (c < STEPS)

            @pl.when(pred)
            def _(bp=bp, c=c):
                for k in range(SEQS_PER_CHUNK):
                    pltpu.make_async_copy(
                        row_bufs[bp].at[pl.ds(k * SEQ, SEQ)],
                        out_hbm.at[k], sem_s[bp]).wait()
                    pltpu.make_async_copy(
                        x_hbm.at[k], idx_bufs[bp].at[pl.ds(k * SEQ, SEQ)],
                        sem_i[bp]).wait()
                pltpu.async_copy(
                    tok_hbm.at[idx_bufs[bp]], row_bufs[bp], sem_g[bp])
        return 0

    lax.fori_loop(0, STEPS // NBUF, outer, 0)

    for b in range(NBUF):
        for k in range(SEQS_PER_CHUNK):
            pltpu.make_async_copy(
                row_bufs[b].at[pl.ds(k * SEQ, SEQ)],
                out_hbm.at[k], sem_s[b]).wait()


def kernel(x, token_table, pos_table):
    mesh = plsc.VectorSubcoreMesh(core_axis_name="c", subcore_axis_name="s")
    scratch = (
        [pltpu.VMEM((CHUNK,), jnp.int32) for _ in range(NBUF)]
        + [pltpu.VMEM((CHUNK, EMBED_DIM), jnp.float32) for _ in range(NBUF)]
        + [pltpu.VMEM((SEQ, EMBED_DIM), jnp.float32)]
        + [pltpu.SemaphoreType.DMA for _ in range(3 * NBUF)]
    )
    k = functools.partial(
        pl.kernel,
        mesh=mesh,
        compiler_params=pltpu.CompilerParams(use_tc_tiling_on_sc=False),
        out_type=jax.ShapeDtypeStruct((BATCH, SEQ, EMBED_DIM), jnp.float32),
        scratch_types=scratch,
    )(_sc_body)
    return k(x.astype(jnp.int32), token_table, pos_table)

# --- scband reference (transcript-rebuilt; emitter-appended) ---
"""Pipeline reference for scband-token-and-position-embedding-12841952215465 (READ-ONLY COPY).

The authoritative reference and input builder live on the scoring server;
editing this copy changes nothing except your own understanding.
"""

import jax, jax.numpy as jnp
import numpy as np

VOCAB = 1000000
MAX_LEN = 200
EMBED_DIM = 32
BATCH = 16384
SEQ = 200


def setup_inputs(seed: int = 0) -> dict:
    key = jax.random.key(seed)
    k1, k2, k3 = jax.random.split(key, 3)
    x = jax.random.randint(k1, (BATCH, SEQ), 0, VOCAB, dtype=jnp.int64 if jax.config.jax_enable_x64 else jnp.int32)
    token_table = jax.random.normal(k2, (VOCAB, EMBED_DIM), dtype=jnp.float32) * 0.02
    pos_table = jax.random.normal(k3, (MAX_LEN, EMBED_DIM), dtype=jnp.float32) * 0.02
    return {"x": x, "token_table": token_table, "pos_table": pos_table}


def reference(x, token_table, pos_table):
    seq_len = x.shape[-1]
    positions = jnp.arange(0, seq_len, 1)
    positions_embedding = jnp.take(pos_table, positions, axis=0)
    token_embedding = jnp.take(token_table, x, axis=0)
    return token_embedding + positions_embedding

if __name__ == "__main__":
    import jax
    _d = setup_inputs()
    print(jax.jit(kernel)(*tuple(_d.values())))

</pallas_src>

<mosaic_0001>
#map = affine_map<(d0, d1) -> (0, 0)>
#map1 = affine_map<(d0, d1) -> (0, 0, 0)>
module attributes {stable_mosaic.version = 14 : i64} {
  func.func @_sc_body(%arg0: i32, %arg1: i32, %arg2: memref<16384x200xi32, #tpu.memory_space<hbm>>, %arg3: memref<1000000x32xf32, #tpu.memory_space<hbm>>, %arg4: memref<200x32xf32, #tpu.memory_space<hbm>>, %arg5: memref<16384x200x32xf32, #tpu.memory_space<hbm>>, %arg6: memref<1600xi32, #tpu.memory_space<vmem>>, %arg7: memref<1600xi32, #tpu.memory_space<vmem>>, %arg8: memref<1600x32xf32, #tpu.memory_space<vmem>>, %arg9: memref<1600x32xf32, #tpu.memory_space<vmem>>, %arg10: memref<200x32xf32, #tpu.memory_space<vmem>>, %arg11: memref<!tpu.dma_semaphore, #tpu.memory_space<semaphore_mem>>, %arg12: memref<!tpu.dma_semaphore, #tpu.memory_space<semaphore_mem>>, %arg13: memref<!tpu.dma_semaphore, #tpu.memory_space<semaphore_mem>>, %arg14: memref<!tpu.dma_semaphore, #tpu.memory_space<semaphore_mem>>, %arg15: memref<!tpu.dma_semaphore, #tpu.memory_space<semaphore_mem>>, %arg16: memref<!tpu.dma_semaphore, #tpu.memory_space<semaphore_mem>>) attributes {dimension_semantics = [#tpu.dimension_semantics<core_parallel>, #tpu.dimension_semantics<subcore_parallel>], iteration_bounds = array<i64: 2, 16>, scalar_prefetch = 0 : i64, scratch_operands = 11 : i64, tpu.core_type = #tpu.core_type<sc_vector_subcore>, window_params = [{transform_indices = #map}, {transform_indices = #map}, {transform_indices = #map}, {transform_indices = #map1}]} {
    %mul3A = arith.constant 2 : i32
    %mul3A_0 = arith.muli %arg1, %mul3A : i32
    %add3A = arith.addi %mul3A_0, %arg0 : i32
    %mul3A_1 = arith.constant 512 : i32
    %mul3A_2 = arith.muli %add3A, %mul3A_1 : i32
    "tpu.region"() ({
      %run_scoped3A = tpu.sem_alloc : memref<!tpu.dma_semaphore, #tpu.memory_space<semaphore_mem>>
      tpu.enqueue_dma source(%arg4 : memref<200x32xf32, #tpu.memory_space<hbm>>) target(%arg10 : memref<200x32xf32, #tpu.memory_space<vmem>>) target_semaphore(%run_scoped3A : memref<!tpu.dma_semaphore, #tpu.memory_space<semaphore_mem>>)
      tpu.wait_dma2 semaphore(%run_scoped3A : memref<!tpu.dma_semaphore, #tpu.memory_space<semaphore_mem>>) src(%arg4 : memref<200x32xf32, #tpu.memory_space<hbm>>) dst(%arg10 : memref<200x32xf32, #tpu.memory_space<vmem>>)
      tpu.yield
    }) : () -> ()
    %add3A_3 = arith.constant 0 : i32
    %add3A_4 = arith.addi %mul3A_2, %add3A_3 : i32
    %add3A_5 = arith.constant 0 : i32
    %add3A_6 = arith.addi %add3A_4, %add3A_5 : i32
    "tpu.region"() ({
      %run_scoped3A = tpu.sem_alloc : memref<!tpu.dma_semaphore, #tpu.memory_space<semaphore_mem>>
      %dma_start3A_289 = arith.constant 0 : i32
      %dma_start3A_290 = tpu.memref_slice %arg6[%dma_start3A_289] : memref<1600xi32, #tpu.memory_space<vmem>> -> memref<200xi32, #tpu.memory_space<vmem>>
      %dma_start3A_291 = arith.constant 0 : i32
      %dma_start3A_292 = tpu.memref_slice %arg2[%add3A_6, %dma_start3A_291] : memref<16384x200xi32, #tpu.memory_space<hbm>> -> memref<1x200xi32, #tpu.memory_space<hbm>>
      %dma_start3A_293 = tpu.memref_squeeze %dma_start3A_292 : memref<1x200xi32, #tpu.memory_space<hbm>> -> memref<200xi32, #tpu.memory_space<hbm>>
      %dma_start3A_294 = arith.constant 0 : i32
      %dma_start3A_295 = tpu.memref_slice %arg6[%dma_start3A_294] : memref<1600xi32, #tpu.memory_space<vmem>> -> memref<200xi32, #tpu.memory_space<vmem>>
      %dma_start3A_296 = arith.constant 0 : i32
      %dma_start3A_297 = tpu.memref_slice %arg2[%add3A_6, %dma_start3A_296] : memref<16384x200xi32, #tpu.memory_space<hbm>> -> memref<1x200xi32, #tpu.memory_space<hbm>>
      %dma_start3A_298 = tpu.memref_squeeze %dma_start3A_297 : memref<1x200xi32, #tpu.memory_space<hbm>> -> memref<200xi32, #tpu.memory_space<hbm>>
      tpu.enqueue_dma source(%dma_start3A_298 : memref<200xi32, #tpu.memory_space<hbm>>) target(%dma_start3A_295 : memref<200xi32, #tpu.memory_space<vmem>>) target_semaphore(%run_scoped3A : memref<!tpu.dma_semaphore, #tpu.memory_space<semaphore_mem>>)
      %dma_wait3A_299 = arith.constant 0 : i32
      %dma_wait3A_300 = tpu.memref_slice %arg6[%dma_wait3A_299] : memref<1600xi32, #tpu.memory_space<vmem>> -> memref<200xi32, #tpu.memory_space<vmem>>
      %dma_wait3A_301 = arith.constant 0 : i32
      %dma_wait3A_302 = tpu.memref_slice %arg2[%add3A_6, %dma_wait3A_301] : memref<16384x200xi32, #tpu.memory_space<hbm>> -> memref<1x200xi32, #tpu.memory_space<hbm>>
      %dma_wait3A_303 = tpu.memref_squeeze %dma_wait3A_302 : memref<1x200xi32, #tpu.memory_space<hbm>> -> memref<200xi32, #tpu.memory_space<hbm>>
      %dma_wait3A_304 = arith.constant 0 : i32
      %dma_wait3A_305 = tpu.memref_slice %arg6[%dma_wait3A_304] : memref<1600xi32, #tpu.memory_space<vmem>> -> memref<200xi32, #tpu.memory_space<vmem>>
      %dma_wait3A_306 = arith.constant 0 : i32
      %dma_wait3A_307 = tpu.memref_slice %arg2[%add3A_6, %dma_wait3A_306] : memref<16384x200xi32, #tpu.memory_space<hbm>> -> memref<1x200xi32, #tpu.memory_space<hbm>>
      %dma_wait3A_308 = tpu.memref_squeeze %dma_wait3A_307 : memref<1x200xi32, #tpu.memory_space<hbm>> -> memref<200xi32, #tpu.memory_space<hbm>>
      tpu.wait_dma2 semaphore(%run_scoped3A : memref<!tpu.dma_semaphore, #tpu.memory_space<semaphore_mem>>) src(%dma_wait3A_308 : memref<200xi32, #tpu.memory_space<hbm>>) dst(%dma_wait3A_305 : memref<200xi32, #tpu.memory_space<vmem>>)
      tpu.yield
    }) : () -> ()
    %add3A_7 = arith.constant 1 : i32
    %add3A_8 = arith.addi %add3A_4, %add3A_7 : i32
    "tpu.region"() ({
      %run_scoped3A = tpu.sem_alloc : memref<!tpu.dma_semaphore, #tpu.memory_space<semaphore_mem>>
      %dma_start3A_289 = arith.constant 200 : i32
      %dma_start3A_290 = tpu.memref_slice %arg6[%dma_start3A_289] : memref<1600xi32, #tpu.memory_space<vmem>> -> memref<200xi32, #tpu.memory_space<vmem>>
      %dma_start3A_291 = arith.constant 0 : i32
      %dma_start3A_292 = tpu.memref_slice %arg2[%add3A_8, %dma_start3A_291] : memref<16384x200xi32, #tpu.memory_space<hbm>> -> memref<1x200xi32, #tpu.memory_space<hbm>>
      %dma_start3A_293 = tpu.memref_squeeze %dma_start3A_292 : memref<1x200xi32, #tpu.memory_space<hbm>> -> memref<200xi32, #tpu.memory_space<hbm>>
      %dma_start3A_294 = arith.constant 200 : i32
      %dma_start3A_295 = tpu.memref_slice %arg6[%dma_start3A_294] : memref<1600xi32, #tpu.memory_space<vmem>> -> memref<200xi32, #tpu.memory_space<vmem>>
      %dma_start3A_296 = arith.constant 0 : i32
      %dma_start3A_297 = tpu.memref_slice %arg2[%add3A_8, %dma_start3A_296] : memref<16384x200xi32, #tpu.memory_space<hbm>> -> memref<1x200xi32, #tpu.memory_space<hbm>>
      %dma_start3A_298 = tpu.memref_squeeze %dma_start3A_297 : memref<1x200xi32, #tpu.memory_space<hbm>> -> memref<200xi32, #tpu.memory_space<hbm>>
      tpu.enqueue_dma source(%dma_start3A_298 : memref<200xi32, #tpu.memory_space<hbm>>) target(%dma_start3A_295 : memref<200xi32, #tpu.memory_space<vmem>>) target_semaphore(%run_scoped3A : memref<!tpu.dma_semaphore, #tpu.memory_space<semaphore_mem>>)
      %dma_wait3A_299 = arith.constant 200 : i32
      %dma_wait3A_300 = tpu.memref_slice %arg6[%dma_wait3A_299] : memref<1600xi32, #tpu.memory_space<vmem>> -> memref<200xi32, #tpu.memory_space<vmem>>
      %dma_wait3A_301 = arith.constant 0 : i32
      %dma_wait3A_302 = tpu.memref_slice %arg2[%add3A_8, %dma_wait3A_301] : memref<16384x200xi32, #tpu.memory_space<hbm>> -> memref<1x200xi32, #tpu.memory_space<hbm>>
      %dma_wait3A_303 = tpu.memref_squeeze %dma_wait3A_302 : memref<1x200xi32, #tpu.memory_space<hbm>> -> memref<200xi32, #tpu.memory_space<hbm>>
      %dma_wait3A_304 = arith.constant 200 : i32
      %dma_wait3A_305 = tpu.memref_slice %arg6[%dma_wait3A_304] : memref<1600xi32, #tpu.memory_space<vmem>> -> memref<200xi32, #tpu.memory_space<vmem>>
      %dma_wait3A_306 = arith.constant 0 : i32
      %dma_wait3A_307 = tpu.memref_slice %arg2[%add3A_8, %dma_wait3A_306] : memref<16384x200xi32, #tpu.memory_space<hbm>> -> memref<1x200xi32, #tpu.memory_space<hbm>>
      %dma_wait3A_308 = tpu.memref_squeeze %dma_wait3A_307 : memref<1x200xi32, #tpu.memory_space<hbm>> -> memref<200xi32, #tpu.memory_space<hbm>>
      tpu.wait_dma2 semaphore(%run_scoped3A : memref<!tpu.dma_semaphore, #tpu.memory_space<semaphore_mem>>) src(%dma_wait3A_308 : memref<200xi32, #tpu.memory_space<hbm>>) dst(%dma_wait3A_305 : memref<200xi32, #tpu.memory_space<vmem>>)
      tpu.yield
    }) : () -> ()
    %add3A_9 = arith.constant 2 : i32
    %add3A_10 = arith.addi %add3A_4, %add3A_9 : i32
    "tpu.region"() ({
      %run_scoped3A = tpu.sem_alloc : memref<!tpu.dma_semaphore, #tpu.memory_space<semaphore_mem>>
      %dma_start3A_289 = arith.constant 400 : i32
      %dma_start3A_290 = tpu.memref_slice %arg6[%dma_start3A_289] : memref<1600xi32, #tpu.memory_space<vmem>> -> memref<200xi32, #tpu.memory_space<vmem>>
      %dma_start3A_291 = arith.constant 0 : i32
      %dma_start3A_292 = tpu.memref_slice %arg2[%add3A_10, %dma_start3A_291] : memref<16384x200xi32, #tpu.memory_space<hbm>> -> memref<1x200xi32, #tpu.memory_space<hbm>>
      %dma_start3A_293 = tpu.memref_squeeze %dma_start3A_292 : memref<1x200xi32, #tpu.memory_space<hbm>> -> memref<200xi32, #tpu.memory_space<hbm>>
      %dma_start3A_294 = arith.constant 400 : i32
      %dma_start3A_295 = tpu.memref_slice %arg6[%dma_start3A_294] : memref<1600xi32, #tpu.memory_space<vmem>> -> memref<200xi32, #tpu.memory_space<vmem>>
      %dma_start3A_296 = arith.constant 0 : i32
      %dma_start3A_297 = tpu.memref_slice %arg2[%add3A_10, %dma_start3A_296] : memref<16384x200xi32, #tpu.memory_space<hbm>> -> memref<1x200xi32, #tpu.memory_space<hbm>>
      %dma_start3A_298 = tpu.memref_squeeze %dma_start3A_297 : memref<1x200xi32, #tpu.memory_space<hbm>> -> memref<200xi32, #tpu.memory_space<hbm>>
      tpu.enqueue_dma source(%dma_start3A_298 : memref<200xi32, #tpu.memory_space<hbm>>) target(%dma_start3A_295 : memref<200xi32, #tpu.memory_space<vmem>>) target_semaphore(%run_scoped3A : memref<!tpu.dma_semaphore, #tpu.memory_space<semaphore_mem>>)
      %dma_wait3A_299 = arith.constant 400 : i32
      %dma_wait3A_300 = tpu.memref_slice %arg6[%dma_wait3A_299] : memref<1600xi32, #tpu.memory_space<vmem>> -> memref<200xi32, #tpu.memory_space<vmem>>
      %dma_wait3A_301 = arith.constant 0 : i32
      %dma_wait3A_302 = tpu.memref_slice %arg2[%add3A_10, %dma_wait3A_301] : memref<16384x200xi32, #tpu.memory_space<hbm>> -> memref<1x200xi32, #tpu.memory_space<hbm>>
      %dma_wait3A_303 = tpu.memref_squeeze %dma_wait3A_302 : memref<1x200xi32, #tpu.memory_space<hbm>> -> memref<200xi32, #tpu.memory_space<hbm>>
      %dma_wait3A_304 = arith.constant 400 : i32
      %dma_wait3A_305 = tpu.memref_slice %arg6[%dma_wait3A_304] : memref<1600xi32, #tpu.memory_space<vmem>> -> memref<200xi32, #tpu.memory_space<vmem>>
      %dma_wait3A_306 = arith.constant 0 : i32
      %dma_wait3A_307 = tpu.memref_slice %arg2[%add3A_10, %dma_wait3A_306] : memref<16384x200xi32, #tpu.memory_space<hbm>> -> memref<1x200xi32, #tpu.memory_space<hbm>>
      %dma_wait3A_308 = tpu.memref_squeeze %dma_wait3A_307 : memref<1x200xi32, #tpu.memory_space<hbm>> -> memref<200xi32, #tpu.memory_space<hbm>>
      tpu.wait_dma2 semaphore(%run_scoped3A : memref<!tpu.dma_semaphore, #tpu.memory_space<semaphore_mem>>) src(%dma_wait3A_308 : memref<200xi32, #tpu.memory_space<hbm>>) dst(%dma_wait3A_305 : memref<200xi32, #tpu.memory_space<vmem>>)
      tpu.yield
    }) : () -> ()
    %add3A_11 = arith.constant 3 : i32
    %add3A_12 = arith.addi %add3A_4, %add3A_11 : i32
    "tpu.region"() ({
      %run_scoped3A = tpu.sem_alloc : memref<!tpu.dma_semaphore, #tpu.memory_space<semaphore_mem>>
      %dma_start3A_289 = arith.constant 600 : i32
      %dma_start3A_290 = tpu.memref_slice %arg6[%dma_start3A_289] : memref<1600xi32, #tpu.memory_space<vmem>> -> memref<200xi32, #tpu.memory_space<vmem>>
      %dma_start3A_291 = arith.constant 0 : i32
      %dma_start3A_292 = tpu.memref_slice %arg2[%add3A_12, %dma_start3A_291] : memref<16384x200xi32, #tpu.memory_space<hbm>> -> memref<1x200xi32, #tpu.memory_space<hbm>>
      %dma_start3A_293 = tpu.memref_squeeze %dma_start3A_292 : memref<1x200xi32, #tpu.memory_space<hbm>> -> memref<200xi32, #tpu.memory_space<hbm>>
      %dma_start3A_294 = arith.constant 600 : i32
      %dma_start3A_295 = tpu.memref_slice %arg6[%dma_start3A_294] : memref<1600xi32, #tpu.memory_space<vmem>> -> memref<200xi32, #tpu.memory_space<vmem>>
      %dma_start3A_296 = arith.constant 0 : i32
      %dma_start3A_297 = tpu.memref_slice %arg2[%add3A_12, %dma_start3A_296] : memref<16384x200xi32, #tpu.memory_space<hbm>> -> memref<1x200xi32, #tpu.memory_space<hbm>>
      %dma_start3A_298 = tpu.memref_squeeze %dma_start3A_297 : memref<1x200xi32, #tpu.memory_space<hbm>> -> memref<200xi32, #tpu.memory_space<hbm>>
      tpu.enqueue_dma source(%dma_start3A_298 : memref<200xi32, #tpu.memory_space<hbm>>) target(%dma_start3A_295 : memref<200xi32, #tpu.memory_space<vmem>>) target_semaphore(%run_scoped3A : memref<!tpu.dma_semaphore, #tpu.memory_space<semaphore_mem>>)
      %dma_wait3A_299 = arith.constant 600 : i32
      %dma_wait3A_300 = tpu.memref_slice %arg6[%dma_wait3A_299] : memref<1600xi32, #tpu.memory_space<vmem>> -> memref<200xi32, #tpu.memory_space<vmem>>
      %dma_wait3A_301 = arith.constant 0 : i32
      %dma_wait3A_302 = tpu.memref_slice %arg2[%add3A_12, %dma_wait3A_301] : memref<16384x200xi32, #tpu.memory_space<hbm>> -> memref<1x200xi32, #tpu.memory_space<hbm>>
      %dma_wait3A_303 = tpu.memref_squeeze %dma_wait3A_302 : memref<1x200xi32, #tpu.memory_space<hbm>> -> memref<200xi32, #tpu.memory_space<hbm>>
      %dma_wait3A_304 = arith.constant 600 : i32
      %dma_wait3A_305 = tpu.memref_slice %arg6[%dma_wait3A_304] : memref<1600xi32, #tpu.memory_space<vmem>> -> memref<200xi32, #tpu.memory_space<vmem>>
      %dma_wait3A_306 = arith.constant 0 : i32
      %dma_wait3A_307 = tpu.memref_slice %arg2[%add3A_12, %dma_wait3A_306] : memref<16384x200xi32, #tpu.memory_space<hbm>> -> memref<1x200xi32, #tpu.memory_space<hbm>>
      %dma_wait3A_308 = tpu.memref_squeeze %dma_wait3A_307 : memref<1x200xi32, #tpu.memory_space<hbm>> -> memref<200xi32, #tpu.memory_space<hbm>>
      tpu.wait_dma2 semaphore(%run_scoped3A : memref<!tpu.dma_semaphore, #tpu.memory_space<semaphore_mem>>) src(%dma_wait3A_308 : memref<200xi32, #tpu.memory_space<hbm>>) dst(%dma_wait3A_305 : memref<200xi32, #tpu.memory_space<vmem>>)
      tpu.yield
    }) : () -> ()
    %add3A_13 = arith.constant 4 : i32
    %add3A_14 = arith.addi %add3A_4, %add3A_13 : i32
    "tpu.region"() ({
      %run_scoped3A = tpu.sem_alloc : memref<!tpu.dma_semaphore, #tpu.memory_space<semaphore_mem>>
      %dma_start3A_289 = arith.constant 800 : i32
      %dma_start3A_290 = tpu.memref_slice %arg6[%dma_start3A_289] : memref<1600xi32, #tpu.memory_space<vmem>> -> memref<200xi32, #tpu.memory_space<vmem>>
      %dma_start3A_291 = arith.constant 0 : i32
      %dma_start3A_292 = tpu.memref_slice %arg2[%add3A_14, %dma_start3A_291] : memref<16384x200xi32, #tpu.memory_space<hbm>> -> memref<1x200xi32, #tpu.memory_space<hbm>>
      %dma_start3A_293 = tpu.memref_squeeze %dma_start3A_292 : memref<1x200xi32, #tpu.memory_space<hbm>> -> memref<200xi32, #tpu.memory_space<hbm>>
      %dma_start3A_294 = arith.constant 800 : i32
      %dma_start3A_295 = tpu.memref_slice %arg6[%dma_start3A_294] : memref<1600xi32, #tpu.memory_space<vmem>> -> memref<200xi32, #tpu.memory_space<vmem>>
      %dma_start3A_296 = arith.constant 0 : i32
      %dma_start3A_297 = tpu.memref_slice %arg2[%add3A_14, %dma_start3A_296] : memref<16384x200xi32, #tpu.memory_space<hbm>> -> memref<1x200xi32, #tpu.memory_space<hbm>>
      %dma_start3A_298 = tpu.memref_squeeze %dma_start3A_297 : memref<1x200xi32, #tpu.memory_space<hbm>> -> memref<200xi32, #tpu.memory_space<hbm>>
      tpu.enqueue_dma source(%dma_start3A_298 : memref<200xi32, #tpu.memory_space<hbm>>) target(%dma_start3A_295 : memref<200xi32, #tpu.memory_space<vmem>>) target_semaphore(%run_scoped3A : memref<!tpu.dma_semaphore, #tpu.memory_space<semaphore_mem>>)
      %dma_wait3A_299 = arith.constant 800 : i32
      %dma_wait3A_300 = tpu.memref_slice %arg6[%dma_wait3A_299] : memref<1600xi32, #tpu.memory_space<vmem>> -> memref<200xi32, #tpu.memory_space<vmem>>
      %dma_wait3A_301 = arith.constant 0 : i32
      %dma_wait3A_302 = tpu.memref_slice %arg2[%add3A_14, %dma_wait3A_301] : memref<16384x200xi32, #tpu.memory_space<hbm>> -> memref<1x200xi32, #tpu.memory_space<hbm>>
      %dma_wait3A_303 = tpu.memref_squeeze %dma_wait3A_302 : memref<1x200xi32, #tpu.memory_space<hbm>> -> memref<200xi32, #tpu.memory_space<hbm>>
      %dma_wait3A_304 = arith.constant 800 : i32
      %dma_wait3A_305 = tpu.memref_slice %arg6[%dma_wait3A_304] : memref<1600xi32, #tpu.memory_space<vmem>> -> memref<200xi32, #tpu.memory_space<vmem>>
      %dma_wait3A_306 = arith.constant 0 : i32
      %dma_wait3A_307 = tpu.memref_slice %arg2[%add3A_14, %dma_wait3A_306] : memref<16384x200xi32, #tpu.memory_space<hbm>> -> memref<1x200xi32, #tpu.memory_space<hbm>>
      %dma_wait3A_308 = tpu.memref_squeeze %dma_wait3A_307 : memref<1x200xi32, #tpu.memory_space<hbm>> -> memref<200xi32, #tpu.memory_space<hbm>>
      tpu.wait_dma2 semaphore(%run_scoped3A : memref<!tpu.dma_semaphore, #tpu.memory_space<semaphore_mem>>) src(%dma_wait3A_308 : memref<200xi32, #tpu.memory_space<hbm>>) dst(%dma_wait3A_305 : memref<200xi32, #tpu.memory_space<vmem>>)
      tpu.yield
    }) : () -> ()
    %add3A_15 = arith.constant 5 : i32
    %add3A_16 = arith.addi %add3A_4, %add3A_15 : i32
    "tpu.region"() ({
      %run_scoped3A = tpu.sem_alloc : memref<!tpu.dma_semaphore, #tpu.memory_space<semaphore_mem>>
      %dma_start3A_289 = arith.constant 1000 : i32
      %dma_start3A_290 = tpu.memref_slice %arg6[%dma_start3A_289] : memref<1600xi32, #tpu.memory_space<vmem>> -> memref<200xi32, #tpu.memory_space<vmem>>
      %dma_start3A_291 = arith.constant 0 : i32
      %dma_start3A_292 = tpu.memref_slice %arg2[%add3A_16, %dma_start3A_291] : memref<16384x200xi32, #tpu.memory_space<hbm>> -> memref<1x200xi32, #tpu.memory_space<hbm>>
      %dma_start3A_293 = tpu.memref_squeeze %dma_start3A_292 : memref<1x200xi32, #tpu.memory_space<hbm>> -> memref<200xi32, #tpu.memory_space<hbm>>
      %dma_start3A_294 = arith.constant 1000 : i32
      %dma_start3A_295 = tpu.memref_slice %arg6[%dma_start3A_294] : memref<1600xi32, #tpu.memory_space<vmem>> -> memref<200xi32, #tpu.memory_space<vmem>>
      %dma_start3A_296 = arith.constant 0 : i32
      %dma_start3A_297 = tpu.memref_slice %arg2[%add3A_16, %dma_start3A_296] : memref<16384x200xi32, #tpu.memory_space<hbm>> -> memref<1x200xi32, #tpu.memory_space<hbm>>
      %dma_start3A_298 = tpu.memref_squeeze %dma_start3A_297 : memref<1x200xi32, #tpu.memory_space<hbm>> -> memref<200xi32, #tpu.memory_space<hbm>>
      tpu.enqueue_dma source(%dma_start3A_298 : memref<200xi32, #tpu.memory_space<hbm>>) target(%dma_start3A_295 : memref<200xi32, #tpu.memory_space<vmem>>) target_semaphore(%run_scoped3A : memref<!tpu.dma_semaphore, #tpu.memory_space<semaphore_mem>>)
      %dma_wait3A_299 = arith.constant 1000 : i32
      %dma_wait3A_300 = tpu.memref_slice %arg6[%dma_wait3A_299] : memref<1600xi32, #tpu.memory_space<vmem>> -> memref<200xi32, #tpu.memory_space<vmem>>
      %dma_wait3A_301 = arith.constant 0 : i32
      %dma_wait3A_302 = tpu.memref_slice %arg2[%add3A_16, %dma_wait3A_301] : memref<16384x200xi32, #tpu.memory_space<hbm>> -> memref<1x200xi32, #tpu.memory_space<hbm>>
      %dma_wait3A_303 = tpu.memref_squeeze %dma_wait3A_302 : memref<1x200xi32, #tpu.memory_space<hbm>> -> memref<200xi32, #tpu.memory_space<hbm>>
      %dma_wait3A_304 = arith.constant 1000 : i32
      %dma_wait3A_305 = tpu.memref_slice %arg6[%dma_wait3A_304] : memref<1600xi32, #tpu.memory_space<vmem>> -> memref<200xi32, #tpu.memory_space<vmem>>
      %dma_wait3A_306 = arith.constant 0 : i32
      %dma_wait3A_307 = tpu.memref_slice %arg2[%add3A_16, %dma_wait3A_306] : memref<16384x200xi32, #tpu.memory_space<hbm>> -> memref<1x200xi32, #tpu.memory_space<hbm>>
      %dma_wait3A_308 = tpu.memref_squeeze %dma_wait3A_307 : memref<1x200xi32, #tpu.memory_space<hbm>> -> memref<200xi32, #tpu.memory_space<hbm>>
      tpu.wait_dma2 semaphore(%run_scoped3A : memref<!tpu.dma_semaphore, #tpu.memory_space<semaphore_mem>>) src(%dma_wait3A_308 : memref<200xi32, #tpu.memory_space<hbm>>) dst(%dma_wait3A_305 : memref<200xi32, #tpu.memory_space<vmem>>)
      tpu.yield
    }) : () -> ()
    %add3A_17 = arith.constant 6 : i32
    %add3A_18 = arith.addi %add3A_4, %add3A_17 : i32
    "tpu.region"() ({
      %run_scoped3A = tpu.sem_alloc : memref<!tpu.dma_semaphore, #tpu.memory_space<semaphore_mem>>
      %dma_start3A_289 = arith.constant 1200 : i32
      %dma_start3A_290 = tpu.memref_slice %arg6[%dma_start3A_289] : memref<1600xi32, #tpu.memory_space<vmem>> -> memref<200xi32, #tpu.memory_space<vmem>>
      %dma_start3A_291 = arith.constant 0 : i32
      %dma_start3A_292 = tpu.memref_slice %arg2[%add3A_18, %dma_start3A_291] : memref<16384x200xi32, #tpu.memory_space<hbm>> -> memref<1x200xi32, #tpu.memory_space<hbm>>
      %dma_start3A_293 = tpu.memref_squeeze %dma_start3A_292 : memref<1x200xi32, #tpu.memory_space<hbm>> -> memref<200xi32, #tpu.memory_space<hbm>>
      %dma_start3A_294 = arith.constant 1200 : i32
      %dma_start3A_295 = tpu.memref_slice %arg6[%dma_start3A_294] : memref<1600xi32, #tpu.memory_space<vmem>> -> memref<200xi32, #tpu.memory_space<vmem>>
      %dma_start3A_296 = arith.constant 0 : i32
      %dma_start3A_297 = tpu.memref_slice %arg2[%add3A_18, %dma_start3A_296] : memref<16384x200xi32, #tpu.memory_space<hbm>> -> memref<1x200xi32, #tpu.memory_space<hbm>>
      %dma_start3A_298 = tpu.memref_squeeze %dma_start3A_297 : memref<1x200xi32, #tpu.memory_space<hbm>> -> memref<200xi32, #tpu.memory_space<hbm>>
      tpu.enqueue_dma source(%dma_start3A_298 : memref<200xi32, #tpu.memory_space<hbm>>) target(%dma_start3A_295 : memref<200xi32, #tpu.memory_space<vmem>>) target_semaphore(%run_scoped3A : memref<!tpu.dma_semaphore, #tpu.memory_space<semaphore_mem>>)
      %dma_wait3A_299 = arith.constant 1200 : i32
      %dma_wait3A_300 = tpu.memref_slice %arg6[%dma_wait3A_299] : memref<1600xi32, #tpu.memory_space<vmem>> -> memref<200xi32, #tpu.memory_space<vmem>>
      %dma_wait3A_301 = arith.constant 0 : i32
      %dma_wait3A_302 = tpu.memref_slice %arg2[%add3A_18, %dma_wait3A_301] : memref<16384x200xi32, #tpu.memory_space<hbm>> -> memref<1x200xi32, #tpu.memory_space<hbm>>
      %dma_wait3A_303 = tpu.memref_squeeze %dma_wait3A_302 : memref<1x200xi32, #tpu.memory_space<hbm>> -> memref<200xi32, #tpu.memory_space<hbm>>
      %dma_wait3A_304 = arith.constant 1200 : i32
      %dma_wait3A_305 = tpu.memref_slice %arg6[%dma_wait3A_304] : memref<1600xi32, #tpu.memory_space<vmem>> -> memref<200xi32, #tpu.memory_space<vmem>>
      %dma_wait3A_306 = arith.constant 0 : i32
      %dma_wait3A_307 = tpu.memref_slice %arg2[%add3A_18, %dma_wait3A_306] : memref<16384x200xi32, #tpu.memory_space<hbm>> -> memref<1x200xi32, #tpu.memory_space<hbm>>
      %dma_wait3A_308 = tpu.memref_squeeze %dma_wait3A_307 : memref<1x200xi32, #tpu.memory_space<hbm>> -> memref<200xi32, #tpu.memory_space<hbm>>
      tpu.wait_dma2 semaphore(%run_scoped3A : memref<!tpu.dma_semaphore, #tpu.memory_space<semaphore_mem>>) src(%dma_wait3A_308 : memref<200xi32, #tpu.memory_space<hbm>>) dst(%dma_wait3A_305 : memref<200xi32, #tpu.memory_space<vmem>>)
      tpu.yield
    }) : () -> ()
    %add3A_19 = arith.constant 7 : i32
    %add3A_20 = arith.addi %add3A_4, %add3A_19 : i32
    "tpu.region"() ({
      %run_scoped3A = tpu.sem_alloc : memref<!tpu.dma_semaphore, #tpu.memory_space<semaphore_mem>>
      %dma_start3A_289 = arith.constant 1400 : i32
      %dma_start3A_290 = tpu.memref_slice %arg6[%dma_start3A_289] : memref<1600xi32, #tpu.memory_space<vmem>> -> memref<200xi32, #tpu.memory_space<vmem>>
      %dma_start3A_291 = arith.constant 0 : i32
      %dma_start3A_292 = tpu.memref_slice %arg2[%add3A_20, %dma_start3A_291] : memref<16384x200xi32, #tpu.memory_space<hbm>> -> memref<1x200xi32, #tpu.memory_space<hbm>>
      %dma_start3A_293 = tpu.memref_squeeze %dma_start3A_292 : memref<1x200xi32, #tpu.memory_space<hbm>> -> memref<200xi32, #tpu.memory_space<hbm>>
      %dma_start3A_294 = arith.constant 1400 : i32
      %dma_start3A_295 = tpu.memref_slice %arg6[%dma_start3A_294] : memref<1600xi32, #tpu.memory_space<vmem>> -> memref<200xi32, #tpu.memory_space<vmem>>
      %dma_start3A_296 = arith.constant 0 : i32
      %dma_start3A_297 = tpu.memref_slice %arg2[%add3A_20, %dma_start3A_296] : memref<16384x200xi32, #tpu.memory_space<hbm>> -> memref<1x200xi32, #tpu.memory_space<hbm>>
      %dma_start3A_298 = tpu.memref_squeeze %dma_start3A_297 : memref<1x200xi32, #tpu.memory_space<hbm>> -> memref<200xi32, #tpu.memory_space<hbm>>
      tpu.enqueue_dma source(%dma_start3A_298 : memref<200xi32, #tpu.memory_space<hbm>>) target(%dma_start3A_295 : memref<200xi32, #tpu.memory_space<vmem>>) target_semaphore(%run_scoped3A : memref<!tpu.dma_semaphore, #tpu.memory_space<semaphore_mem>>)
      %dma_wait3A_299 = arith.constant 1400 : i32
      %dma_wait3A_300 = tpu.memref_slice %arg6[%dma_wait3A_299] : memref<1600xi32, #tpu.memory_space<vmem>> -> memref<200xi32, #tpu.memory_space<vmem>>
      %dma_wait3A_301 = arith.constant 0 : i32
      %dma_wait3A_302 = tpu.memref_slice %arg2[%add3A_20, %dma_wait3A_301] : memref<16384x200xi32, #tpu.memory_space<hbm>> -> memref<1x200xi32, #tpu.memory_space<hbm>>
      %dma_wait3A_303 = tpu.memref_squeeze %dma_wait3A_302 : memref<1x200xi32, #tpu.memory_space<hbm>> -> memref<200xi32, #tpu.memory_space<hbm>>
      %dma_wait3A_304 = arith.constant 1400 : i32
      %dma_wait3A_305 = tpu.memref_slice %arg6[%dma_wait3A_304] : memref<1600xi32, #tpu.memory_space<vmem>> -> memref<200xi32, #tpu.memory_space<vmem>>
      %dma_wait3A_306 = arith.constant 0 : i32
      %dma_wait3A_307 = tpu.memref_slice %arg2[%add3A_20, %dma_wait3A_306] : memref<16384x200xi32, #tpu.memory_space<hbm>> -> memref<1x200xi32, #tpu.memory_space<hbm>>
      %dma_wait3A_308 = tpu.memref_squeeze %dma_wait3A_307 : memref<1x200xi32, #tpu.memory_space<hbm>> -> memref<200xi32, #tpu.memory_space<hbm>>
      tpu.wait_dma2 semaphore(%run_scoped3A : memref<!tpu.dma_semaphore, #tpu.memory_space<semaphore_mem>>) src(%dma_wait3A_308 : memref<200xi32, #tpu.memory_space<hbm>>) dst(%dma_wait3A_305 : memref<200xi32, #tpu.memory_space<vmem>>)
      tpu.yield
    }) : () -> ()
    %dma_start3A = arith.constant 0 : i32
    %dma_start3A_21 = arith.constant 0 : i32
    %dma_start3A_22 = tpu.memref_slice %arg3[%dma_start3A, %dma_start3A_21] : memref<1000000x32xf32, #tpu.memory_space<hbm>> -> memref<1000000x32xf32, #tpu.memory_space<hbm>>
    tpu.enqueue_indirect_dma source(%dma_start3A_22 : memref<1000000x32xf32, #tpu.memory_space<hbm>>) target(%arg8 : memref<1600x32xf32, #tpu.memory_space<vmem>>) offsets(%arg6 : memref<1600xi32, #tpu.memory_space<vmem>>) semaphore(%arg11 : memref<!tpu.dma_semaphore, #tpu.memory_space<semaphore_mem>>)
    %add3A_23 = arith.constant 8 : i32
    %add3A_24 = arith.addi %mul3A_2, %add3A_23 : i32
    %add3A_25 = arith.constant 0 : i32
    %add3A_26 = arith.addi %add3A_24, %add3A_25 : i32
    "tpu.region"() ({
      %run_scoped3A = tpu.sem_alloc : memref<!tpu.dma_semaphore, #tpu.memory_space<semaphore_mem>>
      %dma_start3A_289 = arith.constant 0 : i32
      %dma_start3A_290 = tpu.memref_slice %arg7[%dma_start3A_289] : memref<1600xi32, #tpu.memory_space<vmem>> -> memref<200xi32, #tpu.memory_space<vmem>>
      %dma_start3A_291 = arith.constant 0 : i32
      %dma_start3A_292 = tpu.memref_slice %arg2[%add3A_26, %dma_start3A_291] : memref<16384x200xi32, #tpu.memory_space<hbm>> -> memref<1x200xi32, #tpu.memory_space<hbm>>
      %dma_start3A_293 = tpu.memref_squeeze %dma_start3A_292 : memref<1x200xi32, #tpu.memory_space<hbm>> -> memref<200xi32, #tpu.memory_space<hbm>>
      %dma_start3A_294 = arith.constant 0 : i32
      %dma_start3A_295 = tpu.memref_slice %arg7[%dma_start3A_294] : memref<1600xi32, #tpu.memory_space<vmem>> -> memref<200xi32, #tpu.memory_space<vmem>>
      %dma_start3A_296 = arith.constant 0 : i32
      %dma_start3A_297 = tpu.memref_slice %arg2[%add3A_26, %dma_start3A_296] : memref<16384x200xi32, #tpu.memory_space<hbm>> -> memref<1x200xi32, #tpu.memory_space<hbm>>
      %dma_start3A_298 = tpu.memref_squeeze %dma_start3A_297 : memref<1x200xi32, #tpu.memory_space<hbm>> -> memref<200xi32, #tpu.memory_space<hbm>>
      tpu.enqueue_dma source(%dma_start3A_298 : memref<200xi32, #tpu.memory_space<hbm>>) target(%dma_start3A_295 : memref<200xi32, #tpu.memory_space<vmem>>) target_semaphore(%run_scoped3A : memref<!tpu.dma_semaphore, #tpu.memory_space<semaphore_mem>>)
      %dma_wait3A_299 = arith.constant 0 : i32
      %dma_wait3A_300 = tpu.memref_slice %arg7[%dma_wait3A_299] : memref<1600xi32, #tpu.memory_space<vmem>> -> memref<200xi32, #tpu.memory_space<vmem>>
      %dma_wait3A_301 = arith.constant 0 : i32
      %dma_wait3A_302 = tpu.memref_slice %arg2[%add3A_26, %dma_wait3A_301] : memref<16384x200xi32, #tpu.memory_space<hbm>> -> memref<1x200xi32, #tpu.memory_space<hbm>>
      %dma_wait3A_303 = tpu.memref_squeeze %dma_wait3A_302 : memref<1x200xi32, #tpu.memory_space<hbm>> -> memref<200xi32, #tpu.memory_space<hbm>>
      %dma_wait3A_304 = arith.constant 0 : i32
      %dma_wait3A_305 = tpu.memref_slice %arg7[%dma_wait3A_304] : memref<1600xi32, #tpu.memory_space<vmem>> -> memref<200xi32, #tpu.memory_space<vmem>>
      %dma_wait3A_306 = arith.constant 0 : i32
      %dma_wait3A_307 = tpu.memref_slice %arg2[%add3A_26, %dma_wait3A_306] : memref<16384x200xi32, #tpu.memory_space<hbm>> -> memref<1x200xi32, #tpu.memory_space<hbm>>
      %dma_wait3A_308 = tpu.memref_squeeze %dma_wait3A_307 : memref<1x200xi32, #tpu.memory_space<hbm>> -> memref<200xi32, #tpu.memory_space<hbm>>
      tpu.wait_dma2 semaphore(%run_scoped3A : memref<!tpu.dma_semaphore, #tpu.memory_space<semaphore_mem>>) src(%dma_wait3A_308 : memref<200xi32, #tpu.memory_space<hbm>>) dst(%dma_wait3A_305 : memref<200xi32, #tpu.memory_space<vmem>>)
      tpu.yield
    }) : () -> ()
    %add3A_27 = arith.constant 1 : i32
    %add3A_28 = arith.addi %add3A_24, %add3A_27 : i32
    "tpu.region"() ({
      %run_scoped3A = tpu.sem_alloc : memref<!tpu.dma_semaphore, #tpu.memory_space<semaphore_mem>>
      %dma_start3A_289 = arith.constant 200 : i32
      %dma_start3A_290 = tpu.memref_slice %arg7[%dma_start3A_289] : memref<1600xi32, #tpu.memory_space<vmem>> -> memref<200xi32, #tpu.memory_space<vmem>>
      %dma_start3A_291 = arith.constant 0 : i32
      %dma_start3A_292 = tpu.memref_slice %arg2[%add3A_28, %dma_start3A_291] : memref<16384x200xi32, #tpu.memory_space<hbm>> -> memref<1x200xi32, #tpu.memory_space<hbm>>
      %dma_start3A_293 = tpu.memref_squeeze %dma_start3A_292 : memref<1x200xi32, #tpu.memory_space<hbm>> -> memref<200xi32, #tpu.memory_space<hbm>>
      %dma_start3A_294 = arith.constant 200 : i32
      %dma_start3A_295 = tpu.memref_slice %arg7[%dma_start3A_294] : memref<1600xi32, #tpu.memory_space<vmem>> -> memref<200xi32, #tpu.memory_space<vmem>>
      %dma_start3A_296 = arith.constant 0 : i32
      %dma_start3A_297 = tpu.memref_slice %arg2[%add3A_28, %dma_start3A_296] : memref<16384x200xi32, #tpu.memory_space<hbm>> -> memref<1x200xi32, #tpu.memory_space<hbm>>
      %dma_start3A_298 = tpu.memref_squeeze %dma_start3A_297 : memref<1x200xi32, #tpu.memory_space<hbm>> -> memref<200xi32, #tpu.memory_space<hbm>>
      tpu.enqueue_dma source(%dma_start3A_298 : memref<200xi32, #tpu.memory_space<hbm>>) target(%dma_start3A_295 : memref<200xi32, #tpu.memory_space<vmem>>) target_semaphore(%run_scoped3A : memref<!tpu.dma_semaphore, #tpu.memory_space<semaphore_mem>>)
      %dma_wait3A_299 = arith.constant 200 : i32
      %dma_wait3A_300 = tpu.memref_slice %arg7[%dma_wait3A_299] : memref<1600xi32, #tpu.memory_space<vmem>> -> memref<200xi32, #tpu.memory_space<vmem>>
      %dma_wait3A_301 = arith.constant 0 : i32
      %dma_wait3A_302 = tpu.memref_slice %arg2[%add3A_28, %dma_wait3A_301] : memref<16384x200xi32, #tpu.memory_space<hbm>> -> memref<1x200xi32, #tpu.memory_space<hbm>>
      %dma_wait3A_303 = tpu.memref_squeeze %dma_wait3A_302 : memref<1x200xi32, #tpu.memory_space<hbm>> -> memref<200xi32, #tpu.memory_space<hbm>>
      %dma_wait3A_304 = arith.constant 200 : i32
      %dma_wait3A_305 = tpu.memref_slice %arg7[%dma_wait3A_304] : memref<1600xi32, #tpu.memory_space<vmem>> -> memref<200xi32, #tpu.memory_space<vmem>>
      %dma_wait3A_306 = arith.constant 0 : i32
      %dma_wait3A_307 = tpu.memref_slice %arg2[%add3A_28, %dma_wait3A_306] : memref<16384x200xi32, #tpu.memory_space<hbm>> -> memref<1x200xi32, #tpu.memory_space<hbm>>
      %dma_wait3A_308 = tpu.memref_squeeze %dma_wait3A_307 : memref<1x200xi32, #tpu.memory_space<hbm>> -> memref<200xi32, #tpu.memory_space<hbm>>
      tpu.wait_dma2 semaphore(%run_scoped3A : memref<!tpu.dma_semaphore, #tpu.memory_space<semaphore_mem>>) src(%dma_wait3A_308 : memref<200xi32, #tpu.memory_space<hbm>>) dst(%dma_wait3A_305 : memref<200xi32, #tpu.memory_space<vmem>>)
      tpu.yield
    }) : () -> ()
    %add3A_29 = arith.constant 2 : i32
    %add3A_30 = arith.addi %add3A_24, %add3A_29 : i32
    "tpu.region"() ({
      %run_scoped3A = tpu.sem_alloc : memref<!tpu.dma_semaphore, #tpu.memory_space<semaphore_mem>>
      %dma_start3A_289 = arith.constant 400 : i32
      %dma_start3A_290 = tpu.memref_slice %arg7[%dma_start3A_289] : memref<1600xi32, #tpu.memory_space<vmem>> -> memref<200xi32, #tpu.memory_space<vmem>>
      %dma_start3A_291 = arith.constant 0 : i32
      %dma_start3A_292 = tpu.memref_slice %arg2[%add3A_30, %dma_start3A_291] : memref<16384x200xi32, #tpu.memory_space<hbm>> -> memref<1x200xi32, #tpu.memory_space<hbm>>
      %dma_start3A_293 = tpu.memref_squeeze %dma_start3A_292 : memref<1x200xi32, #tpu.memory_space<hbm>> -> memref<200xi32, #tpu.memory_space<hbm>>
      %dma_start3A_294 = arith.constant 400 : i32
      %dma_start3A_295 = tpu.memref_slice %arg7[%dma_start3A_294] : memref<1600xi32, #tpu.memory_space<vmem>> -> memref<200xi32, #tpu.memory_space<vmem>>
      %dma_start3A_296 = arith.constant 0 : i32
      %dma_start3A_297 = tpu.memref_slice %arg2[%add3A_30, %dma_start3A_296] : memref<16384x200xi32, #tpu.memory_space<hbm>> -> memref<1x200xi32, #tpu.memory_space<hbm>>
      %dma_start3A_298 = tpu.memref_squeeze %dma_start3A_297 : memref<1x200xi32, #tpu.memory_space<hbm>> -> memref<200xi32, #tpu.memory_space<hbm>>
      tpu.enqueue_dma source(%dma_start3A_298 : memref<200xi32, #tpu.memory_space<hbm>>) target(%dma_start3A_295 : memref<200xi32, #tpu.memory_space<vmem>>) target_semaphore(%run_scoped3A : memref<!tpu.dma_semaphore, #tpu.memory_space<semaphore_mem>>)
      %dma_wait3A_299 = arith.constant 400 : i32
      %dma_wait3A_300 = tpu.memref_slice %arg7[%dma_wait3A_299] : memref<1600xi32, #tpu.memory_space<vmem>> -> memref<200xi32, #tpu.memory_space<vmem>>
      %dma_wait3A_301 = arith.constant 0 : i32
      %dma_wait3A_302 = tpu.memref_slice %arg2[%add3A_30, %dma_wait3A_301] : memref<16384x200xi32, #tpu.memory_space<hbm>> -> memref<1x200xi32, #tpu.memory_space<hbm>>
      %dma_wait3A_303 = tpu.memref_squeeze %dma_wait3A_302 : memref<1x200xi32, #tpu.memory_space<hbm>> -> memref<200xi32, #tpu.memory_space<hbm>>
      %dma_wait3A_304 = arith.constant 400 : i32
      %dma_wait3A_305 = tpu.memref_slice %arg7[%dma_wait3A_304] : memref<1600xi32, #tpu.memory_space<vmem>> -> memref<200xi32, #tpu.memory_space<vmem>>
      %dma_wait3A_306 = arith.constant 0 : i32
      %dma_wait3A_307 = tpu.memref_slice %arg2[%add3A_30, %dma_wait3A_306] : memref<16384x200xi32, #tpu.memory_space<hbm>> -> memref<1x200xi32, #tpu.memory_space<hbm>>
      %dma_wait3A_308 = tpu.memref_squeeze %dma_wait3A_307 : memref<1x200xi32, #tpu.memory_space<hbm>> -> memref<200xi32, #tpu.memory_space<hbm>>
      tpu.wait_dma2 semaphore(%run_scoped3A : memref<!tpu.dma_semaphore, #tpu.memory_space<semaphore_mem>>) src(%dma_wait3A_308 : memref<200xi32, #tpu.memory_space<hbm>>) dst(%dma_wait3A_305 : memref<200xi32, #tpu.memory_space<vmem>>)
      tpu.yield
    }) : () -> ()
    %add3A_31 = arith.constant 3 : i32
    %add3A_32 = arith.addi %add3A_24, %add3A_31 : i32
    "tpu.region"() ({
      %run_scoped3A = tpu.sem_alloc : memref<!tpu.dma_semaphore, #tpu.memory_space<semaphore_mem>>
      %dma_start3A_289 = arith.constant 600 : i32
      %dma_start3A_290 = tpu.memref_slice %arg7[%dma_start3A_289] : memref<1600xi32, #tpu.memory_space<vmem>> -> memref<200xi32, #tpu.memory_space<vmem>>
      %dma_start3A_291 = arith.constant 0 : i32
      %dma_start3A_292 = tpu.memref_slice %arg2[%add3A_32, %dma_start3A_291] : memref<16384x200xi32, #tpu.memory_space<hbm>> -> memref<1x200xi32, #tpu.memory_space<hbm>>
      %dma_start3A_293 = tpu.memref_squeeze %dma_start3A_292 : memref<1x200xi32, #tpu.memory_space<hbm>> -> memref<200xi32, #tpu.memory_space<hbm>>
      %dma_start3A_294 = arith.constant 600 : i32
      %dma_start3A_295 = tpu.memref_slice %arg7[%dma_start3A_294] : memref<1600xi32, #tpu.memory_space<vmem>> -> memref<200xi32, #tpu.memory_space<vmem>>
      %dma_start3A_296 = arith.constant 0 : i32
      %dma_start3A_297 = tpu.memref_slice %arg2[%add3A_32, %dma_start3A_296] : memref<16384x200xi32, #tpu.memory_space<hbm>> -> memref<1x200xi32, #tpu.memory_space<hbm>>
      %dma_start3A_298 = tpu.memref_squeeze %dma_start3A_297 : memref<1x200xi32, #tpu.memory_space<hbm>> -> memref<200xi32, #tpu.memory_space<hbm>>
      tpu.enqueue_dma source(%dma_start3A_298 : memref<200xi32, #tpu.memory_space<hbm>>) target(%dma_start3A_295 : memref<200xi32, #tpu.memory_space<vmem>>) target_semaphore(%run_scoped3A : memref<!tpu.dma_semaphore, #tpu.memory_space<semaphore_mem>>)
      %dma_wait3A_299 = arith.constant 600 : i32
      %dma_wait3A_300 = tpu.memref_slice %arg7[%dma_wait3A_299] : memref<1600xi32, #tpu.memory_space<vmem>> -> memref<200xi32, #tpu.memory_space<vmem>>
      %dma_wait3A_301 = arith.constant 0 : i32
      %dma_wait3A_302 = tpu.memref_slice %arg2[%add3A_32, %dma_wait3A_301] : memref<16384x200xi32, #tpu.memory_space<hbm>> -> memref<1x200xi32, #tpu.memory_space<hbm>>
      %dma_wait3A_303 = tpu.memref_squeeze %dma_wait3A_302 : memref<1x200xi32, #tpu.memory_space<hbm>> -> memref<200xi32, #tpu.memory_space<hbm>>
      %dma_wait3A_304 = arith.constant 600 : i32
      %dma_wait3A_305 = tpu.memref_slice %arg7[%dma_wait3A_304] : memref<1600xi32, #tpu.memory_space<vmem>> -> memref<200xi32, #tpu.memory_space<vmem>>
      %dma_wait3A_306 = arith.constant 0 : i32
      %dma_wait3A_307 = tpu.memref_slice %arg2[%add3A_32, %dma_wait3A_306] : memref<16384x200xi32, #tpu.memory_space<hbm>> -> memref<1x200xi32, #tpu.memory_space<hbm>>
      %dma_wait3A_308 = tpu.memref_squeeze %dma_wait3A_307 : memref<1x200xi32, #tpu.memory_space<hbm>> -> memref<200xi32, #tpu.memory_space<hbm>>
      tpu.wait_dma2 semaphore(%run_scoped3A : memref<!tpu.dma_semaphore, #tpu.memory_space<semaphore_mem>>) src(%dma_wait3A_308 : memref<200xi32, #tpu.memory_space<hbm>>) dst(%dma_wait3A_305 : memref<200xi32, #tpu.memory_space<vmem>>)
      tpu.yield
    }) : () -> ()
    %add3A_33 = arith.constant 4 : i32
    %add3A_34 = arith.addi %add3A_24, %add3A_33 : i32
    "tpu.region"() ({
      %run_scoped3A = tpu.sem_alloc : memref<!tpu.dma_semaphore, #tpu.memory_space<semaphore_mem>>
      %dma_start3A_289 = arith.constant 800 : i32
      %dma_start3A_290 = tpu.memref_slice %arg7[%dma_start3A_289] : memref<1600xi32, #tpu.memory_space<vmem>> -> memref<200xi32, #tpu.memory_space<vmem>>
      %dma_start3A_291 = arith.constant 0 : i32
      %dma_start3A_292 = tpu.memref_slice %arg2[%add3A_34, %dma_start3A_291] : memref<16384x200xi32, #tpu.memory_space<hbm>> -> memref<1x200xi32, #tpu.memory_space<hbm>>
      %dma_start3A_293 = tpu.memref_squeeze %dma_start3A_292 : memref<1x200xi32, #tpu.memory_space<hbm>> -> memref<200xi32, #tpu.memory_space<hbm>>
      %dma_start3A_294 = arith.constant 800 : i32
      %dma_start3A_295 = tpu.memref_slice %arg7[%dma_start3A_294] : memref<1600xi32, #tpu.memory_space<vmem>> -> memref<200xi32, #tpu.memory_space<vmem>>
      %dma_start3A_296 = arith.constant 0 : i32
      %dma_start3A_297 = tpu.memref_slice %arg2[%add3A_34, %dma_start3A_296] : memref<16384x200xi32, #tpu.memory_space<hbm>> -> memref<1x200xi32, #tpu.memory_space<hbm>>
      %dma_start3A_298 = tpu.memref_squeeze %dma_start3A_297 : memref<1x200xi32, #tpu.memory_space<hbm>> -> memref<200xi32, #tpu.memory_space<hbm>>
      tpu.enqueue_dma source(%dma_start3A_298 : memref<200xi32, #tpu.memory_space<hbm>>) target(%dma_start3A_295 : memref<200xi32, #tpu.memory_space<vmem>>) target_semaphore(%run_scoped3A : memref<!tpu.dma_semaphore, #tpu.memory_space<semaphore_mem>>)
      %dma_wait3A_299 = arith.constant 800 : i32
      %dma_wait3A_300 = tpu.memref_slice %arg7[%dma_wait3A_299] : memref<1600xi32, #tpu.memory_space<vmem>> -> memref<200xi32, #tpu.memory_space<vmem>>
      %dma_wait3A_301 = arith.constant 0 : i32
      %dma_wait3A_302 = tpu.memref_slice %arg2[%add3A_34, %dma_wait3A_301] : memref<16384x200xi32, #tpu.memory_space<hbm>> -> memref<1x200xi32, #tpu.memory_space<hbm>>
      %dma_wait3A_303 = tpu.memref_squeeze %dma_wait3A_302 : memref<1x200xi32, #tpu.memory_space<hbm>> -> memref<200xi32, #tpu.memory_space<hbm>>
      %dma_wait3A_304 = arith.constant 800 : i32
      %dma_wait3A_305 = tpu.memref_slice %arg7[%dma_wait3A_304] : memref<1600xi32, #tpu.memory_space<vmem>> -> memref<200xi32, #tpu.memory_space<vmem>>
      %dma_wait3A_306 = arith.constant 0 : i32
      %dma_wait3A_307 = tpu.memref_slice %arg2[%add3A_34, %dma_wait3A_306] : memref<16384x200xi32, #tpu.memory_space<hbm>> -> memref<1x200xi32, #tpu.memory_space<hbm>>
      %dma_wait3A_308 = tpu.memref_squeeze %dma_wait3A_307 : memref<1x200xi32, #tpu.memory_space<hbm>> -> memref<200xi32, #tpu.memory_space<hbm>>
      tpu.wait_dma2 semaphore(%run_scoped3A : memref<!tpu.dma_semaphore, #tpu.memory_space<semaphore_mem>>) src(%dma_wait3A_308 : memref<200xi32, #tpu.memory_space<hbm>>) dst(%dma_wait3A_305 : memref<200xi32, #tpu.memory_space<vmem>>)
      tpu.yield
    }) : () -> ()
    %add3A_35 = arith.constant 5 : i32
    %add3A_36 = arith.addi %add3A_24, %add3A_35 : i32
    "tpu.region"() ({
      %run_scoped3A = tpu.sem_alloc : memref<!tpu.dma_semaphore, #tpu.memory_space<semaphore_mem>>
      %dma_start3A_289 = arith.constant 1000 : i32
      %dma_start3A_290 = tpu.memref_slice %arg7[%dma_start3A_289] : memref<1600xi32, #tpu.memory_space<vmem>> -> memref<200xi32, #tpu.memory_space<vmem>>
      %dma_start3A_291 = arith.constant 0 : i32
      %dma_start3A_292 = tpu.memref_slice %arg2[%add3A_36, %dma_start3A_291] : memref<16384x200xi32, #tpu.memory_space<hbm>> -> memref<1x200xi32, #tpu.memory_space<hbm>>
      %dma_start3A_293 = tpu.memref_squeeze %dma_start3A_292 : memref<1x200xi32, #tpu.memory_space<hbm>> -> memref<200xi32, #tpu.memory_space<hbm>>
      %dma_start3A_294 = arith.constant 1000 : i32
      %dma_start3A_295 = tpu.memref_slice %arg7[%dma_start3A_294] : memref<1600xi32, #tpu.memory_space<vmem>> -> memref<200xi32, #tpu.memory_space<vmem>>
      %dma_start3A_296 = arith.constant 0 : i32
      %dma_start3A_297 = tpu.memref_slice %arg2[%add3A_36, %dma_start3A_296] : memref<16384x200xi32, #tpu.memory_space<hbm>> -> memref<1x200xi32, #tpu.memory_space<hbm>>
      %dma_start3A_298 = tpu.memref_squeeze %dma_start3A_297 : memref<1x200xi32, #tpu.memory_space<hbm>> -> memref<200xi32, #tpu.memory_space<hbm>>
      tpu.enqueue_dma source(%dma_start3A_298 : memref<200xi32, #tpu.memory_space<hbm>>) target(%dma_start3A_295 : memref<200xi32, #tpu.memory_space<vmem>>) target_semaphore(%run_scoped3A : memref<!tpu.dma_semaphore, #tpu.memory_space<semaphore_mem>>)
      %dma_wait3A_299 = arith.constant 1000 : i32
      %dma_wait3A_300 = tpu.memref_slice %arg7[%dma_wait3A_299] : memref<1600xi32, #tpu.memory_space<vmem>> -> memref<200xi32, #tpu.memory_space<vmem>>
      %dma_wait3A_301 = arith.constant 0 : i32
      %dma_wait3A_302 = tpu.memref_slice %arg2[%add3A_36, %dma_wait3A_301] : memref<16384x200xi32, #tpu.memory_space<hbm>> -> memref<1x200xi32, #tpu.memory_space<hbm>>
      %dma_wait3A_303 = tpu.memref_squeeze %dma_wait3A_302 : memref<1x200xi32, #tpu.memory_space<hbm>> -> memref<200xi32, #tpu.memory_space<hbm>>
      %dma_wait3A_304 = arith.constant 1000 : i32
      %dma_wait3A_305 = tpu.memref_slice %arg7[%dma_wait3A_304] : memref<1600xi32, #tpu.memory_space<vmem>> -> memref<200xi32, #tpu.memory_space<vmem>>
      %dma_wait3A_306 = arith.constant 0 : i32
      %dma_wait3A_307 = tpu.memref_slice %arg2[%add3A_36, %dma_wait3A_306] : memref<16384x200xi32, #tpu.memory_space<hbm>> -> memref<1x200xi32, #tpu.memory_space<hbm>>
      %dma_wait3A_308 = tpu.memref_squeeze %dma_wait3A_307 : memref<1x200xi32, #tpu.memory_space<hbm>> -> memref<200xi32, #tpu.memory_space<hbm>>
      tpu.wait_dma2 semaphore(%run_scoped3A : memref<!tpu.dma_semaphore, #tpu.memory_space<semaphore_mem>>) src(%dma_wait3A_308 : memref<200xi32, #tpu.memory_space<hbm>>) dst(%dma_wait3A_305 : memref<200xi32, #tpu.memory_space<vmem>>)
      tpu.yield
    }) : () -> ()
    %add3A_37 = arith.constant 6 : i32
    %add3A_38 = arith.addi %add3A_24, %add3A_37 : i32
    "tpu.region"() ({
      %run_scoped3A = tpu.sem_alloc : memref<!tpu.dma_semaphore, #tpu.memory_space<semaphore_mem>>
      %dma_start3A_289 = arith.constant 1200 : i32
      %dma_start3A_290 = tpu.memref_slice %arg7[%dma_start3A_289] : memref<1600xi32, #tpu.memory_space<vmem>> -> memref<200xi32, #tpu.memory_space<vmem>>
      %dma_start3A_291 = arith.constant 0 : i32
      %dma_start3A_292 = tpu.memref_slice %arg2[%add3A_38, %dma_start3A_291] : memref<16384x200xi32, #tpu.memory_space<hbm>> -> memref<1x200xi32, #tpu.memory_space<hbm>>
      %dma_start3A_293 = tpu.memref_squeeze %dma_start3A_292 : memref<1x200xi32, #tpu.memory_space<hbm>> -> memref<200xi32, #tpu.memory_space<hbm>>
      %dma_start3A_294 = arith.constant 1200 : i32
      %dma_start3A_295 = tpu.memref_slice %arg7[%dma_start3A_294] : memref<1600xi32, #tpu.memory_space<vmem>> -> memref<200xi32, #tpu.memory_space<vmem>>
      %dma_start3A_296 = arith.constant 0 : i32
      %dma_start3A_297 = tpu.memref_slice %arg2[%add3A_38, %dma_start3A_296] : memref<16384x200xi32, #tpu.memory_space<hbm>> -> memref<1x200xi32, #tpu.memory_space<hbm>>
      %dma_start3A_298 = tpu.memref_squeeze %dma_start3A_297 : memref<1x200xi32, #tpu.memory_space<hbm>> -> memref<200xi32, #tpu.memory_space<hbm>>
      tpu.enqueue_dma source(%dma_start3A_298 : memref<200xi32, #tpu.memory_space<hbm>>) target(%dma_start3A_295 : memref<200xi32, #tpu.memory_space<vmem>>) target_semaphore(%run_scoped3A : memref<!tpu.dma_semaphore, #tpu.memory_space<semaphore_mem>>)
      %dma_wait3A_299 = arith.constant 1200 : i32
      %dma_wait3A_300 = tpu.memref_slice %arg7[%dma_wait3A_299] : memref<1600xi32, #tpu.memory_space<vmem>> -> memref<200xi32, #tpu.memory_space<vmem>>
      %dma_wait3A_301 = arith.constant 0 : i32
      %dma_wait3A_302 = tpu.memref_slice %arg2[%add3A_38, %dma_wait3A_301] : memref<16384x200xi32, #tpu.memory_space<hbm>> -> memref<1x200xi32, #tpu.memory_space<hbm>>
      %dma_wait3A_303 = tpu.memref_squeeze %dma_wait3A_302 : memref<1x200xi32, #tpu.memory_space<hbm>> -> memref<200xi32, #tpu.memory_space<hbm>>
      %dma_wait3A_304 = arith.constant 1200 : i32
      %dma_wait3A_305 = tpu.memref_slice %arg7[%dma_wait3A_304] : memref<1600xi32, #tpu.memory_space<vmem>> -> memref<200xi32, #tpu.memory_space<vmem>>
      %dma_wait3A_306 = arith.constant 0 : i32
      %dma_wait3A_307 = tpu.memref_slice %arg2[%add3A_38, %dma_wait3A_306] : memref<16384x200xi32, #tpu.memory_space<hbm>> -> memref<1x200xi32, #tpu.memory_space<hbm>>
      %dma_wait3A_308 = tpu.memref_squeeze %dma_wait3A_307 : memref<1x200xi32, #tpu.memory_space<hbm>> -> memref<200xi32, #tpu.memory_space<hbm>>
      tpu.wait_dma2 semaphore(%run_scoped3A : memref<!tpu.dma_semaphore, #tpu.memory_space<semaphore_mem>>) src(%dma_wait3A_308 : memref<200xi32, #tpu.memory_space<hbm>>) dst(%dma_wait3A_305 : memref<200xi32, #tpu.memory_space<vmem>>)
      tpu.yield
    }) : () -> ()
    %add3A_39 = arith.constant 7 : i32
    %add3A_40 = arith.addi %add3A_24, %add3A_39 : i32
    "tpu.region"() ({
      %run_scoped3A = tpu.sem_alloc : memref<!tpu.dma_semaphore, #tpu.memory_space<semaphore_mem>>
      %dma_start3A_289 = arith.constant 1400 : i32
      %dma_start3A_290 = tpu.memref_slice %arg7[%dma_start3A_289] : memref<1600xi32, #tpu.memory_space<vmem>> -> memref<200xi32, #tpu.memory_space<vmem>>
      %dma_start3A_291 = arith.constant 0 : i32
      %dma_start3A_292 = tpu.memref_slice %arg2[%add3A_40, %dma_start3A_291] : memref<16384x200xi32, #tpu.memory_space<hbm>> -> memref<1x200xi32, #tpu.memory_space<hbm>>
      %dma_start3A_293 = tpu.memref_squeeze %dma_start3A_292 : memref<1x200xi32, #tpu.memory_space<hbm>> -> memref<200xi32, #tpu.memory_space<hbm>>
      %dma_start3A_294 = arith.constant 1400 : i32
      %dma_start3A_295 = tpu.memref_slice %arg7[%dma_start3A_294] : memref<1600xi32, #tpu.memory_space<vmem>> -> memref<200xi32, #tpu.memory_space<vmem>>
      %dma_start3A_296 = arith.constant 0 : i32
      %dma_start3A_297 = tpu.memref_slice %arg2[%add3A_40, %dma_start3A_296] : memref<16384x200xi32, #tpu.memory_space<hbm>> -> memref<1x200xi32, #tpu.memory_space<hbm>>
      %dma_start3A_298 = tpu.memref_squeeze %dma_start3A_297 : memref<1x200xi32, #tpu.memory_space<hbm>> -> memref<200xi32, #tpu.memory_space<hbm>>
      tpu.enqueue_dma source(%dma_start3A_298 : memref<200xi32, #tpu.memory_space<hbm>>) target(%dma_start3A_295 : memref<200xi32, #tpu.memory_space<vmem>>) target_semaphore(%run_scoped3A : memref<!tpu.dma_semaphore, #tpu.memory_space<semaphore_mem>>)
      %dma_wait3A_299 = arith.constant 1400 : i32
      %dma_wait3A_300 = tpu.memref_slice %arg7[%dma_wait3A_299] : memref<1600xi32, #tpu.memory_space<vmem>> -> memref<200xi32, #tpu.memory_space<vmem>>
      %dma_wait3A_301 = arith.constant 0 : i32
      %dma_wait3A_302 = tpu.memref_slice %arg2[%add3A_40, %dma_wait3A_301] : memref<16384x200xi32, #tpu.memory_space<hbm>> -> memref<1x200xi32, #tpu.memory_space<hbm>>
      %dma_wait3A_303 = tpu.memref_squeeze %dma_wait3A_302 : memref<1x200xi32, #tpu.memory_space<hbm>> -> memref<200xi32, #tpu.memory_space<hbm>>
      %dma_wait3A_304 = arith.constant 1400 : i32
      %dma_wait3A_305 = tpu.memref_slice %arg7[%dma_wait3A_304] : memref<1600xi32, #tpu.memory_space<vmem>> -> memref<200xi32, #tpu.memory_space<vmem>>
      %dma_wait3A_306 = arith.constant 0 : i32
      %dma_wait3A_307 = tpu.memref_slice %arg2[%add3A_40, %dma_wait3A_306] : memref<16384x200xi32, #tpu.memory_space<hbm>> -> memref<1x200xi32, #tpu.memory_space<hbm>>
      %dma_wait3A_308 = tpu.memref_squeeze %dma_wait3A_307 : memref<1x200xi32, #tpu.memory_space<hbm>> -> memref<200xi32, #tpu.memory_space<hbm>>
      tpu.wait_dma2 semaphore(%run_scoped3A : memref<!tpu.dma_semaphore, #tpu.memory_space<semaphore_mem>>) src(%dma_wait3A_308 : memref<200xi32, #tpu.memory_space<hbm>>) dst(%dma_wait3A_305 : memref<200xi32, #tpu.memory_space<vmem>>)
      tpu.yield
    }) : () -> ()
    %dma_start3A_41 = arith.constant 0 : i32
    %dma_start3A_42 = arith.constant 0 : i32
    %dma_start3A_43 = tpu.memref_slice %arg3[%dma_start3A_41, %dma_start3A_42] : memref<1000000x32xf32, #tpu.memory_space<hbm>> -> memref<1000000x32xf32, #tpu.memory_space<hbm>>
    tpu.enqueue_indirect_dma source(%dma_start3A_43 : memref<1000000x32xf32, #tpu.memory_space<hbm>>) target(%arg9 : memref<1600x32xf32, #tpu.memory_space<vmem>>) offsets(%arg7 : memref<1600xi32, #tpu.memory_space<vmem>>) semaphore(%arg12 : memref<!tpu.dma_semaphore, #tpu.memory_space<semaphore_mem>>)
    %scan3A = arith.constant 0 : i32
    %scan3A_44 = arith.constant 0 : i32
    %scan3A_45 = arith.constant 32 : i32
    %scan3A_46 = arith.addi %scan3A_44, %scan3A_45 : i32
    %scan3A_47 = arith.constant 1 : i32
    %scan3A_48 = scf.for %scan3A_289 = %scan3A_44 to %scan3A_46 step %scan3A_47 iter_args(%scan3A_290 = %scan3A) -> (i32)  : i32 {
      %mul3A_291 = arith.constant 2 : i32
      %mul3A_292 = arith.muli %scan3A_289, %mul3A_291 : i32
      %add3A_293 = arith.constant 0 : i32
      %add3A_294 = arith.addi %mul3A_292, %add3A_293 : i32
      %mul3A_295 = arith.constant 8 : i32
      %mul3A_296 = arith.muli %add3A_294, %mul3A_295 : i32
      %add3A_297 = arith.addi %mul3A_2, %mul3A_296 : i32
      %dma_wait3A_298 = arith.constant 0 : i32
      %dma_wait3A_299 = arith.constant 0 : i32
      %dma_wait3A_300 = tpu.memref_slice %arg3[%dma_wait3A_298, %dma_wait3A_299] : memref<1000000x32xf32, #tpu.memory_space<hbm>> -> memref<1000000x32xf32, #tpu.memory_space<hbm>>
      tpu.wait_indirect_dma semaphore(%arg11 : memref<!tpu.dma_semaphore, #tpu.memory_space<semaphore_mem>>) src(%dma_wait3A_300 : memref<1000000x32xf32, #tpu.memory_space<hbm>>) dst(%arg8 : memref<1600x32xf32, #tpu.memory_space<vmem>>)
      %add3A_301 = arith.constant 2 : i32
      %add3A_302 = arith.addi %add3A_294, %add3A_301 : i32
      %lt3A = arith.constant 64 : i32
      %lt3A_303 = arith.cmpi slt, %add3A_302, %lt3A : i32
      %convert_element_type3A = arith.extui %lt3A_303 : i1 to i32
      %cond3A = arith.constant 0 : i32
      %cond3A_304 = arith.cmpi ne, %convert_element_type3A, %cond3A : i32
      scf.if %cond3A_304 {
        %add3A_600 = arith.constant 2 : i32
        %add3A_601 = arith.addi %add3A_294, %add3A_600 : i32
        %mul3A_602 = arith.constant 8 : i32
        %mul3A_603 = arith.muli %add3A_601, %mul3A_602 : i32
        %add3A_604 = arith.addi %mul3A_2, %mul3A_603 : i32
        %add3A_605 = arith.constant 0 : i32
        %add3A_606 = arith.addi %add3A_604, %add3A_605 : i32
        %dma_start3A_607 = arith.constant 0 : i32
        %dma_start3A_608 = tpu.memref_slice %arg6[%dma_start3A_607] : memref<1600xi32, #tpu.memory_space<vmem>> -> memref<200xi32, #tpu.memory_space<vmem>>
        %dma_start3A_609 = arith.constant 0 : i32
        %dma_start3A_610 = tpu.memref_slice %arg2[%add3A_606, %dma_start3A_609] : memref<16384x200xi32, #tpu.memory_space<hbm>> -> memref<1x200xi32, #tpu.memory_space<hbm>>
        %dma_start3A_611 = tpu.memref_squeeze %dma_start3A_610 : memref<1x200xi32, #tpu.memory_space<hbm>> -> memref<200xi32, #tpu.memory_space<hbm>>
        %dma_start3A_612 = arith.constant 0 : i32
        %dma_start3A_613 = tpu.memref_slice %arg6[%dma_start3A_612] : memref<1600xi32, #tpu.memory_space<vmem>> -> memref<200xi32, #tpu.memory_space<vmem>>
        %dma_start3A_614 = arith.constant 0 : i32
        %dma_start3A_615 = tpu.memref_slice %arg2[%add3A_606, %dma_start3A_614] : memref<16384x200xi32, #tpu.memory_space<hbm>> -> memref<1x200xi32, #tpu.memory_space<hbm>>
        %dma_start3A_616 = tpu.memref_squeeze %dma_start3A_615 : memref<1x200xi32, #tpu.memory_space<hbm>> -> memref<200xi32, #tpu.memory_space<hbm>>
        tpu.enqueue_dma source(%dma_start3A_616 : memref<200xi32, #tpu.memory_space<hbm>>) target(%dma_start3A_613 : memref<200xi32, #tpu.memory_space<vmem>>) target_semaphore(%arg15 : memref<!tpu.dma_semaphore, #tpu.memory_space<semaphore_mem>>)
        %add3A_617 = arith.constant 1 : i32
        %add3A_618 = arith.addi %add3A_604, %add3A_617 : i32
        %dma_start3A_619 = arith.constant 200 : i32
        %dma_start3A_620 = tpu.memref_slice %arg6[%dma_start3A_619] : memref<1600xi32, #tpu.memory_space<vmem>> -> memref<200xi32, #tpu.memory_space<vmem>>
        %dma_start3A_621 = arith.constant 0 : i32
        %dma_start3A_622 = tpu.memref_slice %arg2[%add3A_618, %dma_start3A_621] : memref<16384x200xi32, #tpu.memory_space<hbm>> -> memref<1x200xi32, #tpu.memory_space<hbm>>
        %dma_start3A_623 = tpu.memref_squeeze %dma_start3A_622 : memref<1x200xi32, #tpu.memory_space<hbm>> -> memref<200xi32, #tpu.memory_space<hbm>>
        %dma_start3A_624 = arith.constant 200 : i32
        %dma_start3A_625 = tpu.memref_slice %arg6[%dma_start3A_624] : memref<1600xi32, #tpu.memory_space<vmem>> -> memref<200xi32, #tpu.memory_space<vmem>>
        %dma_start3A_626 = arith.constant 0 : i32
        %dma_start3A_627 = tpu.memref_slice %arg2[%add3A_618, %dma_start3A_626] : memref<16384x200xi32, #tpu.memory_space<hbm>> -> memref<1x200xi32, #tpu.memory_space<hbm>>
        %dma_start3A_628 = tpu.memref_squeeze %dma_start3A_627 : memref<1x200xi32, #tpu.memory_space<hbm>> -> memref<200xi32, #tpu.memory_space<hbm>>
        tpu.enqueue_dma source(%dma_start3A_628 : memref<200xi32, #tpu.memory_space<hbm>>) target(%dma_start3A_625 : memref<200xi32, #tpu.memory_space<vmem>>) target_semaphore(%arg15 : memref<!tpu.dma_semaphore, #tpu.memory_space<semaphore_mem>>)
        %add3A_629 = arith.constant 2 : i32
        %add3A_630 = arith.addi %add3A_604, %add3A_629 : i32
        %dma_start3A_631 = arith.constant 400 : i32
        %dma_start3A_632 = tpu.memref_slice %arg6[%dma_start3A_631] : memref<1600xi32, #tpu.memory_space<vmem>> -> memref<200xi32, #tpu.memory_space<vmem>>
        %dma_start3A_633 = arith.constant 0 : i32
        %dma_start3A_634 = tpu.memref_slice %arg2[%add3A_630, %dma_start3A_633] : memref<16384x200xi32, #tpu.memory_space<hbm>> -> memref<1x200xi32, #tpu.memory_space<hbm>>
        %dma_start3A_635 = tpu.memref_squeeze %dma_start3A_634 : memref<1x200xi32, #tpu.memory_space<hbm>> -> memref<200xi32, #tpu.memory_space<hbm>>
        %dma_start3A_636 = arith.constant 400 : i32
        %dma_start3A_637 = tpu.memref_slice %arg6[%dma_start3A_636] : memref<1600xi32, #tpu.memory_space<vmem>> -> memref<200xi32, #tpu.memory_space<vmem>>
        %dma_start3A_638 = arith.constant 0 : i32
        %dma_start3A_639 = tpu.memref_slice %arg2[%add3A_630, %dma_start3A_638] : memref<16384x200xi32, #tpu.memory_space<hbm>> -> memref<1x200xi32, #tpu.memory_space<hbm>>
        %dma_start3A_640 = tpu.memref_squeeze %dma_start3A_639 : memref<1x200xi32, #tpu.memory_space<hbm>> -> memref<200xi32, #tpu.memory_space<hbm>>
        tpu.enqueue_dma source(%dma_start3A_640 : memref<200xi32, #tpu.memory_space<hbm>>) target(%dma_start3A_637 : memref<200xi32, #tpu.memory_space<vmem>>) target_semaphore(%arg15 : memref<!tpu.dma_semaphore, #tpu.memory_space<semaphore_mem>>)
        %add3A_641 = arith.constant 3 : i32
        %add3A_642 = arith.addi %add3A_604, %add3A_641 : i32
        %dma_start3A_643 = arith.constant 600 : i32
        %dma_start3A_644 = tpu.memref_slice %arg6[%dma_start3A_643] : memref<1600xi32, #tpu.memory_space<vmem>> -> memref<200xi32, #tpu.memory_space<vmem>>
        %dma_start3A_645 = arith.constant 0 : i32
        %dma_start3A_646 = tpu.memref_slice %arg2[%add3A_642, %dma_start3A_645] : memref<16384x200xi32, #tpu.memory_space<hbm>> -> memref<1x200xi32, #tpu.memory_space<hbm>>
        %dma_start3A_647 = tpu.memref_squeeze %dma_start3A_646 : memref<1x200xi32, #tpu.memory_space<hbm>> -> memref<200xi32, #tpu.memory_space<hbm>>
        %dma_start3A_648 = arith.constant 600 : i32
        %dma_start3A_649 = tpu.memref_slice %arg6[%dma_start3A_648] : memref<1600xi32, #tpu.memory_space<vmem>> -> memref<200xi32, #tpu.memory_space<vmem>>
        %dma_start3A_650 = arith.constant 0 : i32
        %dma_start3A_651 = tpu.memref_slice %arg2[%add3A_642, %dma_start3A_650] : memref<16384x200xi32, #tpu.memory_space<hbm>> -> memref<1x200xi32, #tpu.memory_space<hbm>>
        %dma_start3A_652 = tpu.memref_squeeze %dma_start3A_651 : memref<1x200xi32, #tpu.memory_space<hbm>> -> memref<200xi32, #tpu.memory_space<hbm>>
        tpu.enqueue_dma source(%dma_start3A_652 : memref<200xi32, #tpu.memory_space<hbm>>) target(%dma_start3A_649 : memref<200xi32, #tpu.memory_space<vmem>>) target_semaphore(%arg15 : memref<!tpu.dma_semaphore, #tpu.memory_space<semaphore_mem>>)
        %add3A_653 = arith.constant 4 : i32
        %add3A_654 = arith.addi %add3A_604, %add3A_653 : i32
        %dma_start3A_655 = arith.constant 800 : i32
        %dma_start3A_656 = tpu.memref_slice %arg6[%dma_start3A_655] : memref<1600xi32, #tpu.memory_space<vmem>> -> memref<200xi32, #tpu.memory_space<vmem>>
        %dma_start3A_657 = arith.constant 0 : i32
        %dma_start3A_658 = tpu.memref_slice %arg2[%add3A_654, %dma_start3A_657] : memref<16384x200xi32, #tpu.memory_space<hbm>> -> memref<1x200xi32, #tpu.memory_space<hbm>>
        %dma_start3A_659 = tpu.memref_squeeze %dma_start3A_658 : memref<1x200xi32, #tpu.memory_space<hbm>> -> memref<200xi32, #tpu.memory_space<hbm>>
        %dma_start3A_660 = arith.constant 800 : i32
        %dma_start3A_661 = tpu.memref_slice %arg6[%dma_start3A_660] : memref<1600xi32, #tpu.memory_space<vmem>> -> memref<200xi32, #tpu.memory_space<vmem>>
        %dma_start3A_662 = arith.constant 0 : i32
        %dma_start3A_663 = tpu.memref_slice %arg2[%add3A_654, %dma_start3A_662] : memref<16384x200xi32, #tpu.memory_space<hbm>> -> memref<1x200xi32, #tpu.memory_space<hbm>>
        %dma_start3A_664 = tpu.memref_squeeze %dma_start3A_663 : memref<1x200xi32, #tpu.memory_space<hbm>> -> memref<200xi32, #tpu.memory_space<hbm>>
        tpu.enqueue_dma source(%dma_start3A_664 : memref<200xi32, #tpu.memory_space<hbm>>) target(%dma_start3A_661 : memref<200xi32, #tpu.memory_space<vmem>>) target_semaphore(%arg15 : memref<!tpu.dma_semaphore, #tpu.memory_space<semaphore_mem>>)
        %add3A_665 = arith.constant 5 : i32
        %add3A_666 = arith.addi %add3A_604, %add3A_665 : i32
        %dma_start3A_667 = arith.constant 1000 : i32
        %dma_start3A_668 = tpu.memref_slice %arg6[%dma_start3A_667] : memref<1600xi32, #tpu.memory_space<vmem>> -> memref<200xi32, #tpu.memory_space<vmem>>
        %dma_start3A_669 = arith.constant 0 : i32
        %dma_start3A_670 = tpu.memref_slice %arg2[%add3A_666, %dma_start3A_669] : memref<16384x200xi32, #tpu.memory_space<hbm>> -> memref<1x200xi32, #tpu.memory_space<hbm>>
        %dma_start3A_671 = tpu.memref_squeeze %dma_start3A_670 : memref<1x200xi32, #tpu.memory_space<hbm>> -> memref<200xi32, #tpu.memory_space<hbm>>
        %dma_start3A_672 = arith.constant 1000 : i32
        %dma_start3A_673 = tpu.memref_slice %arg6[%dma_start3A_672] : memref<1600xi32, #tpu.memory_space<vmem>> -> memref<200xi32, #tpu.memory_space<vmem>>
        %dma_start3A_674 = arith.constant 0 : i32
        %dma_start3A_675 = tpu.memref_slice %arg2[%add3A_666, %dma_start3A_674] : memref<16384x200xi32, #tpu.memory_space<hbm>> -> memref<1x200xi32, #tpu.memory_space<hbm>>
        %dma_start3A_676 = tpu.memref_squeeze %dma_start3A_675 : memref<1x200xi32, #tpu.memory_space<hbm>> -> memref<200xi32, #tpu.memory_space<hbm>>
        tpu.enqueue_dma source(%dma_start3A_676 : memref<200xi32, #tpu.memory_space<hbm>>) target(%dma_start3A_673 : memref<200xi32, #tpu.memory_space<vmem>>) target_semaphore(%arg15 : memref<!tpu.dma_semaphore, #tpu.memory_space<semaphore_mem>>)
        %add3A_677 = arith.constant 6 : i32
        %add3A_678 = arith.addi %add3A_604, %add3A_677 : i32
        %dma_start3A_679 = arith.constant 1200 : i32
        %dma_start3A_680 = tpu.memref_slice %arg6[%dma_start3A_679] : memref<1600xi32, #tpu.memory_space<vmem>> -> memref<200xi32, #tpu.memory_space<vmem>>
        %dma_start3A_681 = arith.constant 0 : i32
        %dma_start3A_682 = tpu.memref_slice %arg2[%add3A_678, %dma_start3A_681] : memref<16384x200xi32, #tpu.memory_space<hbm>> -> memref<1x200xi32, #tpu.memory_space<hbm>>
        %dma_start3A_683 = tpu.memref_squeeze %dma_start3A_682 : memref<1x200xi32, #tpu.memory_space<hbm>> -> memref<200xi32, #tpu.memory_space<hbm>>
        %dma_start3A_684 = arith.constant 1200 : i32
        %dma_start3A_685 = tpu.memref_slice %arg6[%dma_start3A_684] : memref<1600xi32, #tpu.memory_space<vmem>> -> memref<200xi32, #tpu.memory_space<vmem>>
        %dma_start3A_686 = arith.constant 0 : i32
        %dma_start3A_687 = tpu.memref_slice %arg2[%add3A_678, %dma_start3A_686] : memref<16384x200xi32, #tpu.memory_space<hbm>> -> memref<1x200xi32, #tpu.memory_space<hbm>>
        %dma_start3A_688 = tpu.memref_squeeze %dma_start3A_687 : memref<1x200xi32, #tpu.memory_space<hbm>> -> memref<200xi32, #tpu.memory_space<hbm>>
        tpu.enqueue_dma source(%dma_start3A_688 : memref<200xi32, #tpu.memory_space<hbm>>) target(%dma_start3A_685 : memref<200xi32, #tpu.memory_space<vmem>>) target_semaphore(%arg15 : memref<!tpu.dma_semaphore, #tpu.memory_space<semaphore_mem>>)
        %add3A_689 = arith.constant 7 : i32
        %add3A_690 = arith.addi %add3A_604, %add3A_689 : i32
        %dma_start3A_691 = arith.constant 1400 : i32
        %dma_start3A_692 = tpu.memref_slice %arg6[%dma_start3A_691] : memref<1600xi32, #tpu.memory_space<vmem>> -> memref<200xi32, #tpu.memory_space<vmem>>
        %dma_start3A_693 = arith.constant 0 : i32
        %dma_start3A_694 = tpu.memref_slice %arg2[%add3A_690, %dma_start3A_693] : memref<16384x200xi32, #tpu.memory_space<hbm>> -> memref<1x200xi32, #tpu.memory_space<hbm>>
        %dma_start3A_695 = tpu.memref_squeeze %dma_start3A_694 : memref<1x200xi32, #tpu.memory_space<hbm>> -> memref<200xi32, #tpu.memory_space<hbm>>
        %dma_start3A_696 = arith.constant 1400 : i32
        %dma_start3A_697 = tpu.memref_slice %arg6[%dma_start3A_696] : memref<1600xi32, #tpu.memory_space<vmem>> -> memref<200xi32, #tpu.memory_space<vmem>>
        %dma_start3A_698 = arith.constant 0 : i32
        %dma_start3A_699 = tpu.memref_slice %arg2[%add3A_690, %dma_start3A_698] : memref<16384x200xi32, #tpu.memory_space<hbm>> -> memref<1x200xi32, #tpu.memory_space<hbm>>
        %dma_start3A_700 = tpu.memref_squeeze %dma_start3A_699 : memref<1x200xi32, #tpu.memory_space<hbm>> -> memref<200xi32, #tpu.memory_space<hbm>>
        tpu.enqueue_dma source(%dma_start3A_700 : memref<200xi32, #tpu.memory_space<hbm>>) target(%dma_start3A_697 : memref<200xi32, #tpu.memory_space<vmem>>) target_semaphore(%arg15 : memref<!tpu.dma_semaphore, #tpu.memory_space<semaphore_mem>>)
      } else {
      }
      %parallel_loop3A = arith.constant 0 : i32
      %parallel_loop3A_305 = arith.constant 200 : i32
      %parallel_loop3A_306 = arith.constant 1 : i32
      scf.for %parallel_loop3A_600 = %parallel_loop3A to %parallel_loop3A_305 step %parallel_loop3A_306  : i32 {
        %parallel_loop3A_601 = arith.index_cast %parallel_loop3A_600 : i32 to index
        %parallel_loop3A_602 = arith.constant 0 : index
        %parallel_loop3A_603 = tpu.vector_load %arg10[%parallel_loop3A_601, %parallel_loop3A_602] {strides = array<i32>} : memref<200x32xf32, #tpu.memory_space<vmem>>, vector<1x16xf32>,
        %parallel_loop3A_604 = vector.shape_cast %parallel_loop3A_603 : vector<1x16xf32> to vector<16xf32>
        %parallel_loop3A_605 = arith.constant 0 : i32
        %parallel_loop3A_606 = arith.addi %parallel_loop3A_605, %parallel_loop3A_600 : i32
        %parallel_loop3A_607 = arith.index_cast %parallel_loop3A_606 : i32 to index
        %parallel_loop3A_608 = arith.constant 0 : index
        %parallel_loop3A_609 = tpu.vector_load %arg8[%parallel_loop3A_607, %parallel_loop3A_608] {strides = array<i32>} : memref<1600x32xf32, #tpu.memory_space<vmem>>, vector<1x16xf32>,
        %parallel_loop3A_610 = vector.shape_cast %parallel_loop3A_609 : vector<1x16xf32> to vector<16xf32>
        %parallel_loop3A_611 = vector.shape_cast %parallel_loop3A_604 : vector<16xf32> to vector<1x16xf32>
        tpu.vector_store %arg8[%parallel_loop3A_607, %parallel_loop3A_608], %parallel_loop3A_611 {add = true, strides = array<i32>} : memref<1600x32xf32, #tpu.memory_space<vmem>>, vector<1x16xf32>,
        %parallel_loop3A_612 = arith.constant 200 : i32
        %parallel_loop3A_613 = arith.addi %parallel_loop3A_612, %parallel_loop3A_600 : i32
        %parallel_loop3A_614 = arith.index_cast %parallel_loop3A_613 : i32 to index
        %parallel_loop3A_615 = arith.constant 0 : index
        %parallel_loop3A_616 = tpu.vector_load %arg8[%parallel_loop3A_614, %parallel_loop3A_615] {strides = array<i32>} : memref<1600x32xf32, #tpu.memory_space<vmem>>, vector<1x16xf32>,
        %parallel_loop3A_617 = vector.shape_cast %parallel_loop3A_616 : vector<1x16xf32> to vector<16xf32>
        %parallel_loop3A_618 = vector.shape_cast %parallel_loop3A_604 : vector<16xf32> to vector<1x16xf32>
        tpu.vector_store %arg8[%parallel_loop3A_614, %parallel_loop3A_615], %parallel_loop3A_618 {add = true, strides = array<i32>} : memref<1600x32xf32, #tpu.memory_space<vmem>>, vector<1x16xf32>,
        %parallel_loop3A_619 = arith.constant 400 : i32
        %parallel_loop3A_620 = arith.addi %parallel_loop3A_619, %parallel_loop3A_600 : i32
        %parallel_loop3A_621 = arith.index_cast %parallel_loop3A_620 : i32 to index
        %parallel_loop3A_622 = arith.constant 0 : index
        %parallel_loop3A_623 = tpu.vector_load %arg8[%parallel_loop3A_621, %parallel_loop3A_622] {strides = array<i32>} : memref<1600x32xf32, #tpu.memory_space<vmem>>, vector<1x16xf32>,
        %parallel_loop3A_624 = vector.shape_cast %parallel_loop3A_623 : vector<1x16xf32> to vector<16xf32>
        %parallel_loop3A_625 = vector.shape_cast %parallel_loop3A_604 : vector<16xf32> to vector<1x16xf32>
        tpu.vector_store %arg8[%parallel_loop3A_621, %parallel_loop3A_622], %parallel_loop3A_625 {add = true, strides = array<i32>} : memref<1600x32xf32, #tpu.memory_space<vmem>>, vector<1x16xf32>,
        %parallel_loop3A_626 = arith.constant 600 : i32
        %parallel_loop3A_627 = arith.addi %parallel_loop3A_626, %parallel_loop3A_600 : i32
        %parallel_loop3A_628 = arith.index_cast %parallel_loop3A_627 : i32 to index
        %parallel_loop3A_629 = arith.constant 0 : index
        %parallel_loop3A_630 = tpu.vector_load %arg8[%parallel_loop3A_628, %parallel_loop3A_629] {strides = array<i32>} : memref<1600x32xf32, #tpu.memory_space<vmem>>, vector<1x16xf32>,
        %parallel_loop3A_631 = vector.shape_cast %parallel_loop3A_630 : vector<1x16xf32> to vector<16xf32>
        %parallel_loop3A_632 = vector.shape_cast %parallel_loop3A_604 : vector<16xf32> to vector<1x16xf32>
        tpu.vector_store %arg8[%parallel_loop3A_628, %parallel_loop3A_629], %parallel_loop3A_632 {add = true, strides = array<i32>} : memref<1600x32xf32, #tpu.memory_space<vmem>>, vector<1x16xf32>,
        %parallel_loop3A_633 = arith.constant 800 : i32
        %parallel_loop3A_634 = arith.addi %parallel_loop3A_633, %parallel_loop3A_600 : i32
        %parallel_loop3A_635 = arith.index_cast %parallel_loop3A_634 : i32 to index
        %parallel_loop3A_636 = arith.constant 0 : index
        %parallel_loop3A_637 = tpu.vector_load %arg8[%parallel_loop3A_635, %parallel_loop3A_636] {strides = array<i32>} : memref<1600x32xf32, #tpu.memory_space<vmem>>, vector<1x16xf32>,
        %parallel_loop3A_638 = vector.shape_cast %parallel_loop3A_637 : vector<1x16xf32> to vector<16xf32>
        %parallel_loop3A_639 = vector.shape_cast %parallel_loop3A_604 : vector<16xf32> to vector<1x16xf32>
        tpu.vector_store %arg8[%parallel_loop3A_635, %parallel_loop3A_636], %parallel_loop3A_639 {add = true, strides = array<i32>} : memref<1600x32xf32, #tpu.memory_space<vmem>>, vector<1x16xf32>,
        %parallel_loop3A_640 = arith.constant 1000 : i32
        %parallel_loop3A_641 = arith.addi %parallel_loop3A_640, %parallel_loop3A_600 : i32
        %parallel_loop3A_642 = arith.index_cast %parallel_loop3A_641 : i32 to index
        %parallel_loop3A_643 = arith.constant 0 : index
        %parallel_loop3A_644 = tpu.vector_load %arg8[%parallel_loop3A_642, %parallel_loop3A_643] {strides = array<i32>} : memref<1600x32xf32, #tpu.memory_space<vmem>>, vector<1x16xf32>,
        %parallel_loop3A_645 = vector.shape_cast %parallel_loop3A_644 : vector<1x16xf32> to vector<16xf32>
        %parallel_loop3A_646 = vector.shape_cast %parallel_loop3A_604 : vector<16xf32> to vector<1x16xf32>
        tpu.vector_store %arg8[%parallel_loop3A_642, %parallel_loop3A_643], %parallel_loop3A_646 {add = true, strides = array<i32>} : memref<1600x32xf32, #tpu.memory_space<vmem>>, vector<1x16xf32>,
        %parallel_loop3A_647 = arith.constant 1200 : i32
        %parallel_loop3A_648 = arith.addi %parallel_loop3A_647, %parallel_loop3A_600 : i32
        %parallel_loop3A_649 = arith.index_cast %parallel_loop3A_648 : i32 to index
        %parallel_loop3A_650 = arith.constant 0 : index
        %parallel_loop3A_651 = tpu.vector_load %arg8[%parallel_loop3A_649, %parallel_loop3A_650] {strides = array<i32>} : memref<1600x32xf32, #tpu.memory_space<vmem>>, vector<1x16xf32>,
        %parallel_loop3A_652 = vector.shape_cast %parallel_loop3A_651 : vector<1x16xf32> to vector<16xf32>
        %parallel_loop3A_653 = vector.shape_cast %parallel_loop3A_604 : vector<16xf32> to vector<1x16xf32>
        tpu.vector_store %arg8[%parallel_loop3A_649, %parallel_loop3A_650], %parallel_loop3A_653 {add = true, strides = array<i32>} : memref<1600x32xf32, #tpu.memory_space<vmem>>, vector<1x16xf32>,
        %parallel_loop3A_654 = arith.constant 1400 : i32
        %parallel_loop3A_655 = arith.addi %parallel_loop3A_654, %parallel_loop3A_600 : i32
        %parallel_loop3A_656 = arith.index_cast %parallel_loop3A_655 : i32 to index
        %parallel_loop3A_657 = arith.constant 0 : index
        %parallel_loop3A_658 = tpu.vector_load %arg8[%parallel_loop3A_656, %parallel_loop3A_657] {strides = array<i32>} : memref<1600x32xf32, #tpu.memory_space<vmem>>, vector<1x16xf32>,
        %parallel_loop3A_659 = vector.shape_cast %parallel_loop3A_658 : vector<1x16xf32> to vector<16xf32>
        %parallel_loop3A_660 = vector.shape_cast %parallel_loop3A_604 : vector<16xf32> to vector<1x16xf32>
        tpu.vector_store %arg8[%parallel_loop3A_656, %parallel_loop3A_657], %parallel_loop3A_660 {add = true, strides = array<i32>} : memref<1600x32xf32, #tpu.memory_space<vmem>>, vector<1x16xf32>,
        %parallel_loop3A_661 = arith.index_cast %parallel_loop3A_600 : i32 to index
        %parallel_loop3A_662 = arith.constant 16 : index
        %parallel_loop3A_663 = tpu.vector_load %arg10[%parallel_loop3A_661, %parallel_loop3A_662] {strides = array<i32>} : memref<200x32xf32, #tpu.memory_space<vmem>>, vector<1x16xf32>,
        %parallel_loop3A_664 = vector.shape_cast %parallel_loop3A_663 : vector<1x16xf32> to vector<16xf32>
        %parallel_loop3A_665 = arith.constant 0 : i32
        %parallel_loop3A_666 = arith.addi %parallel_loop3A_665, %parallel_loop3A_600 : i32
        %parallel_loop3A_667 = arith.index_cast %parallel_loop3A_666 : i32 to index
        %parallel_loop3A_668 = arith.constant 16 : index
        %parallel_loop3A_669 = tpu.vector_load %arg8[%parallel_loop3A_667, %parallel_loop3A_668] {strides = array<i32>} : memref<1600x32xf32, #tpu.memory_space<vmem>>, vector<1x16xf32>,
        %parallel_loop3A_670 = vector.shape_cast %parallel_loop3A_669 : vector<1x16xf32> to vector<16xf32>
        %parallel_loop3A_671 = vector.shape_cast %parallel_loop3A_664 : vector<16xf32> to vector<1x16xf32>
        tpu.vector_store %arg8[%parallel_loop3A_667, %parallel_loop3A_668], %parallel_loop3A_671 {add = true, strides = array<i32>} : memref<1600x32xf32, #tpu.memory_space<vmem>>, vector<1x16xf32>,
        %parallel_loop3A_672 = arith.constant 200 : i32
        %parallel_loop3A_673 = arith.addi %parallel_loop3A_672, %parallel_loop3A_600 : i32
        %parallel_loop3A_674 = arith.index_cast %parallel_loop3A_673 : i32 to index
        %parallel_loop3A_675 = arith.constant 16 : index
        %parallel_loop3A_676 = tpu.vector_load %arg8[%parallel_loop3A_674, %parallel_loop3A_675] {strides = array<i32>} : memref<1600x32xf32, #tpu.memory_space<vmem>>, vector<1x16xf32>,
        %parallel_loop3A_677 = vector.shape_cast %parallel_loop3A_676 : vector<1x16xf32> to vector<16xf32>
        %parallel_loop3A_678 = vector.shape_cast %parallel_loop3A_664 : vector<16xf32> to vector<1x16xf32>
        tpu.vector_store %arg8[%parallel_loop3A_674, %parallel_loop3A_675], %parallel_loop3A_678 {add = true, strides = array<i32>} : memref<1600x32xf32, #tpu.memory_space<vmem>>, vector<1x16xf32>,
        %parallel_loop3A_679 = arith.constant 400 : i32
        %parallel_loop3A_680 = arith.addi %parallel_loop3A_679, %parallel_loop3A_600 : i32
        %parallel_loop3A_681 = arith.index_cast %parallel_loop3A_680 : i32 to index
        %parallel_loop3A_682 = arith.constant 16 : index
        %parallel_loop3A_683 = tpu.vector_load %arg8[%parallel_loop3A_681, %parallel_loop3A_682] {strides = array<i32>} : memref<1600x32xf32, #tpu.memory_space<vmem>>, vector<1x16xf32>,
        %parallel_loop3A_684 = vector.shape_cast %parallel_loop3A_683 : vector<1x16xf32> to vector<16xf32>
        %parallel_loop3A_685 = vector.shape_cast %parallel_loop3A_664 : vector<16xf32> to vector<1x16xf32>
        tpu.vector_store %arg8[%parallel_loop3A_681, %parallel_loop3A_682], %parallel_loop3A_685 {add = true, strides = array<i32>} : memref<1600x32xf32, #tpu.memory_space<vmem>>, vector<1x16xf32>,
        %parallel_loop3A_686 = arith.constant 600 : i32
        %parallel_loop3A_687 = arith.addi %parallel_loop3A_686, %parallel_loop3A_600 : i32
        %parallel_loop3A_688 = arith.index_cast %parallel_loop3A_687 : i32 to index
        %parallel_loop3A_689 = arith.constant 16 : index
        %parallel_loop3A_690 = tpu.vector_load %arg8[%parallel_loop3A_688, %parallel_loop3A_689] {strides = array<i32>} : memref<1600x32xf32, #tpu.memory_space<vmem>>, vector<1x16xf32>,
        %parallel_loop3A_691 = vector.shape_cast %parallel_loop3A_690 : vector<1x16xf32> to vector<16xf32>
        %parallel_loop3A_692 = vector.shape_cast %parallel_loop3A_664 : vector<16xf32> to vector<1x16xf32>
        tpu.vector_store %arg8[%parallel_loop3A_688, %parallel_loop3A_689], %parallel_loop3A_692 {add = true, strides = array<i32>} : memref<1600x32xf32, #tpu.memory_space<vmem>>, vector<1x16xf32>,
        %parallel_loop3A_693 = arith.constant 800 : i32
        %parallel_loop3A_694 = arith.addi %parallel_loop3A_693, %parallel_loop3A_600 : i32
        %parallel_loop3A_695 = arith.index_cast %parallel_loop3A_694 : i32 to index
        %parallel_loop3A_696 = arith.constant 16 : index
        %parallel_loop3A_697 = tpu.vector_load %arg8[%parallel_loop3A_695, %parallel_loop3A_696] {strides = array<i32>} : memref<1600x32xf32, #tpu.memory_space<vmem>>, vector<1x16xf32>,
        %parallel_loop3A_698 = vector.shape_cast %parallel_loop3A_697 : vector<1x16xf32> to vector<16xf32>
        %parallel_loop3A_699 = vector.shape_cast %parallel_loop3A_664 : vector<16xf32> to vector<1x16xf32>
        tpu.vector_store %arg8[%parallel_loop3A_695, %parallel_loop3A_696], %parallel_loop3A_699 {add = true, strides = array<i32>} : memref<1600x32xf32, #tpu.memory_space<vmem>>, vector<1x16xf32>,
        %parallel_loop3A_700 = arith.constant 1000 : i32
        %parallel_loop3A_701 = arith.addi %parallel_loop3A_700, %parallel_loop3A_600 : i32
        %parallel_loop3A_702 = arith.index_cast %parallel_loop3A_701 : i32 to index
        %parallel_loop3A_703 = arith.constant 16 : index
        %parallel_loop3A_704 = tpu.vector_load %arg8[%parallel_loop3A_702, %parallel_loop3A_703] {strides = array<i32>} : memref<1600x32xf32, #tpu.memory_space<vmem>>, vector<1x16xf32>,
        %parallel_loop3A_705 = vector.shape_cast %parallel_loop3A_704 : vector<1x16xf32> to vector<16xf32>
        %parallel_loop3A_706 = vector.shape_cast %parallel_loop3A_664 : vector<16xf32> to vector<1x16xf32>
        tpu.vector_store %arg8[%parallel_loop3A_702, %parallel_loop3A_703], %parallel_loop3A_706 {add = true, strides = array<i32>} : memref<1600x32xf32, #tpu.memory_space<vmem>>, vector<1x16xf32>,
        %parallel_loop3A_707 = arith.constant 1200 : i32
        %parallel_loop3A_708 = arith.addi %parallel_loop3A_707, %parallel_loop3A_600 : i32
        %parallel_loop3A_709 = arith.index_cast %parallel_loop3A_708 : i32 to index
        %parallel_loop3A_710 = arith.constant 16 : index
        %parallel_loop3A_711 = tpu.vector_load %arg8[%parallel_loop3A_709, %parallel_loop3A_710] {strides = array<i32>} : memref<1600x32xf32, #tpu.memory_space<vmem>>, vector<1x16xf32>,
        %parallel_loop3A_712 = vector.shape_cast %parallel_loop3A_711 : vector<1x16xf32> to vector<16xf32>
        %parallel_loop3A_713 = vector.shape_cast %parallel_loop3A_664 : vector<16xf32> to vector<1x16xf32>
        tpu.vector_store %arg8[%parallel_loop3A_709, %parallel_loop3A_710], %parallel_loop3A_713 {add = true, strides = array<i32>} : memref<1600x32xf32, #tpu.memory_space<vmem>>, vector<1x16xf32>,
        %parallel_loop3A_714 = arith.constant 1400 : i32
        %parallel_loop3A_715 = arith.addi %parallel_loop3A_714, %parallel_loop3A_600 : i32
        %parallel_loop3A_716 = arith.index_cast %parallel_loop3A_715 : i32 to index
        %parallel_loop3A_717 = arith.constant 16 : index
        %parallel_loop3A_718 = tpu.vector_load %arg8[%parallel_loop3A_716, %parallel_loop3A_717] {strides = array<i32>} : memref<1600x32xf32, #tpu.memory_space<vmem>>, vector<1x16xf32>,
        %parallel_loop3A_719 = vector.shape_cast %parallel_loop3A_718 : vector<1x16xf32> to vector<16xf32>
        %parallel_loop3A_720 = vector.shape_cast %parallel_loop3A_664 : vector<16xf32> to vector<1x16xf32>
        tpu.vector_store %arg8[%parallel_loop3A_716, %parallel_loop3A_717], %parallel_loop3A_720 {add = true, strides = array<i32>} : memref<1600x32xf32, #tpu.memory_space<vmem>>, vector<1x16xf32>,
      } {sc.loop_unroll_factor = 8 : i64, sc.parallel_access}
      %add3A_307 = arith.constant 0 : i32
      %add3A_308 = arith.addi %add3A_297, %add3A_307 : i32
      %dma_start3A_309 = arith.constant 0 : i32
      %dma_start3A_310 = arith.constant 0 : i32
      %dma_start3A_311 = tpu.memref_slice %arg8[%dma_start3A_309, %dma_start3A_310] : memref<1600x32xf32, #tpu.memory_space<vmem>> -> memref<200x32xf32, #tpu.memory_space<vmem>>
      %dma_start3A_312 = arith.constant 0 : i32
      %dma_start3A_313 = arith.constant 0 : i32
      %dma_start3A_314 = tpu.memref_slice %arg5[%add3A_308, %dma_start3A_312, %dma_start3A_313] : memref<16384x200x32xf32, #tpu.memory_space<hbm>> -> memref<1x200x32xf32, #tpu.memory_space<hbm>>
      %dma_start3A_315 = tpu.memref_squeeze %dma_start3A_314 : memref<1x200x32xf32, #tpu.memory_space<hbm>> -> memref<200x32xf32, #tpu.memory_space<hbm>>
      %dma_start3A_316 = arith.constant 0 : i32
      %dma_start3A_317 = arith.constant 0 : i32
      %dma_start3A_318 = tpu.memref_slice %arg5[%add3A_308, %dma_start3A_316, %dma_start3A_317] : memref<16384x200x32xf32, #tpu.memory_space<hbm>> -> memref<1x200x32xf32, #tpu.memory_space<hbm>>
      %dma_start3A_319 = tpu.memref_squeeze %dma_start3A_318 : memref<1x200x32xf32, #tpu.memory_space<hbm>> -> memref<200x32xf32, #tpu.memory_space<hbm>>
      %dma_start3A_320 = arith.constant 0 : i32
      %dma_start3A_321 = arith.constant 0 : i32
      %dma_start3A_322 = tpu.memref_slice %arg8[%dma_start3A_320, %dma_start3A_321] : memref<1600x32xf32, #tpu.memory_space<vmem>> -> memref<200x32xf32, #tpu.memory_space<vmem>>
      tpu.enqueue_dma source(%dma_start3A_322 : memref<200x32xf32, #tpu.memory_space<vmem>>) target(%dma_start3A_319 : memref<200x32xf32, #tpu.memory_space<hbm>>) target_semaphore(%arg13 : memref<!tpu.dma_semaphore, #tpu.memory_space<semaphore_mem>>)
      %add3A_323 = arith.constant 1 : i32
      %add3A_324 = arith.addi %add3A_297, %add3A_323 : i32
      %dma_start3A_325 = arith.constant 200 : i32
      %dma_start3A_326 = arith.constant 0 : i32
      %dma_start3A_327 = tpu.memref_slice %arg8[%dma_start3A_325, %dma_start3A_326] : memref<1600x32xf32, #tpu.memory_space<vmem>> -> memref<200x32xf32, #tpu.memory_space<vmem>>
      %dma_start3A_328 = arith.constant 0 : i32
      %dma_start3A_329 = arith.constant 0 : i32
      %dma_start3A_330 = tpu.memref_slice %arg5[%add3A_324, %dma_start3A_328, %dma_start3A_329] : memref<16384x200x32xf32, #tpu.memory_space<hbm>> -> memref<1x200x32xf32, #tpu.memory_space<hbm>>
      %dma_start3A_331 = tpu.memref_squeeze %dma_start3A_330 : memref<1x200x32xf32, #tpu.memory_space<hbm>> -> memref<200x32xf32, #tpu.memory_space<hbm>>
      %dma_start3A_332 = arith.constant 0 : i32
      %dma_start3A_333 = arith.constant 0 : i32
      %dma_start3A_334 = tpu.memref_slice %arg5[%add3A_324, %dma_start3A_332, %dma_start3A_333] : memref<16384x200x32xf32, #tpu.memory_space<hbm>> -> memref<1x200x32xf32, #tpu.memory_space<hbm>>
      %dma_start3A_335 = tpu.memref_squeeze %dma_start3A_334 : memref<1x200x32xf32, #tpu.memory_space<hbm>> -> memref<200x32xf32, #tpu.memory_space<hbm>>
      %dma_start3A_336 = arith.constant 200 : i32
      %dma_start3A_337 = arith.constant 0 : i32
      %dma_start3A_338 = tpu.memref_slice %arg8[%dma_start3A_336, %dma_start3A_337] : memref<1600x32xf32, #tpu.memory_space<vmem>> -> memref<200x32xf32, #tpu.memory_space<vmem>>
      tpu.enqueue_dma source(%dma_start3A_338 : memref<200x32xf32, #tpu.memory_space<vmem>>) target(%dma_start3A_335 : memref<200x32xf32, #tpu.memory_space<hbm>>) target_semaphore(%arg13 : memref<!tpu.dma_semaphore, #tpu.memory_space<semaphore_mem>>)
      %add3A_339 = arith.constant 2 : i32
      %add3A_340 = arith.addi %add3A_297, %add3A_339 : i32
      %dma_start3A_341 = arith.constant 400 : i32
      %dma_start3A_342 = arith.constant 0 : i32
      %dma_start3A_343 = tpu.memref_slice %arg8[%dma_start3A_341, %dma_start3A_342] : memref<1600x32xf32, #tpu.memory_space<vmem>> -> memref<200x32xf32, #tpu.memory_space<vmem>>
      %dma_start3A_344 = arith.constant 0 : i32
      %dma_start3A_345 = arith.constant 0 : i32
      %dma_start3A_346 = tpu.memref_slice %arg5[%add3A_340, %dma_start3A_344, %dma_start3A_345] : memref<16384x200x32xf32, #tpu.memory_space<hbm>> -> memref<1x200x32xf32, #tpu.memory_space<hbm>>
      %dma_start3A_347 = tpu.memref_squeeze %dma_start3A_346 : memref<1x200x32xf32, #tpu.memory_space<hbm>> -> memref<200x32xf32, #tpu.memory_space<hbm>>
      %dma_start3A_348 = arith.constant 0 : i32
      %dma_start3A_349 = arith.constant 0 : i32
      %dma_start3A_350 = tpu.memref_slice %arg5[%add3A_340, %dma_start3A_348, %dma_start3A_349] : memref<16384x200x32xf32, #tpu.memory_space<hbm>> -> memref<1x200x32xf32, #tpu.memory_space<hbm>>
      %dma_start3A_351 = tpu.memref_squeeze %dma_start3A_350 : memref<1x200x32xf32, #tpu.memory_space<hbm>> -> memref<200x32xf32, #tpu.memory_space<hbm>>
      %dma_start3A_352 = arith.constant 400 : i32
      %dma_start3A_353 = arith.constant 0 : i32
      %dma_start3A_354 = tpu.memref_slice %arg8[%dma_start3A_352, %dma_start3A_353] : memref<1600x32xf32, #tpu.memory_space<vmem>> -> memref<200x32xf32, #tpu.memory_space<vmem>>
      tpu.enqueue_dma source(%dma_start3A_354 : memref<200x32xf32, #tpu.memory_space<vmem>>) target(%dma_start3A_351 : memref<200x32xf32, #tpu.memory_space<hbm>>) target_semaphore(%arg13 : memref<!tpu.dma_semaphore, #tpu.memory_space<semaphore_mem>>)
      %add3A_355 = arith.constant 3 : i32
      %add3A_356 = arith.addi %add3A_297, %add3A_355 : i32
      %dma_start3A_357 = arith.constant 600 : i32
      %dma_start3A_358 = arith.constant 0 : i32
      %dma_start3A_359 = tpu.memref_slice %arg8[%dma_start3A_357, %dma_start3A_358] : memref<1600x32xf32, #tpu.memory_space<vmem>> -> memref<200x32xf32, #tpu.memory_space<vmem>>
      %dma_start3A_360 = arith.constant 0 : i32
      %dma_start3A_361 = arith.constant 0 : i32
      %dma_start3A_362 = tpu.memref_slice %arg5[%add3A_356, %dma_start3A_360, %dma_start3A_361] : memref<16384x200x32xf32, #tpu.memory_space<hbm>> -> memref<1x200x32xf32, #tpu.memory_space<hbm>>
      %dma_start3A_363 = tpu.memref_squeeze %dma_start3A_362 : memref<1x200x32xf32, #tpu.memory_space<hbm>> -> memref<200x32xf32, #tpu.memory_space<hbm>>
      %dma_start3A_364 = arith.constant 0 : i32
      %dma_start3A_365 = arith.constant 0 : i32
      %dma_start3A_366 = tpu.memref_slice %arg5[%add3A_356, %dma_start3A_364, %dma_start3A_365] : memref<16384x200x32xf32, #tpu.memory_space<hbm>> -> memref<1x200x32xf32, #tpu.memory_space<hbm>>
      %dma_start3A_367 = tpu.memref_squeeze %dma_start3A_366 : memref<1x200x32xf32, #tpu.memory_space<hbm>> -> memref<200x32xf32, #tpu.memory_space<hbm>>
      %dma_start3A_368 = arith.constant 600 : i32
      %dma_start3A_369 = arith.constant 0 : i32
      %dma_start3A_370 = tpu.memref_slice %arg8[%dma_start3A_368, %dma_start3A_369] : memref<1600x32xf32, #tpu.memory_space<vmem>> -> memref<200x32xf32, #tpu.memory_space<vmem>>
      tpu.enqueue_dma source(%dma_start3A_370 : memref<200x32xf32, #tpu.memory_space<vmem>>) target(%dma_start3A_367 : memref<200x32xf32, #tpu.memory_space<hbm>>) target_semaphore(%arg13 : memref<!tpu.dma_semaphore, #tpu.memory_space<semaphore_mem>>)
      %add3A_371 = arith.constant 4 : i32
      %add3A_372 = arith.addi %add3A_297, %add3A_371 : i32
      %dma_start3A_373 = arith.constant 800 : i32
      %dma_start3A_374 = arith.constant 0 : i32
      %dma_start3A_375 = tpu.memref_slice %arg8[%dma_start3A_373, %dma_start3A_374] : memref<1600x32xf32, #tpu.memory_space<vmem>> -> memref<200x32xf32, #tpu.memory_space<vmem>>
      %dma_start3A_376 = arith.constant 0 : i32
      %dma_start3A_377 = arith.constant 0 : i32
      %dma_start3A_378 = tpu.memref_slice %arg5[%add3A_372, %dma_start3A_376, %dma_start3A_377] : memref<16384x200x32xf32, #tpu.memory_space<hbm>> -> memref<1x200x32xf32, #tpu.memory_space<hbm>>
      %dma_start3A_379 = tpu.memref_squeeze %dma_start3A_378 : memref<1x200x32xf32, #tpu.memory_space<hbm>> -> memref<200x32xf32, #tpu.memory_space<hbm>>
      %dma_start3A_380 = arith.constant 0 : i32
      %dma_start3A_381 = arith.constant 0 : i32
      %dma_start3A_382 = tpu.memref_slice %arg5[%add3A_372, %dma_start3A_380, %dma_start3A_381] : memref<16384x200x32xf32, #tpu.memory_space<hbm>> -> memref<1x200x32xf32, #tpu.memory_space<hbm>>
      %dma_start3A_383 = tpu.memref_squeeze %dma_start3A_382 : memref<1x200x32xf32, #tpu.memory_space<hbm>> -> memref<200x32xf32, #tpu.memory_space<hbm>>
      %dma_start3A_384 = arith.constant 800 : i32
      %dma_start3A_385 = arith.constant 0 : i32
      %dma_start3A_386 = tpu.memref_slice %arg8[%dma_start3A_384, %dma_start3A_385] : memref<1600x32xf32, #tpu.memory_space<vmem>> -> memref<200x32xf32, #tpu.memory_space<vmem>>
      tpu.enqueue_dma source(%dma_start3A_386 : memref<200x32xf32, #tpu.memory_space<vmem>>) target(%dma_start3A_383 : memref<200x32xf32, #tpu.memory_space<hbm>>) target_semaphore(%arg13 : memref<!tpu.dma_semaphore, #tpu.memory_space<semaphore_mem>>)
      %add3A_387 = arith.constant 5 : i32
      %add3A_388 = arith.addi %add3A_297, %add3A_387 : i32
      %dma_start3A_389 = arith.constant 1000 : i32
      %dma_start3A_390 = arith.constant 0 : i32
      %dma_start3A_391 = tpu.memref_slice %arg8[%dma_start3A_389, %dma_start3A_390] : memref<1600x32xf32, #tpu.memory_space<vmem>> -> memref<200x32xf32, #tpu.memory_space<vmem>>
      %dma_start3A_392 = arith.constant 0 : i32
      %dma_start3A_393 = arith.constant 0 : i32
      %dma_start3A_394 = tpu.memref_slice %arg5[%add3A_388, %dma_start3A_392, %dma_start3A_393] : memref<16384x200x32xf32, #tpu.memory_space<hbm>> -> memref<1x200x32xf32, #tpu.memory_space<hbm>>
      %dma_start3A_395 = tpu.memref_squeeze %dma_start3A_394 : memref<1x200x32xf32, #tpu.memory_space<hbm>> -> memref<200x32xf32, #tpu.memory_space<hbm>>
      %dma_start3A_396 = arith.constant 0 : i32
      %dma_start3A_397 = arith.constant 0 : i32
      %dma_start3A_398 = tpu.memref_slice %arg5[%add3A_388, %dma_start3A_396, %dma_start3A_397] : memref<16384x200x32xf32, #tpu.memory_space<hbm>> -> memref<1x200x32xf32, #tpu.memory_space<hbm>>
      %dma_start3A_399 = tpu.memref_squeeze %dma_start3A_398 : memref<1x200x32xf32, #tpu.memory_space<hbm>> -> memref<200x32xf32, #tpu.memory_space<hbm>>
      %dma_start3A_400 = arith.constant 1000 : i32
      %dma_start3A_401 = arith.constant 0 : i32
      %dma_start3A_402 = tpu.memref_slice %arg8[%dma_start3A_400, %dma_start3A_401] : memref<1600x32xf32, #tpu.memory_space<vmem>> -> memref<200x32xf32, #tpu.memory_space<vmem>>
      tpu.enqueue_dma source(%dma_start3A_402 : memref<200x32xf32, #tpu.memory_space<vmem>>) target(%dma_start3A_399 : memref<200x32xf32, #tpu.memory_space<hbm>>) target_semaphore(%arg13 : memref<!tpu.dma_semaphore, #tpu.memory_space<semaphore_mem>>)
      %add3A_403 = arith.constant 6 : i32
      %add3A_404 = arith.addi %add3A_297, %add3A_403 : i32
      %dma_start3A_405 = arith.constant 1200 : i32
      %dma_start3A_406 = arith.constant 0 : i32
      %dma_start3A_407 = tpu.memref_slice %arg8[%dma_start3A_405, %dma_start3A_406] : memref<1600x32xf32, #tpu.memory_space<vmem>> -> memref<200x32xf32, #tpu.memory_space<vmem>>
      %dma_start3A_408 = arith.constant 0 : i32
      %dma_start3A_409 = arith.constant 0 : i32
      %dma_start3A_410 = tpu.memref_slice %arg5[%add3A_404, %dma_start3A_408, %dma_start3A_409] : memref<16384x200x32xf32, #tpu.memory_space<hbm>> -> memref<1x200x32xf32, #tpu.memory_space<hbm>>
      %dma_start3A_411 = tpu.memref_squeeze %dma_start3A_410 : memref<1x200x32xf32, #tpu.memory_space<hbm>> -> memref<200x32xf32, #tpu.memory_space<hbm>>
      %dma_start3A_412 = arith.constant 0 : i32
      %dma_start3A_413 = arith.constant 0 : i32
      %dma_start3A_414 = tpu.memref_slice %arg5[%add3A_404, %dma_start3A_412, %dma_start3A_413] : memref<16384x200x32xf32, #tpu.memory_space<hbm>> -> memref<1x200x32xf32, #tpu.memory_space<hbm>>
      %dma_start3A_415 = tpu.memref_squeeze %dma_start3A_414 : memref<1x200x32xf32, #tpu.memory_space<hbm>> -> memref<200x32xf32, #tpu.memory_space<hbm>>
      %dma_start3A_416 = arith.constant 1200 : i32
      %dma_start3A_417 = arith.constant 0 : i32
      %dma_start3A_418 = tpu.memref_slice %arg8[%dma_start3A_416, %dma_start3A_417] : memref<1600x32xf32, #tpu.memory_space<vmem>> -> memref<200x32xf32, #tpu.memory_space<vmem>>
      tpu.enqueue_dma source(%dma_start3A_418 : memref<200x32xf32, #tpu.memory_space<vmem>>) target(%dma_start3A_415 : memref<200x32xf32, #tpu.memory_space<hbm>>) target_semaphore(%arg13 : memref<!tpu.dma_semaphore, #tpu.memory_space<semaphore_mem>>)
      %add3A_419 = arith.constant 7 : i32
      %add3A_420 = arith.addi %add3A_297, %add3A_419 : i32
      %dma_start3A_421 = arith.constant 1400 : i32
      %dma_start3A_422 = arith.constant 0 : i32
      %dma_start3A_423 = tpu.memref_slice %arg8[%dma_start3A_421, %dma_start3A_422] : memref<1600x32xf32, #tpu.memory_space<vmem>> -> memref<200x32xf32, #tpu.memory_space<vmem>>
      %dma_start3A_424 = arith.constant 0 : i32
      %dma_start3A_425 = arith.constant 0 : i32
      %dma_start3A_426 = tpu.memref_slice %arg5[%add3A_420, %dma_start3A_424, %dma_start3A_425] : memref<16384x200x32xf32, #tpu.memory_space<hbm>> -> memref<1x200x32xf32, #tpu.memory_space<hbm>>
      %dma_start3A_427 = tpu.memref_squeeze %dma_start3A_426 : memref<1x200x32xf32, #tpu.memory_space<hbm>> -> memref<200x32xf32, #tpu.memory_space<hbm>>
      %dma_start3A_428 = arith.constant 0 : i32
      %dma_start3A_429 = arith.constant 0 : i32
      %dma_start3A_430 = tpu.memref_slice %arg5[%add3A_420, %dma_start3A_428, %dma_start3A_429] : memref<16384x200x32xf32, #tpu.memory_space<hbm>> -> memref<1x200x32xf32, #tpu.memory_space<hbm>>
      %dma_start3A_431 = tpu.memref_squeeze %dma_start3A_430 : memref<1x200x32xf32, #tpu.memory_space<hbm>> -> memref<200x32xf32, #tpu.memory_space<hbm>>
      %dma_start3A_432 = arith.constant 1400 : i32
      %dma_start3A_433 = arith.constant 0 : i32
      %dma_start3A_434 = tpu.memref_slice %arg8[%dma_start3A_432, %dma_start3A_433] : memref<1600x32xf32, #tpu.memory_space<vmem>> -> memref<200x32xf32, #tpu.memory_space<vmem>>
      tpu.enqueue_dma source(%dma_start3A_434 : memref<200x32xf32, #tpu.memory_space<vmem>>) target(%dma_start3A_431 : memref<200x32xf32, #tpu.memory_space<hbm>>) target_semaphore(%arg13 : memref<!tpu.dma_semaphore, #tpu.memory_space<semaphore_mem>>)
      %sub3A = arith.constant 1 : i32
      %sub3A_435 = arith.subi %add3A_294, %sub3A : i32
      %add3A_436 = arith.constant 2 : i32
      %add3A_437 = arith.addi %sub3A_435, %add3A_436 : i32
      %ge3A = arith.constant 1 : i32
      %ge3A_438 = arith.cmpi sge, %scan3A_289, %ge3A : i32
      %convert_element_type3A_439 = arith.extui %ge3A_438 : i1 to i32
      %cond3A_440 = arith.constant 0 : i32
      %cond3A_441 = arith.cmpi ne, %convert_element_type3A_439, %cond3A_440 : i32
      scf.if %cond3A_441 {
        %dma_wait3A_600 = arith.constant 0 : i32
        %dma_wait3A_601 = arith.constant 0 : i32
        %dma_wait3A_602 = arith.constant 0 : i32
        %dma_wait3A_603 = tpu.memref_slice %arg9[%dma_wait3A_601, %dma_wait3A_602] : memref<1600x32xf32, #tpu.memory_space<vmem>> -> memref<200x32xf32, #tpu.memory_space<vmem>>
        %dma_wait3A_604 = arith.constant 0 : i32
        %dma_wait3A_605 = arith.constant 0 : i32
        %dma_wait3A_606 = tpu.memref_slice %arg5[%dma_wait3A_600, %dma_wait3A_604, %dma_wait3A_605] : memref<16384x200x32xf32, #tpu.memory_space<hbm>> -> memref<1x200x32xf32, #tpu.memory_space<hbm>>
        %dma_wait3A_607 = tpu.memref_squeeze %dma_wait3A_606 : memref<1x200x32xf32, #tpu.memory_space<hbm>> -> memref<200x32xf32, #tpu.memory_space<hbm>>
        %dma_wait3A_608 = arith.constant 0 : i32
        %dma_wait3A_609 = arith.constant 0 : i32
        %dma_wait3A_610 = tpu.memref_slice %arg5[%dma_wait3A_600, %dma_wait3A_608, %dma_wait3A_609] : memref<16384x200x32xf32, #tpu.memory_space<hbm>> -> memref<1x200x32xf32, #tpu.memory_space<hbm>>
        %dma_wait3A_611 = tpu.memref_squeeze %dma_wait3A_610 : memref<1x200x32xf32, #tpu.memory_space<hbm>> -> memref<200x32xf32, #tpu.memory_space<hbm>>
        %dma_wait3A_612 = arith.constant 0 : i32
        %dma_wait3A_613 = arith.constant 0 : i32
        %dma_wait3A_614 = tpu.memref_slice %arg9[%dma_wait3A_612, %dma_wait3A_613] : memref<1600x32xf32, #tpu.memory_space<vmem>> -> memref<200x32xf32, #tpu.memory_space<vmem>>
        tpu.wait_dma2 semaphore(%arg14 : memref<!tpu.dma_semaphore, #tpu.memory_space<semaphore_mem>>) src(%dma_wait3A_614 : memref<200x32xf32, #tpu.memory_space<vmem>>) dst(%dma_wait3A_611 : memref<200x32xf32, #tpu.memory_space<hbm>>)
        %dma_wait3A_615 = arith.constant 0 : i32
        %dma_wait3A_616 = arith.constant 0 : i32
        %dma_wait3A_617 = tpu.memref_slice %arg7[%dma_wait3A_616] : memref<1600xi32, #tpu.memory_space<vmem>> -> memref<200xi32, #tpu.memory_space<vmem>>
        %dma_wait3A_618 = arith.constant 0 : i32
        %dma_wait3A_619 = tpu.memref_slice %arg2[%dma_wait3A_615, %dma_wait3A_618] : memref<16384x200xi32, #tpu.memory_space<hbm>> -> memref<1x200xi32, #tpu.memory_space<hbm>>
        %dma_wait3A_620 = tpu.memref_squeeze %dma_wait3A_619 : memref<1x200xi32, #tpu.memory_space<hbm>> -> memref<200xi32, #tpu.memory_space<hbm>>
        %dma_wait3A_621 = arith.constant 0 : i32
        %dma_wait3A_622 = tpu.memref_slice %arg7[%dma_wait3A_621] : memref<1600xi32, #tpu.memory_space<vmem>> -> memref<200xi32, #tpu.memory_space<vmem>>
        %dma_wait3A_623 = arith.constant 0 : i32
        %dma_wait3A_624 = tpu.memref_slice %arg2[%dma_wait3A_615, %dma_wait3A_623] : memref<16384x200xi32, #tpu.memory_space<hbm>> -> memref<1x200xi32, #tpu.memory_space<hbm>>
        %dma_wait3A_625 = tpu.memref_squeeze %dma_wait3A_624 : memref<1x200xi32, #tpu.memory_space<hbm>> -> memref<200xi32, #tpu.memory_space<hbm>>
        tpu.wait_dma2 semaphore(%arg16 : memref<!tpu.dma_semaphore, #tpu.memory_space<semaphore_mem>>) src(%dma_wait3A_625 : memref<200xi32, #tpu.memory_space<hbm>>) dst(%dma_wait3A_622 : memref<200xi32, #tpu.memory_space<vmem>>)
        %dma_wait3A_626 = arith.constant 1 : i32
        %dma_wait3A_627 = arith.constant 200 : i32
        %dma_wait3A_628 = arith.constant 0 : i32
        %dma_wait3A_629 = tpu.memref_slice %arg9[%dma_wait3A_627, %dma_wait3A_628] : memref<1600x32xf32, #tpu.memory_space<vmem>> -> memref<200x32xf32, #tpu.memory_space<vmem>>
        %dma_wait3A_630 = arith.constant 0 : i32
        %dma_wait3A_631 = arith.constant 0 : i32
        %dma_wait3A_632 = tpu.memref_slice %arg5[%dma_wait3A_626, %dma_wait3A_630, %dma_wait3A_631] : memref<16384x200x32xf32, #tpu.memory_space<hbm>> -> memref<1x200x32xf32, #tpu.memory_space<hbm>>
        %dma_wait3A_633 = tpu.memref_squeeze %dma_wait3A_632 : memref<1x200x32xf32, #tpu.memory_space<hbm>> -> memref<200x32xf32, #tpu.memory_space<hbm>>
        %dma_wait3A_634 = arith.constant 0 : i32
        %dma_wait3A_635 = arith.constant 0 : i32
        %dma_wait3A_636 = tpu.memref_slice %arg5[%dma_wait3A_626, %dma_wait3A_634, %dma_wait3A_635] : memref<16384x200x32xf32, #tpu.memory_space<hbm>> -> memref<1x200x32xf32, #tpu.memory_space<hbm>>
        %dma_wait3A_637 = tpu.memref_squeeze %dma_wait3A_636 : memref<1x200x32xf32, #tpu.memory_space<hbm>> -> memref<200x32xf32, #tpu.memory_space<hbm>>
        %dma_wait3A_638 = arith.constant 200 : i32
        %dma_wait3A_639 = arith.constant 0 : i32
        %dma_wait3A_640 = tpu.memref_slice %arg9[%dma_wait3A_638, %dma_wait3A_639] : memref<1600x32xf32, #tpu.memory_space<vmem>> -> memref<200x32xf32, #tpu.memory_space<vmem>>
        tpu.wait_dma2 semaphore(%arg14 : memref<!tpu.dma_semaphore, #tpu.memory_space<semaphore_mem>>) src(%dma_wait3A_640 : memref<200x32xf32, #tpu.memory_space<vmem>>) dst(%dma_wait3A_637 : memref<200x32xf32, #tpu.memory_space<hbm>>)
        %dma_wait3A_641 = arith.constant 1 : i32
        %dma_wait3A_642 = arith.constant 200 : i32
        %dma_wait3A_643 = tpu.memref_slice %arg7[%dma_wait3A_642] : memref<1600xi32, #tpu.memory_space<vmem>> -> memref<200xi32, #tpu.memory_space<vmem>>
        %dma_wait3A_644 = arith.constant 0 : i32
        %dma_wait3A_645 = tpu.memref_slice %arg2[%dma_wait3A_641, %dma_wait3A_644] : memref<16384x200xi32, #tpu.memory_space<hbm>> -> memref<1x200xi32, #tpu.memory_space<hbm>>
        %dma_wait3A_646 = tpu.memref_squeeze %dma_wait3A_645 : memref<1x200xi32, #tpu.memory_space<hbm>> -> memref<200xi32, #tpu.memory_space<hbm>>
        %dma_wait3A_647 = arith.constant 200 : i32
        %dma_wait3A_648 = tpu.memref_slice %arg7[%dma_wait3A_647] : memref<1600xi32, #tpu.memory_space<vmem>> -> memref<200xi32, #tpu.memory_space<vmem>>
        %dma_wait3A_649 = arith.constant 0 : i32
        %dma_wait3A_650 = tpu.memref_slice %arg2[%dma_wait3A_641, %dma_wait3A_649] : memref<16384x200xi32, #tpu.memory_space<hbm>> -> memref<1x200xi32, #tpu.memory_space<hbm>>
        %dma_wait3A_651 = tpu.memref_squeeze %dma_wait3A_650 : memref<1x200xi32, #tpu.memory_space<hbm>> -> memref<200xi32, #tpu.memory_space<hbm>>
        tpu.wait_dma2 semaphore(%arg16 : memref<!tpu.dma_semaphore, #tpu.memory_space<semaphore_mem>>) src(%dma_wait3A_651 : memref<200xi32, #tpu.memory_space<hbm>>) dst(%dma_wait3A_648 : memref<200xi32, #tpu.memory_space<vmem>>)
        %dma_wait3A_652 = arith.constant 2 : i32
        %dma_wait3A_653 = arith.constant 400 : i32
        %dma_wait3A_654 = arith.constant 0 : i32
        %dma_wait3A_655 = tpu.memref_slice %arg9[%dma_wait3A_653, %dma_wait3A_654] : memref<1600x32xf32, #tpu.memory_space<vmem>> -> memref<200x32xf32, #tpu.memory_space<vmem>>
        %dma_wait3A_656 = arith.constant 0 : i32
        %dma_wait3A_657 = arith.constant 0 : i32
        %dma_wait3A_658 = tpu.memref_slice %arg5[%dma_wait3A_652, %dma_wait3A_656, %dma_wait3A_657] : memref<16384x200x32xf32, #tpu.memory_space<hbm>> -> memref<1x200x32xf32, #tpu.memory_space<hbm>>
        %dma_wait3A_659 = tpu.memref_squeeze %dma_wait3A_658 : memref<1x200x32xf32, #tpu.memory_space<hbm>> -> memref<200x32xf32, #tpu.memory_space<hbm>>
        %dma_wait3A_660 = arith.constant 0 : i32
        %dma_wait3A_661 = arith.constant 0 : i32
        %dma_wait3A_662 = tpu.memref_slice %arg5[%dma_wait3A_652, %dma_wait3A_660, %dma_wait3A_661] : memref<16384x200x32xf32, #tpu.memory_space<hbm>> -> memref<1x200x32xf32, #tpu.memory_space<hbm>>
        %dma_wait3A_663 = tpu.memref_squeeze %dma_wait3A_662 : memref<1x200x32xf32, #tpu.memory_space<hbm>> -> memref<200x32xf32, #tpu.memory_space<hbm>>
        %dma_wait3A_664 = arith.constant 400 : i32
        %dma_wait3A_665 = arith.constant 0 : i32
        %dma_wait3A_666 = tpu.memref_slice %arg9[%dma_wait3A_664, %dma_wait3A_665] : memref<1600x32xf32, #tpu.memory_space<vmem>> -> memref<200x32xf32, #tpu.memory_space<vmem>>
        tpu.wait_dma2 semaphore(%arg14 : memref<!tpu.dma_semaphore, #tpu.memory_space<semaphore_mem>>) src(%dma_wait3A_666 : memref<200x32xf32, #tpu.memory_space<vmem>>) dst(%dma_wait3A_663 : memref<200x32xf32, #tpu.memory_space<hbm>>)
        %dma_wait3A_667 = arith.constant 2 : i32
        %dma_wait3A_668 = arith.constant 400 : i32
        %dma_wait3A_669 = tpu.memref_slice %arg7[%dma_wait3A_668] : memref<1600xi32, #tpu.memory_space<vmem>> -> memref<200xi32, #tpu.memory_space<vmem>>
        %dma_wait3A_670 = arith.constant 0 : i32
        %dma_wait3A_671 = tpu.memref_slice %arg2[%dma_wait3A_667, %dma_wait3A_670] : memref<16384x200xi32, #tpu.memory_space<hbm>> -> memref<1x200xi32, #tpu.memory_space<hbm>>
        %dma_wait3A_672 = tpu.memref_squeeze %dma_wait3A_671 : memref<1x200xi32, #tpu.memory_space<hbm>> -> memref<200xi32, #tpu.memory_space<hbm>>
        %dma_wait3A_673 = arith.constant 400 : i32
        %dma_wait3A_674 = tpu.memref_slice %arg7[%dma_wait3A_673] : memref<1600xi32, #tpu.memory_space<vmem>> -> memref<200xi32, #tpu.memory_space<vmem>>
        %dma_wait3A_675 = arith.constant 0 : i32
        %dma_wait3A_676 = tpu.memref_slice %arg2[%dma_wait3A_667, %dma_wait3A_675] : memref<16384x200xi32, #tpu.memory_space<hbm>> -> memref<1x200xi32, #tpu.memory_space<hbm>>
        %dma_wait3A_677 = tpu.memref_squeeze %dma_wait3A_676 : memref<1x200xi32, #tpu.memory_space<hbm>> -> memref<200xi32, #tpu.memory_space<hbm>>
        tpu.wait_dma2 semaphore(%arg16 : memref<!tpu.dma_semaphore, #tpu.memory_space<semaphore_mem>>) src(%dma_wait3A_677 : memref<200xi32, #tpu.memory_space<hbm>>) dst(%dma_wait3A_674 : memref<200xi32, #tpu.memory_space<vmem>>)
        %dma_wait3A_678 = arith.constant 3 : i32
        %dma_wait3A_679 = arith.constant 600 : i32
        %dma_wait3A_680 = arith.constant 0 : i32
        %dma_wait3A_681 = tpu.memref_slice %arg9[%dma_wait3A_679, %dma_wait3A_680] : memref<1600x32xf32, #tpu.memory_space<vmem>> -> memref<200x32xf32, #tpu.memory_space<vmem>>
        %dma_wait3A_682 = arith.constant 0 : i32
        %dma_wait3A_683 = arith.constant 0 : i32
        %dma_wait3A_684 = tpu.memref_slice %arg5[%dma_wait3A_678, %dma_wait3A_682, %dma_wait3A_683] : memref<16384x200x32xf32, #tpu.memory_space<hbm>> -> memref<1x200x32xf32, #tpu.memory_space<hbm>>
        %dma_wait3A_685 = tpu.memref_squeeze %dma_wait3A_684 : memref<1x200x32xf32, #tpu.memory_space<hbm>> -> memref<200x32xf32, #tpu.memory_space<hbm>>
        %dma_wait3A_686 = arith.constant 0 : i32
        %dma_wait3A_687 = arith.constant 0 : i32
        %dma_wait3A_688 = tpu.memref_slice %arg5[%dma_wait3A_678, %dma_wait3A_686, %dma_wait3A_687] : memref<16384x200x32xf32, #tpu.memory_space<hbm>> -> memref<1x200x32xf32, #tpu.memory_space<hbm>>
        %dma_wait3A_689 = tpu.memref_squeeze %dma_wait3A_688 : memref<1x200x32xf32, #tpu.memory_space<hbm>> -> memref<200x32xf32, #tpu.memory_space<hbm>>
        %dma_wait3A_690 = arith.constant 600 : i32
        %dma_wait3A_691 = arith.constant 0 : i32
        %dma_wait3A_692 = tpu.memref_slice %arg9[%dma_wait3A_690, %dma_wait3A_691] : memref<1600x32xf32, #tpu.memory_space<vmem>> -> memref<200x32xf32, #tpu.memory_space<vmem>>
        tpu.wait_dma2 semaphore(%arg14 : memref<!tpu.dma_semaphore, #tpu.memory_space<semaphore_mem>>) src(%dma_wait3A_692 : memref<200x32xf32, #tpu.memory_space<vmem>>) dst(%dma_wait3A_689 : memref<200x32xf32, #tpu.memory_space<hbm>>)
        %dma_wait3A_693 = arith.constant 3 : i32
        %dma_wait3A_694 = arith.constant 600 : i32
        %dma_wait3A_695 = tpu.memref_slice %arg7[%dma_wait3A_694] : memref<1600xi32, #tpu.memory_space<vmem>> -> memref<200xi32, #tpu.memory_space<vmem>>
        %dma_wait3A_696 = arith.constant 0 : i32
        %dma_wait3A_697 = tpu.memref_slice %arg2[%dma_wait3A_693, %dma_wait3A_696] : memref<16384x200xi32, #tpu.memory_space<hbm>> -> memref<1x200xi32, #tpu.memory_space<hbm>>
        %dma_wait3A_698 = tpu.memref_squeeze %dma_wait3A_697 : memref<1x200xi32, #tpu.memory_space<hbm>> -> memref<200xi32, #tpu.memory_space<hbm>>
        %dma_wait3A_699 = arith.constant 600 : i32
        %dma_wait3A_700 = tpu.memref_slice %arg7[%dma_wait3A_699] : memref<1600xi32, #tpu.memory_space<vmem>> -> memref<200xi32, #tpu.memory_space<vmem>>
        %dma_wait3A_701 = arith.constant 0 : i32
        %dma_wait3A_702 = tpu.memref_slice %arg2[%dma_wait3A_693, %dma_wait3A_701] : memref<16384x200xi32, #tpu.memory_space<hbm>> -> memref<1x200xi32, #tpu.memory_space<hbm>>
        %dma_wait3A_703 = tpu.memref_squeeze %dma_wait3A_702 : memref<1x200xi32, #tpu.memory_space<hbm>> -> memref<200xi32, #tpu.memory_space<hbm>>
        tpu.wait_dma2 semaphore(%arg16 : memref<!tpu.dma_semaphore, #tpu.memory_space<semaphore_mem>>) src(%dma_wait3A_703 : memref<200xi32, #tpu.memory_space<hbm>>) dst(%dma_wait3A_700 : memref<200xi32, #tpu.memory_space<vmem>>)
        %dma_wait3A_704 = arith.constant 4 : i32
        %dma_wait3A_705 = arith.constant 800 : i32
        %dma_wait3A_706 = arith.constant 0 : i32
        %dma_wait3A_707 = tpu.memref_slice %arg9[%dma_wait3A_705, %dma_wait3A_706] : memref<1600x32xf32, #tpu.memory_space<vmem>> -> memref<200x32xf32, #tpu.memory_space<vmem>>
        %dma_wait3A_708 = arith.constant 0 : i32
        %dma_wait3A_709 = arith.constant 0 : i32
        %dma_wait3A_710 = tpu.memref_slice %arg5[%dma_wait3A_704, %dma_wait3A_708, %dma_wait3A_709] : memref<16384x200x32xf32, #tpu.memory_space<hbm>> -> memref<1x200x32xf32, #tpu.memory_space<hbm>>
        %dma_wait3A_711 = tpu.memref_squeeze %dma_wait3A_710 : memref<1x200x32xf32, #tpu.memory_space<hbm>> -> memref<200x32xf32, #tpu.memory_space<hbm>>
        %dma_wait3A_712 = arith.constant 0 : i32
        %dma_wait3A_713 = arith.constant 0 : i32
        %dma_wait3A_714 = tpu.memref_slice %arg5[%dma_wait3A_704, %dma_wait3A_712, %dma_wait3A_713] : memref<16384x200x32xf32, #tpu.memory_space<hbm>> -> memref<1x200x32xf32, #tpu.memory_space<hbm>>
        %dma_wait3A_715 = tpu.memref_squeeze %dma_wait3A_714 : memref<1x200x32xf32, #tpu.memory_space<hbm>> -> memref<200x32xf32, #tpu.memory_space<hbm>>
        %dma_wait3A_716 = arith.constant 800 : i32
        %dma_wait3A_717 = arith.constant 0 : i32
        %dma_wait3A_718 = tpu.memref_slice %arg9[%dma_wait3A_716, %dma_wait3A_717] : memref<1600x32xf32, #tpu.memory_space<vmem>> -> memref<200x32xf32, #tpu.memory_space<vmem>>
        tpu.wait_dma2 semaphore(%arg14 : memref<!tpu.dma_semaphore, #tpu.memory_space<semaphore_mem>>) src(%dma_wait3A_718 : memref<200x32xf32, #tpu.memory_space<vmem>>) dst(%dma_wait3A_715 : memref<200x32xf32, #tpu.memory_space<hbm>>)
        %dma_wait3A_719 = arith.constant 4 : i32
        %dma_wait3A_720 = arith.constant 800 : i32
        %dma_wait3A_721 = tpu.memref_slice %arg7[%dma_wait3A_720] : memref<1600xi32, #tpu.memory_space<vmem>> -> memref<200xi32, #tpu.memory_space<vmem>>
        %dma_wait3A_722 = arith.constant 0 : i32
        %dma_wait3A_723 = tpu.memref_slice %arg2[%dma_wait3A_719, %dma_wait3A_722] : memref<16384x200xi32, #tpu.memory_space<hbm>> -> memref<1x200xi32, #tpu.memory_space<hbm>>
        %dma_wait3A_724 = tpu.memref_squeeze %dma_wait3A_723 : memref<1x200xi32, #tpu.memory_space<hbm>> -> memref<200xi32, #tpu.memory_space<hbm>>
        %dma_wait3A_725 = arith.constant 800 : i32
        %dma_wait3A_726 = tpu.memref_slice %arg7[%dma_wait3A_725] : memref<1600xi32, #tpu.memory_space<vmem>> -> memref<200xi32, #tpu.memory_space<vmem>>
        %dma_wait3A_727 = arith.constant 0 : i32
        %dma_wait3A_728 = tpu.memref_slice %arg2[%dma_wait3A_719, %dma_wait3A_727] : memref<16384x200xi32, #tpu.memory_space<hbm>> -> memref<1x200xi32, #tpu.memory_space<hbm>>
        %dma_wait3A_729 = tpu.memref_squeeze %dma_wait3A_728 : memref<1x200xi32, #tpu.memory_space<hbm>> -> memref<200xi32, #tpu.memory_space<hbm>>
        tpu.wait_dma2 semaphore(%arg16 : memref<!tpu.dma_semaphore, #tpu.memory_space<semaphore_mem>>) src(%dma_wait3A_729 : memref<200xi32, #tpu.memory_space<hbm>>) dst(%dma_wait3A_726 : memref<200xi32, #tpu.memory_space<vmem>>)
        %dma_wait3A_730 = arith.constant 5 : i32
        %dma_wait3A_731 = arith.constant 1000 : i32
        %dma_wait3A_732 = arith.constant 0 : i32
        %dma_wait3A_733 = tpu.memref_slice %arg9[%dma_wait3A_731, %dma_wait3A_732] : memref<1600x32xf32, #tpu.memory_space<vmem>> -> memref<200x32xf32, #tpu.memory_space<vmem>>
        %dma_wait3A_734 = arith.constant 0 : i32
        %dma_wait3A_735 = arith.constant 0 : i32
        %dma_wait3A_736 = tpu.memref_slice %arg5[%dma_wait3A_730, %dma_wait3A_734, %dma_wait3A_735] : memref<16384x200x32xf32, #tpu.memory_space<hbm>> -> memref<1x200x32xf32, #tpu.memory_space<hbm>>
        %dma_wait3A_737 = tpu.memref_squeeze %dma_wait3A_736 : memref<1x200x32xf32, #tpu.memory_space<hbm>> -> memref<200x32xf32, #tpu.memory_space<hbm>>
        %dma_wait3A_738 = arith.constant 0 : i32
        %dma_wait3A_739 = arith.constant 0 : i32
        %dma_wait3A_740 = tpu.memref_slice %arg5[%dma_wait3A_730, %dma_wait3A_738, %dma_wait3A_739] : memref<16384x200x32xf32, #tpu.memory_space<hbm>> -> memref<1x200x32xf32, #tpu.memory_space<hbm>>
        %dma_wait3A_741 = tpu.memref_squeeze %dma_wait3A_740 : memref<1x200x32xf32, #tpu.memory_space<hbm>> -> memref<200x32xf32, #tpu.memory_space<hbm>>
        %dma_wait3A_742 = arith.constant 1000 : i32
        %dma_wait3A_743 = arith.constant 0 : i32
        %dma_wait3A_744 = tpu.memref_slice %arg9[%dma_wait3A_742, %dma_wait3A_743] : memref<1600x32xf32, #tpu.memory_space<vmem>> -> memref<200x32xf32, #tpu.memory_space<vmem>>
        tpu.wait_dma2 semaphore(%arg14 : memref<!tpu.dma_semaphore, #tpu.memory_space<semaphore_mem>>) src(%dma_wait3A_744 : memref<200x32xf32, #tpu.memory_space<vmem>>) dst(%dma_wait3A_741 : memref<200x32xf32, #tpu.memory_space<hbm>>)
        %dma_wait3A_745 = arith.constant 5 : i32
        %dma_wait3A_746 = arith.constant 1000 : i32
        %dma_wait3A_747 = tpu.memref_slice %arg7[%dma_wait3A_746] : memref<1600xi32, #tpu.memory_space<vmem>> -> memref<200xi32, #tpu.memory_space<vmem>>
        %dma_wait3A_748 = arith.constant 0 : i32
        %dma_wait3A_749 = tpu.memref_slice %arg2[%dma_wait3A_745, %dma_wait3A_748] : memref<16384x200xi32, #tpu.memory_space<hbm>> -> memref<1x200xi32, #tpu.memory_space<hbm>>
        %dma_wait3A_750 = tpu.memref_squeeze %dma_wait3A_749 : memref<1x200xi32, #tpu.memory_space<hbm>> -> memref<200xi32, #tpu.memory_space<hbm>>
        %dma_wait3A_751 = arith.constant 1000 : i32
        %dma_wait3A_752 = tpu.memref_slice %arg7[%dma_wait3A_751] : memref<1600xi32, #tpu.memory_space<vmem>> -> memref<200xi32, #tpu.memory_space<vmem>>
        %dma_wait3A_753 = arith.constant 0 : i32
        %dma_wait3A_754 = tpu.memref_slice %arg2[%dma_wait3A_745, %dma_wait3A_753] : memref<16384x200xi32, #tpu.memory_space<hbm>> -> memref<1x200xi32, #tpu.memory_space<hbm>>
        %dma_wait3A_755 = tpu.memref_squeeze %dma_wait3A_754 : memref<1x200xi32, #tpu.memory_space<hbm>> -> memref<200xi32, #tpu.memory_space<hbm>>
        tpu.wait_dma2 semaphore(%arg16 : memref<!tpu.dma_semaphore, #tpu.memory_space<semaphore_mem>>) src(%dma_wait3A_755 : memref<200xi32, #tpu.memory_space<hbm>>) dst(%dma_wait3A_752 : memref<200xi32, #tpu.memory_space<vmem>>)
        %dma_wait3A_756 = arith.constant 6 : i32
        %dma_wait3A_757 = arith.constant 1200 : i32
        %dma_wait3A_758 = arith.constant 0 : i32
        %dma_wait3A_759 = tpu.memref_slice %arg9[%dma_wait3A_757, %dma_wait3A_758] : memref<1600x32xf32, #tpu.memory_space<vmem>> -> memref<200x32xf32, #tpu.memory_space<vmem>>
        %dma_wait3A_760 = arith.constant 0 : i32
        %dma_wait3A_761 = arith.constant 0 : i32
        %dma_wait3A_762 = tpu.memref_slice %arg5[%dma_wait3A_756, %dma_wait3A_760, %dma_wait3A_761] : memref<16384x200x32xf32, #tpu.memory_space<hbm>> -> memref<1x200x32xf32, #tpu.memory_space<hbm>>
        %dma_wait3A_763 = tpu.memref_squeeze %dma_wait3A_762 : memref<1x200x32xf32, #tpu.memory_space<hbm>> -> memref<200x32xf32, #tpu.memory_space<hbm>>
        %dma_wait3A_764 = arith.constant 0 : i32
        %dma_wait3A_765 = arith.constant 0 : i32
        %dma_wait3A_766 = tpu.memref_slice %arg5[%dma_wait3A_756, %dma_wait3A_764, %dma_wait3A_765] : memref<16384x200x32xf32, #tpu.memory_space<hbm>> -> memref<1x200x32xf32, #tpu.memory_space<hbm>>
        %dma_wait3A_767 = tpu.memref_squeeze %dma_wait3A_766 : memref<1x200x32xf32, #tpu.memory_space<hbm>> -> memref<200x32xf32, #tpu.memory_space<hbm>>
        %dma_wait3A_768 = arith.constant 1200 : i32
        %dma_wait3A_769 = arith.constant 0 : i32
        %dma_wait3A_770 = tpu.memref_slice %arg9[%dma_wait3A_768, %dma_wait3A_769] : memref<1600x32xf32, #tpu.memory_space<vmem>> -> memref<200x32xf32, #tpu.memory_space<vmem>>
        tpu.wait_dma2 semaphore(%arg14 : memref<!tpu.dma_semaphore, #tpu.memory_space<semaphore_mem>>) src(%dma_wait3A_770 : memref<200x32xf32, #tpu.memory_space<vmem>>) dst(%dma_wait3A_767 : memref<200x32xf32, #tpu.memory_space<hbm>>)
        %dma_wait3A_771 = arith.constant 6 : i32
        %dma_wait3A_772 = arith.constant 1200 : i32
        %dma_wait3A_773 = tpu.memref_slice %arg7[%dma_wait3A_772] : memref<1600xi32, #tpu.memory_space<vmem>> -> memref<200xi32, #tpu.memory_space<vmem>>
        %dma_wait3A_774 = arith.constant 0 : i32
        %dma_wait3A_775 = tpu.memref_slice %arg2[%dma_wait3A_771, %dma_wait3A_774] : memref<16384x200xi32, #tpu.memory_space<hbm>> -> memref<1x200xi32, #tpu.memory_space<hbm>>
        %dma_wait3A_776 = tpu.memref_squeeze %dma_wait3A_775 : memref<1x200xi32, #tpu.memory_space<hbm>> -> memref<200xi32, #tpu.memory_space<hbm>>
        %dma_wait3A_777 = arith.constant 1200 : i32
        %dma_wait3A_778 = tpu.memref_slice %arg7[%dma_wait3A_777] : memref<1600xi32, #tpu.memory_space<vmem>> -> memref<200xi32, #tpu.memory_space<vmem>>
        %dma_wait3A_779 = arith.constant 0 : i32
        %dma_wait3A_780 = tpu.memref_slice %arg2[%dma_wait3A_771, %dma_wait3A_779] : memref<16384x200xi32, #tpu.memory_space<hbm>> -> memref<1x200xi32, #tpu.memory_space<hbm>>
        %dma_wait3A_781 = tpu.memref_squeeze %dma_wait3A_780 : memref<1x200xi32, #tpu.memory_space<hbm>> -> memref<200xi32, #tpu.memory_space<hbm>>
        tpu.wait_dma2 semaphore(%arg16 : memref<!tpu.dma_semaphore, #tpu.memory_space<semaphore_mem>>) src(%dma_wait3A_781 : memref<200xi32, #tpu.memory_space<hbm>>) dst(%dma_wait3A_778 : memref<200xi32, #tpu.memory_space<vmem>>)
        %dma_wait3A_782 = arith.constant 7 : i32
        %dma_wait3A_783 = arith.constant 1400 : i32
        %dma_wait3A_784 = arith.constant 0 : i32
        %dma_wait3A_785 = tpu.memref_slice %arg9[%dma_wait3A_783, %dma_wait3A_784] : memref<1600x32xf32, #tpu.memory_space<vmem>> -> memref<200x32xf32, #tpu.memory_space<vmem>>
        %dma_wait3A_786 = arith.constant 0 : i32
        %dma_wait3A_787 = arith.constant 0 : i32
        %dma_wait3A_788 = tpu.memref_slice %arg5[%dma_wait3A_782, %dma_wait3A_786, %dma_wait3A_787] : memref<16384x200x32xf32, #tpu.memory_space<hbm>> -> memref<1x200x32xf32, #tpu.memory_space<hbm>>
        %dma_wait3A_789 = tpu.memref_squeeze %dma_wait3A_788 : memref<1x200x32xf32, #tpu.memory_space<hbm>> -> memref<200x32xf32, #tpu.memory_space<hbm>>
        %dma_wait3A_790 = arith.constant 0 : i32
        %dma_wait3A_791 = arith.constant 0 : i32
        %dma_wait3A_792 = tpu.memref_slice %arg5[%dma_wait3A_782, %dma_wait3A_790, %dma_wait3A_791] : memref<16384x200x32xf32, #tpu.memory_space<hbm>> -> memref<1x200x32xf32, #tpu.memory_space<hbm>>
        %dma_wait3A_793 = tpu.memref_squeeze %dma_wait3A_792 : memref<1x200x32xf32, #tpu.memory_space<hbm>> -> memref<200x32xf32, #tpu.memory_space<hbm>>
        %dma_wait3A_794 = arith.constant 1400 : i32
        %dma_wait3A_795 = arith.constant 0 : i32
        %dma_wait3A_796 = tpu.memref_slice %arg9[%dma_wait3A_794, %dma_wait3A_795] : memref<1600x32xf32, #tpu.memory_space<vmem>> -> memref<200x32xf32, #tpu.memory_space<vmem>>
        tpu.wait_dma2 semaphore(%arg14 : memref<!tpu.dma_semaphore, #tpu.memory_space<semaphore_mem>>) src(%dma_wait3A_796 : memref<200x32xf32, #tpu.memory_space<vmem>>) dst(%dma_wait3A_793 : memref<200x32xf32, #tpu.memory_space<hbm>>)
        %dma_wait3A_797 = arith.constant 7 : i32
        %dma_wait3A_798 = arith.constant 1400 : i32
        %dma_wait3A_799 = tpu.memref_slice %arg7[%dma_wait3A_798] : memref<1600xi32, #tpu.memory_space<vmem>> -> memref<200xi32, #tpu.memory_space<vmem>>
        %dma_wait3A_800 = arith.constant 0 : i32
        %dma_wait3A_801 = tpu.memref_slice %arg2[%dma_wait3A_797, %dma_wait3A_800] : memref<16384x200xi32, #tpu.memory_space<hbm>> -> memref<1x200xi32, #tpu.memory_space<hbm>>
        %dma_wait3A_802 = tpu.memref_squeeze %dma_wait3A_801 : memref<1x200xi32, #tpu.memory_space<hbm>> -> memref<200xi32, #tpu.memory_space<hbm>>
        %dma_wait3A_803 = arith.constant 1400 : i32
        %dma_wait3A_804 = tpu.memref_slice %arg7[%dma_wait3A_803] : memref<1600xi32, #tpu.memory_space<vmem>> -> memref<200xi32, #tpu.memory_space<vmem>>
        %dma_wait3A_805 = arith.constant 0 : i32
        %dma_wait3A_806 = tpu.memref_slice %arg2[%dma_wait3A_797, %dma_wait3A_805] : memref<16384x200xi32, #tpu.memory_space<hbm>> -> memref<1x200xi32, #tpu.memory_space<hbm>>
        %dma_wait3A_807 = tpu.memref_squeeze %dma_wait3A_806 : memref<1x200xi32, #tpu.memory_space<hbm>> -> memref<200xi32, #tpu.memory_space<hbm>>
        tpu.wait_dma2 semaphore(%arg16 : memref<!tpu.dma_semaphore, #tpu.memory_space<semaphore_mem>>) src(%dma_wait3A_807 : memref<200xi32, #tpu.memory_space<hbm>>) dst(%dma_wait3A_804 : memref<200xi32, #tpu.memory_space<vmem>>)
        %dma_start3A_808 = arith.constant 0 : i32
        %dma_start3A_809 = arith.constant 0 : i32
        %dma_start3A_810 = tpu.memref_slice %arg3[%dma_start3A_808, %dma_start3A_809] : memref<1000000x32xf32, #tpu.memory_space<hbm>> -> memref<1000000x32xf32, #tpu.memory_space<hbm>>
        tpu.enqueue_indirect_dma source(%dma_start3A_810 : memref<1000000x32xf32, #tpu.memory_space<hbm>>) target(%arg9 : memref<1600x32xf32, #tpu.memory_space<vmem>>) offsets(%arg7 : memref<1600xi32, #tpu.memory_space<vmem>>) semaphore(%arg12 : memref<!tpu.dma_semaphore, #tpu.memory_space<semaphore_mem>>)
      } else {
      }
      %mul3A_442 = arith.constant 2 : i32
      %mul3A_443 = arith.muli %scan3A_289, %mul3A_442 : i32
      %add3A_444 = arith.constant 1 : i32
      %add3A_445 = arith.addi %mul3A_443, %add3A_444 : i32
      %mul3A_446 = arith.constant 8 : i32
      %mul3A_447 = arith.muli %add3A_445, %mul3A_446 : i32
      %add3A_448 = arith.addi %mul3A_2, %mul3A_447 : i32
      %dma_wait3A_449 = arith.constant 0 : i32
      %dma_wait3A_450 = arith.constant 0 : i32
      %dma_wait3A_451 = tpu.memref_slice %arg3[%dma_wait3A_449, %dma_wait3A_450] : memref<1000000x32xf32, #tpu.memory_space<hbm>> -> memref<1000000x32xf32, #tpu.memory_space<hbm>>
      tpu.wait_indirect_dma semaphore(%arg12 : memref<!tpu.dma_semaphore, #tpu.memory_space<semaphore_mem>>) src(%dma_wait3A_451 : memref<1000000x32xf32, #tpu.memory_space<hbm>>) dst(%arg9 : memref<1600x32xf32, #tpu.memory_space<vmem>>)
      %add3A_452 = arith.constant 2 : i32
      %add3A_453 = arith.addi %add3A_445, %add3A_452 : i32
      %lt3A_454 = arith.constant 64 : i32
      %lt3A_455 = arith.cmpi slt, %add3A_453, %lt3A_454 : i32
      %convert_element_type3A_456 = arith.extui %lt3A_455 : i1 to i32
      %cond3A_457 = arith.constant 0 : i32
      %cond3A_458 = arith.cmpi ne, %convert_element_type3A_456, %cond3A_457 : i32
      scf.if %cond3A_458 {
        %add3A_600 = arith.constant 2 : i32
        %add3A_601 = arith.addi %add3A_445, %add3A_600 : i32
        %mul3A_602 = arith.constant 8 : i32
        %mul3A_603 = arith.muli %add3A_601, %mul3A_602 : i32
        %add3A_604 = arith.addi %mul3A_2, %mul3A_603 : i32
        %add3A_605 = arith.constant 0 : i32
        %add3A_606 = arith.addi %add3A_604, %add3A_605 : i32
        %dma_start3A_607 = arith.constant 0 : i32
        %dma_start3A_608 = tpu.memref_slice %arg7[%dma_start3A_607] : memref<1600xi32, #tpu.memory_space<vmem>> -> memref<200xi32, #tpu.memory_space<vmem>>
        %dma_start3A_609 = arith.constant 0 : i32
        %dma_start3A_610 = tpu.memref_slice %arg2[%add3A_606, %dma_start3A_609] : memref<16384x200xi32, #tpu.memory_space<hbm>> -> memref<1x200xi32, #tpu.memory_space<hbm>>
        %dma_start3A_611 = tpu.memref_squeeze %dma_start3A_610 : memref<1x200xi32, #tpu.memory_space<hbm>> -> memref<200xi32, #tpu.memory_space<hbm>>
        %dma_start3A_612 = arith.constant 0 : i32
        %dma_start3A_613 = tpu.memref_slice %arg7[%dma_start3A_612] : memref<1600xi32, #tpu.memory_space<vmem>> -> memref<200xi32, #tpu.memory_space<vmem>>
        %dma_start3A_614 = arith.constant 0 : i32
        %dma_start3A_615 = tpu.memref_slice %arg2[%add3A_606, %dma_start3A_614] : memref<16384x200xi32, #tpu.memory_space<hbm>> -> memref<1x200xi32, #tpu.memory_space<hbm>>
        %dma_start3A_616 = tpu.memref_squeeze %dma_start3A_615 : memref<1x200xi32, #tpu.memory_space<hbm>> -> memref<200xi32, #tpu.memory_space<hbm>>
        tpu.enqueue_dma source(%dma_start3A_616 : memref<200xi32, #tpu.memory_space<hbm>>) target(%dma_start3A_613 : memref<200xi32, #tpu.memory_space<vmem>>) target_semaphore(%arg16 : memref<!tpu.dma_semaphore, #tpu.memory_space<semaphore_mem>>)
        %add3A_617 = arith.constant 1 : i32
        %add3A_618 = arith.addi %add3A_604, %add3A_617 : i32
        %dma_start3A_619 = arith.constant 200 : i32
        %dma_start3A_620 = tpu.memref_slice %arg7[%dma_start3A_619] : memref<1600xi32, #tpu.memory_space<vmem>> -> memref<200xi32, #tpu.memory_space<vmem>>
        %dma_start3A_621 = arith.constant 0 : i32
        %dma_start3A_622 = tpu.memref_slice %arg2[%add3A_618, %dma_start3A_621] : memref<16384x200xi32, #tpu.memory_space<hbm>> -> memref<1x200xi32, #tpu.memory_space<hbm>>
        %dma_start3A_623 = tpu.memref_squeeze %dma_start3A_622 : memref<1x200xi32, #tpu.memory_space<hbm>> -> memref<200xi32, #tpu.memory_space<hbm>>
        %dma_start3A_624 = arith.constant 200 : i32
        %dma_start3A_625 = tpu.memref_slice %arg7[%dma_start3A_624] : memref<1600xi32, #tpu.memory_space<vmem>> -> memref<200xi32, #tpu.memory_space<vmem>>
        %dma_start3A_626 = arith.constant 0 : i32
        %dma_start3A_627 = tpu.memref_slice %arg2[%add3A_618, %dma_start3A_626] : memref<16384x200xi32, #tpu.memory_space<hbm>> -> memref<1x200xi32, #tpu.memory_space<hbm>>
        %dma_start3A_628 = tpu.memref_squeeze %dma_start3A_627 : memref<1x200xi32, #tpu.memory_space<hbm>> -> memref<200xi32, #tpu.memory_space<hbm>>
        tpu.enqueue_dma source(%dma_start3A_628 : memref<200xi32, #tpu.memory_space<hbm>>) target(%dma_start3A_625 : memref<200xi32, #tpu.memory_space<vmem>>) target_semaphore(%arg16 : memref<!tpu.dma_semaphore, #tpu.memory_space<semaphore_mem>>)
        %add3A_629 = arith.constant 2 : i32
        %add3A_630 = arith.addi %add3A_604, %add3A_629 : i32
        %dma_start3A_631 = arith.constant 400 : i32
        %dma_start3A_632 = tpu.memref_slice %arg7[%dma_start3A_631] : memref<1600xi32, #tpu.memory_space<vmem>> -> memref<200xi32, #tpu.memory_space<vmem>>
        %dma_start3A_633 = arith.constant 0 : i32
        %dma_start3A_634 = tpu.memref_slice %arg2[%add3A_630, %dma_start3A_633] : memref<16384x200xi32, #tpu.memory_space<hbm>> -> memref<1x200xi32, #tpu.memory_space<hbm>>
        %dma_start3A_635 = tpu.memref_squeeze %dma_start3A_634 : memref<1x200xi32, #tpu.memory_space<hbm>> -> memref<200xi32, #tpu.memory_space<hbm>>
        %dma_start3A_636 = arith.constant 400 : i32
        %dma_start3A_637 = tpu.memref_slice %arg7[%dma_start3A_636] : memref<1600xi32, #tpu.memory_space<vmem>> -> memref<200xi32, #tpu.memory_space<vmem>>
        %dma_start3A_638 = arith.constant 0 : i32
        %dma_start3A_639 = tpu.memref_slice %arg2[%add3A_630, %dma_start3A_638] : memref<16384x200xi32, #tpu.memory_space<hbm>> -> memref<1x200xi32, #tpu.memory_space<hbm>>
        %dma_start3A_640 = tpu.memref_squeeze %dma_start3A_639 : memref<1x200xi32, #tpu.memory_space<hbm>> -> memref<200xi32, #tpu.memory_space<hbm>>
        tpu.enqueue_dma source(%dma_start3A_640 : memref<200xi32, #tpu.memory_space<hbm>>) target(%dma_start3A_637 : memref<200xi32, #tpu.memory_space<vmem>>) target_semaphore(%arg16 : memref<!tpu.dma_semaphore, #tpu.memory_space<semaphore_mem>>)
        %add3A_641 = arith.constant 3 : i32
        %add3A_642 = arith.addi %add3A_604, %add3A_641 : i32
        %dma_start3A_643 = arith.constant 600 : i32
        %dma_start3A_644 = tpu.memref_slice %arg7[%dma_start3A_643] : memref<1600xi32, #tpu.memory_space<vmem>> -> memref<200xi32, #tpu.memory_space<vmem>>
        %dma_start3A_645 = arith.constant 0 : i32
        %dma_start3A_646 = tpu.memref_slice %arg2[%add3A_642, %dma_start3A_645] : memref<16384x200xi32, #tpu.memory_space<hbm>> -> memref<1x200xi32, #tpu.memory_space<hbm>>
        %dma_start3A_647 = tpu.memref_squeeze %dma_start3A_646 : memref<1x200xi32, #tpu.memory_space<hbm>> -> memref<200xi32, #tpu.memory_space<hbm>>
        %dma_start3A_648 = arith.constant 600 : i32
        %dma_start3A_649 = tpu.memref_slice %arg7[%dma_start3A_648] : memref<1600xi32, #tpu.memory_space<vmem>> -> memref<200xi32, #tpu.memory_space<vmem>>
        %dma_start3A_650 = arith.constant 0 : i32
        %dma_start3A_651 = tpu.memref_slice %arg2[%add3A_642, %dma_start3A_650] : memref<16384x200xi32, #tpu.memory_space<hbm>> -> memref<1x200xi32, #tpu.memory_space<hbm>>
        %dma_start3A_652 = tpu.memref_squeeze %dma_start3A_651 : memref<1x200xi32, #tpu.memory_space<hbm>> -> memref<200xi32, #tpu.memory_space<hbm>>
        tpu.enqueue_dma source(%dma_start3A_652 : memref<200xi32, #tpu.memory_space<hbm>>) target(%dma_start3A_649 : memref<200xi32, #tpu.memory_space<vmem>>) target_semaphore(%arg16 : memref<!tpu.dma_semaphore, #tpu.memory_space<semaphore_mem>>)
        %add3A_653 = arith.constant 4 : i32
        %add3A_654 = arith.addi %add3A_604, %add3A_653 : i32
        %dma_start3A_655 = arith.constant 800 : i32
        %dma_start3A_656 = tpu.memref_slice %arg7[%dma_start3A_655] : memref<1600xi32, #tpu.memory_space<vmem>> -> memref<200xi32, #tpu.memory_space<vmem>>
        %dma_start3A_657 = arith.constant 0 : i32
        %dma_start3A_658 = tpu.memref_slice %arg2[%add3A_654, %dma_start3A_657] : memref<16384x200xi32, #tpu.memory_space<hbm>> -> memref<1x200xi32, #tpu.memory_space<hbm>>
        %dma_start3A_659 = tpu.memref_squeeze %dma_start3A_658 : memref<1x200xi32, #tpu.memory_space<hbm>> -> memref<200xi32, #tpu.memory_space<hbm>>
        %dma_start3A_660 = arith.constant 800 : i32
        %dma_start3A_661 = tpu.memref_slice %arg7[%dma_start3A_660] : memref<1600xi32, #tpu.memory_space<vmem>> -> memref<200xi32, #tpu.memory_space<vmem>>
        %dma_start3A_662 = arith.constant 0 : i32
        %dma_start3A_663 = tpu.memref_slice %arg2[%add3A_654, %dma_start3A_662] : memref<16384x200xi32, #tpu.memory_space<hbm>> -> memref<1x200xi32, #tpu.memory_space<hbm>>
        %dma_start3A_664 = tpu.memref_squeeze %dma_start3A_663 : memref<1x200xi32, #tpu.memory_space<hbm>> -> memref<200xi32, #tpu.memory_space<hbm>>
        tpu.enqueue_dma source(%dma_start3A_664 : memref<200xi32, #tpu.memory_space<hbm>>) target(%dma_start3A_661 : memref<200xi32, #tpu.memory_space<vmem>>) target_semaphore(%arg16 : memref<!tpu.dma_semaphore, #tpu.memory_space<semaphore_mem>>)
        %add3A_665 = arith.constant 5 : i32
        %add3A_666 = arith.addi %add3A_604, %add3A_665 : i32
        %dma_start3A_667 = arith.constant 1000 : i32
        %dma_start3A_668 = tpu.memref_slice %arg7[%dma_start3A_667] : memref<1600xi32, #tpu.memory_space<vmem>> -> memref<200xi32, #tpu.memory_space<vmem>>
        %dma_start3A_669 = arith.constant 0 : i32
        %dma_start3A_670 = tpu.memref_slice %arg2[%add3A_666, %dma_start3A_669] : memref<16384x200xi32, #tpu.memory_space<hbm>> -> memref<1x200xi32, #tpu.memory_space<hbm>>
        %dma_start3A_671 = tpu.memref_squeeze %dma_start3A_670 : memref<1x200xi32, #tpu.memory_space<hbm>> -> memref<200xi32, #tpu.memory_space<hbm>>
        %dma_start3A_672 = arith.constant 1000 : i32
        %dma_start3A_673 = tpu.memref_slice %arg7[%dma_start3A_672] : memref<1600xi32, #tpu.memory_space<vmem>> -> memref<200xi32, #tpu.memory_space<vmem>>
        %dma_start3A_674 = arith.constant 0 : i32
        %dma_start3A_675 = tpu.memref_slice %arg2[%add3A_666, %dma_start3A_674] : memref<16384x200xi32, #tpu.memory_space<hbm>> -> memref<1x200xi32, #tpu.memory_space<hbm>>
        %dma_start3A_676 = tpu.memref_squeeze %dma_start3A_675 : memref<1x200xi32, #tpu.memory_space<hbm>> -> memref<200xi32, #tpu.memory_space<hbm>>
        tpu.enqueue_dma source(%dma_start3A_676 : memref<200xi32, #tpu.memory_space<hbm>>) target(%dma_start3A_673 : memref<200xi32, #tpu.memory_space<vmem>>) target_semaphore(%arg16 : memref<!tpu.dma_semaphore, #tpu.memory_space<semaphore_mem>>)
        %add3A_677 = arith.constant 6 : i32
        %add3A_678 = arith.addi %add3A_604, %add3A_677 : i32
        %dma_start3A_679 = arith.constant 1200 : i32
        %dma_start3A_680 = tpu.memref_slice %arg7[%dma_start3A_679] : memref<1600xi32, #tpu.memory_space<vmem>> -> memref<200xi32, #tpu.memory_space<vmem>>
        %dma_start3A_681 = arith.constant 0 : i32
        %dma_start3A_682 = tpu.memref_slice %arg2[%add3A_678, %dma_start3A_681] : memref<16384x200xi32, #tpu.memory_space<hbm>> -> memref<1x200xi32, #tpu.memory_space<hbm>>
        %dma_start3A_683 = tpu.memref_squeeze %dma_start3A_682 : memref<1x200xi32, #tpu.memory_space<hbm>> -> memref<200xi32, #tpu.memory_space<hbm>>
        %dma_start3A_684 = arith.constant 1200 : i32
        %dma_start3A_685 = tpu.memref_slice %arg7[%dma_start3A_684] : memref<1600xi32, #tpu.memory_space<vmem>> -> memref<200xi32, #tpu.memory_space<vmem>>
        %dma_start3A_686 = arith.constant 0 : i32
        %dma_start3A_687 = tpu.memref_slice %arg2[%add3A_678, %dma_start3A_686] : memref<16384x200xi32, #tpu.memory_space<hbm>> -> memref<1x200xi32, #tpu.memory_space<hbm>>
        %dma_start3A_688 = tpu.memref_squeeze %dma_start3A_687 : memref<1x200xi32, #tpu.memory_space<hbm>> -> memref<200xi32, #tpu.memory_space<hbm>>
        tpu.enqueue_dma source(%dma_start3A_688 : memref<200xi32, #tpu.memory_space<hbm>>) target(%dma_start3A_685 : memref<200xi32, #tpu.memory_space<vmem>>) target_semaphore(%arg16 : memref<!tpu.dma_semaphore, #tpu.memory_space<semaphore_mem>>)
        %add3A_689 = arith.constant 7 : i32
        %add3A_690 = arith.addi %add3A_604, %add3A_689 : i32
        %dma_start3A_691 = arith.constant 1400 : i32
        %dma_start3A_692 = tpu.memref_slice %arg7[%dma_start3A_691] : memref<1600xi32, #tpu.memory_space<vmem>> -> memref<200xi32, #tpu.memory_space<vmem>>
        %dma_start3A_693 = arith.constant 0 : i32
        %dma_start3A_694 = tpu.memref_slice %arg2[%add3A_690, %dma_start3A_693] : memref<16384x200xi32, #tpu.memory_space<hbm>> -> memref<1x200xi32, #tpu.memory_space<hbm>>
        %dma_start3A_695 = tpu.memref_squeeze %dma_start3A_694 : memref<1x200xi32, #tpu.memory_space<hbm>> -> memref<200xi32, #tpu.memory_space<hbm>>
        %dma_start3A_696 = arith.constant 1400 : i32
        %dma_start3A_697 = tpu.memref_slice %arg7[%dma_start3A_696] : memref<1600xi32, #tpu.memory_space<vmem>> -> memref<200xi32, #tpu.memory_space<vmem>>
        %dma_start3A_698 = arith.constant 0 : i32
        %dma_start3A_699 = tpu.memref_slice %arg2[%add3A_690, %dma_start3A_698] : memref<16384x200xi32, #tpu.memory_space<hbm>> -> memref<1x200xi32, #tpu.memory_space<hbm>>
        %dma_start3A_700 = tpu.memref_squeeze %dma_start3A_699 : memref<1x200xi32, #tpu.memory_space<hbm>> -> memref<200xi32, #tpu.memory_space<hbm>>
        tpu.enqueue_dma source(%dma_start3A_700 : memref<200xi32, #tpu.memory_space<hbm>>) target(%dma_start3A_697 : memref<200xi32, #tpu.memory_space<vmem>>) target_semaphore(%arg16 : memref<!tpu.dma_semaphore, #tpu.memory_space<semaphore_mem>>)
      } else {
      }
      %parallel_loop3A_459 = arith.constant 0 : i32
      %parallel_loop3A_460 = arith.constant 200 : i32
      %parallel_loop3A_461 = arith.constant 1 : i32
      scf.for %parallel_loop3A_600 = %parallel_loop3A_459 to %parallel_loop3A_460 step %parallel_loop3A_461  : i32 {
        %parallel_loop3A_601 = arith.index_cast %parallel_loop3A_600 : i32 to index
        %parallel_loop3A_602 = arith.constant 0 : index
        %parallel_loop3A_603 = tpu.vector_load %arg10[%parallel_loop3A_601, %parallel_loop3A_602] {strides = array<i32>} : memref<200x32xf32, #tpu.memory_space<vmem>>, vector<1x16xf32>,
        %parallel_loop3A_604 = vector.shape_cast %parallel_loop3A_603 : vector<1x16xf32> to vector<16xf32>
        %parallel_loop3A_605 = arith.constant 0 : i32
        %parallel_loop3A_606 = arith.addi %parallel_loop3A_605, %parallel_loop3A_600 : i32
        %parallel_loop3A_607 = arith.index_cast %parallel_loop3A_606 : i32 to index
        %parallel_loop3A_608 = arith.constant 0 : index
        %parallel_loop3A_609 = tpu.vector_load %arg9[%parallel_loop3A_607, %parallel_loop3A_608] {strides = array<i32>} : memref<1600x32xf32, #tpu.memory_space<vmem>>, vector<1x16xf32>,
        %parallel_loop3A_610 = vector.shape_cast %parallel_loop3A_609 : vector<1x16xf32> to vector<16xf32>
        %parallel_loop3A_611 = vector.shape_cast %parallel_loop3A_604 : vector<16xf32> to vector<1x16xf32>
        tpu.vector_store %arg9[%parallel_loop3A_607, %parallel_loop3A_608], %parallel_loop3A_611 {add = true, strides = array<i32>} : memref<1600x32xf32, #tpu.memory_space<vmem>>, vector<1x16xf32>,
        %parallel_loop3A_612 = arith.constant 200 : i32
        %parallel_loop3A_613 = arith.addi %parallel_loop3A_612, %parallel_loop3A_600 : i32
        %parallel_loop3A_614 = arith.index_cast %parallel_loop3A_613 : i32 to index
        %parallel_loop3A_615 = arith.constant 0 : index
        %parallel_loop3A_616 = tpu.vector_load %arg9[%parallel_loop3A_614, %parallel_loop3A_615] {strides = array<i32>} : memref<1600x32xf32, #tpu.memory_space<vmem>>, vector<1x16xf32>,
        %parallel_loop3A_617 = vector.shape_cast %parallel_loop3A_616 : vector<1x16xf32> to vector<16xf32>
        %parallel_loop3A_618 = vector.shape_cast %parallel_loop3A_604 : vector<16xf32> to vector<1x16xf32>
        tpu.vector_store %arg9[%parallel_loop3A_614, %parallel_loop3A_615], %parallel_loop3A_618 {add = true, strides = array<i32>} : memref<1600x32xf32, #tpu.memory_space<vmem>>, vector<1x16xf32>,
        %parallel_loop3A_619 = arith.constant 400 : i32
        %parallel_loop3A_620 = arith.addi %parallel_loop3A_619, %parallel_loop3A_600 : i32
        %parallel_loop3A_621 = arith.index_cast %parallel_loop3A_620 : i32 to index
        %parallel_loop3A_622 = arith.constant 0 : index
        %parallel_loop3A_623 = tpu.vector_load %arg9[%parallel_loop3A_621, %parallel_loop3A_622] {strides = array<i32>} : memref<1600x32xf32, #tpu.memory_space<vmem>>, vector<1x16xf32>,
        %parallel_loop3A_624 = vector.shape_cast %parallel_loop3A_623 : vector<1x16xf32> to vector<16xf32>
        %parallel_loop3A_625 = vector.shape_cast %parallel_loop3A_604 : vector<16xf32> to vector<1x16xf32>
        tpu.vector_store %arg9[%parallel_loop3A_621, %parallel_loop3A_622], %parallel_loop3A_625 {add = true, strides = array<i32>} : memref<1600x32xf32, #tpu.memory_space<vmem>>, vector<1x16xf32>,
        %parallel_loop3A_626 = arith.constant 600 : i32
        %parallel_loop3A_627 = arith.addi %parallel_loop3A_626, %parallel_loop3A_600 : i32
        %parallel_loop3A_628 = arith.index_cast %parallel_loop3A_627 : i32 to index
        %parallel_loop3A_629 = arith.constant 0 : index
        %parallel_loop3A_630 = tpu.vector_load %arg9[%parallel_loop3A_628, %parallel_loop3A_629] {strides = array<i32>} : memref<1600x32xf32, #tpu.memory_space<vmem>>, vector<1x16xf32>,
        %parallel_loop3A_631 = vector.shape_cast %parallel_loop3A_630 : vector<1x16xf32> to vector<16xf32>
        %parallel_loop3A_632 = vector.shape_cast %parallel_loop3A_604 : vector<16xf32> to vector<1x16xf32>
        tpu.vector_store %arg9[%parallel_loop3A_628, %parallel_loop3A_629], %parallel_loop3A_632 {add = true, strides = array<i32>} : memref<1600x32xf32, #tpu.memory_space<vmem>>, vector<1x16xf32>,
        %parallel_loop3A_633 = arith.constant 800 : i32
        %parallel_loop3A_634 = arith.addi %parallel_loop3A_633, %parallel_loop3A_600 : i32
        %parallel_loop3A_635 = arith.index_cast %parallel_loop3A_634 : i32 to index
        %parallel_loop3A_636 = arith.constant 0 : index
        %parallel_loop3A_637 = tpu.vector_load %arg9[%parallel_loop3A_635, %parallel_loop3A_636] {strides = array<i32>} : memref<1600x32xf32, #tpu.memory_space<vmem>>, vector<1x16xf32>,
        %parallel_loop3A_638 = vector.shape_cast %parallel_loop3A_637 : vector<1x16xf32> to vector<16xf32>
        %parallel_loop3A_639 = vector.shape_cast %parallel_loop3A_604 : vector<16xf32> to vector<1x16xf32>
        tpu.vector_store %arg9[%parallel_loop3A_635, %parallel_loop3A_636], %parallel_loop3A_639 {add = true, strides = array<i32>} : memref<1600x32xf32, #tpu.memory_space<vmem>>, vector<1x16xf32>,
        %parallel_loop3A_640 = arith.constant 1000 : i32
        %parallel_loop3A_641 = arith.addi %parallel_loop3A_640, %parallel_loop3A_600 : i32
        %parallel_loop3A_642 = arith.index_cast %parallel_loop3A_641 : i32 to index
        %parallel_loop3A_643 = arith.constant 0 : index
        %parallel_loop3A_644 = tpu.vector_load %arg9[%parallel_loop3A_642, %parallel_loop3A_643] {strides = array<i32>} : memref<1600x32xf32, #tpu.memory_space<vmem>>, vector<1x16xf32>,
        %parallel_loop3A_645 = vector.shape_cast %parallel_loop3A_644 : vector<1x16xf32> to vector<16xf32>
        %parallel_loop3A_646 = vector.shape_cast %parallel_loop3A_604 : vector<16xf32> to vector<1x16xf32>
        tpu.vector_store %arg9[%parallel_loop3A_642, %parallel_loop3A_643], %parallel_loop3A_646 {add = true, strides = array<i32>} : memref<1600x32xf32, #tpu.memory_space<vmem>>, vector<1x16xf32>,
        %parallel_loop3A_647 = arith.constant 1200 : i32
        %parallel_loop3A_648 = arith.addi %parallel_loop3A_647, %parallel_loop3A_600 : i32
        %parallel_loop3A_649 = arith.index_cast %parallel_loop3A_648 : i32 to index
        %parallel_loop3A_650 = arith.constant 0 : index
        %parallel_loop3A_651 = tpu.vector_load %arg9[%parallel_loop3A_649, %parallel_loop3A_650] {strides = array<i32>} : memref<1600x32xf32, #tpu.memory_space<vmem>>, vector<1x16xf32>,
        %parallel_loop3A_652 = vector.shape_cast %parallel_loop3A_651 : vector<1x16xf32> to vector<16xf32>
        %parallel_loop3A_653 = vector.shape_cast %parallel_loop3A_604 : vector<16xf32> to vector<1x16xf32>
        tpu.vector_store %arg9[%parallel_loop3A_649, %parallel_loop3A_650], %parallel_loop3A_653 {add = true, strides = array<i32>} : memref<1600x32xf32, #tpu.memory_space<vmem>>, vector<1x16xf32>,
        %parallel_loop3A_654 = arith.constant 1400 : i32
        %parallel_loop3A_655 = arith.addi %parallel_loop3A_654, %parallel_loop3A_600 : i32
        %parallel_loop3A_656 = arith.index_cast %parallel_loop3A_655 : i32 to index
        %parallel_loop3A_657 = arith.constant 0 : index
        %parallel_loop3A_658 = tpu.vector_load %arg9[%parallel_loop3A_656, %parallel_loop3A_657] {strides = array<i32>} : memref<1600x32xf32, #tpu.memory_space<vmem>>, vector<1x16xf32>,
        %parallel_loop3A_659 = vector.shape_cast %parallel_loop3A_658 : vector<1x16xf32> to vector<16xf32>
        %parallel_loop3A_660 = vector.shape_cast %parallel_loop3A_604 : vector<16xf32> to vector<1x16xf32>
        tpu.vector_store %arg9[%parallel_loop3A_656, %parallel_loop3A_657], %parallel_loop3A_660 {add = true, strides = array<i32>} : memref<1600x32xf32, #tpu.memory_space<vmem>>, vector<1x16xf32>,
        %parallel_loop3A_661 = arith.index_cast %parallel_loop3A_600 : i32 to index
        %parallel_loop3A_662 = arith.constant 16 : index
        %parallel_loop3A_663 = tpu.vector_load %arg10[%parallel_loop3A_661, %parallel_loop3A_662] {strides = array<i32>} : memref<200x32xf32, #tpu.memory_space<vmem>>, vector<1x16xf32>,
        %parallel_loop3A_664 = vector.shape_cast %parallel_loop3A_663 : vector<1x16xf32> to vector<16xf32>
        %parallel_loop3A_665 = arith.constant 0 : i32
        %parallel_loop3A_666 = arith.addi %parallel_loop3A_665, %parallel_loop3A_600 : i32
        %parallel_loop3A_667 = arith.index_cast %parallel_loop3A_666 : i32 to index
        %parallel_loop3A_668 = arith.constant 16 : index
        %parallel_loop3A_669 = tpu.vector_load %arg9[%parallel_loop3A_667, %parallel_loop3A_668] {strides = array<i32>} : memref<1600x32xf32, #tpu.memory_space<vmem>>, vector<1x16xf32>,
        %parallel_loop3A_670 = vector.shape_cast %parallel_loop3A_669 : vector<1x16xf32> to vector<16xf32>
        %parallel_loop3A_671 = vector.shape_cast %parallel_loop3A_664 : vector<16xf32> to vector<1x16xf32>
        tpu.vector_store %arg9[%parallel_loop3A_667, %parallel_loop3A_668], %parallel_loop3A_671 {add = true, strides = array<i32>} : memref<1600x32xf32, #tpu.memory_space<vmem>>, vector<1x16xf32>,
        %parallel_loop3A_672 = arith.constant 200 : i32
        %parallel_loop3A_673 = arith.addi %parallel_loop3A_672, %parallel_loop3A_600 : i32
        %parallel_loop3A_674 = arith.index_cast %parallel_loop3A_673 : i32 to index
        %parallel_loop3A_675 = arith.constant 16 : index
        %parallel_loop3A_676 = tpu.vector_load %arg9[%parallel_loop3A_674, %parallel_loop3A_675] {strides = array<i32>} : memref<1600x32xf32, #tpu.memory_space<vmem>>, vector<1x16xf32>,
        %parallel_loop3A_677 = vector.shape_cast %parallel_loop3A_676 : vector<1x16xf32> to vector<16xf32>
        %parallel_loop3A_678 = vector.shape_cast %parallel_loop3A_664 : vector<16xf32> to vector<1x16xf32>
        tpu.vector_store %arg9[%parallel_loop3A_674, %parallel_loop3A_675], %parallel_loop3A_678 {add = true, strides = array<i32>} : memref<1600x32xf32, #tpu.memory_space<vmem>>, vector<1x16xf32>,
        %parallel_loop3A_679 = arith.constant 400 : i32
        %parallel_loop3A_680 = arith.addi %parallel_loop3A_679, %parallel_loop3A_600 : i32
        %parallel_loop3A_681 = arith.index_cast %parallel_loop3A_680 : i32 to index
        %parallel_loop3A_682 = arith.constant 16 : index
        %parallel_loop3A_683 = tpu.vector_load %arg9[%parallel_loop3A_681, %parallel_loop3A_682] {strides = array<i32>} : memref<1600x32xf32, #tpu.memory_space<vmem>>, vector<1x16xf32>,
        %parallel_loop3A_684 = vector.shape_cast %parallel_loop3A_683 : vector<1x16xf32> to vector<16xf32>
        %parallel_loop3A_685 = vector.shape_cast %parallel_loop3A_664 : vector<16xf32> to vector<1x16xf32>
        tpu.vector_store %arg9[%parallel_loop3A_681, %parallel_loop3A_682], %parallel_loop3A_685 {add = true, strides = array<i32>} : memref<1600x32xf32, #tpu.memory_space<vmem>>, vector<1x16xf32>,
        %parallel_loop3A_686 = arith.constant 600 : i32
        %parallel_loop3A_687 = arith.addi %parallel_loop3A_686, %parallel_loop3A_600 : i32
        %parallel_loop3A_688 = arith.index_cast %parallel_loop3A_687 : i32 to index
        %parallel_loop3A_689 = arith.constant 16 : index
        %parallel_loop3A_690 = tpu.vector_load %arg9[%parallel_loop3A_688, %parallel_loop3A_689] {strides = array<i32>} : memref<1600x32xf32, #tpu.memory_space<vmem>>, vector<1x16xf32>,
        %parallel_loop3A_691 = vector.shape_cast %parallel_loop3A_690 : vector<1x16xf32> to vector<16xf32>
        %parallel_loop3A_692 = vector.shape_cast %parallel_loop3A_664 : vector<16xf32> to vector<1x16xf32>
        tpu.vector_store %arg9[%parallel_loop3A_688, %parallel_loop3A_689], %parallel_loop3A_692 {add = true, strides = array<i32>} : memref<1600x32xf32, #tpu.memory_space<vmem>>, vector<1x16xf32>,
        %parallel_loop3A_693 = arith.constant 800 : i32
        %parallel_loop3A_694 = arith.addi %parallel_loop3A_693, %parallel_loop3A_600 : i32
        %parallel_loop3A_695 = arith.index_cast %parallel_loop3A_694 : i32 to index
        %parallel_loop3A_696 = arith.constant 16 : index
        %parallel_loop3A_697 = tpu.vector_load %arg9[%parallel_loop3A_695, %parallel_loop3A_696] {strides = array<i32>} : memref<1600x32xf32, #tpu.memory_space<vmem>>, vector<1x16xf32>,
        %parallel_loop3A_698 = vector.shape_cast %parallel_loop3A_697 : vector<1x16xf32> to vector<16xf32>
        %parallel_loop3A_699 = vector.shape_cast %parallel_loop3A_664 : vector<16xf32> to vector<1x16xf32>
        tpu.vector_store %arg9[%parallel_loop3A_695, %parallel_loop3A_696], %parallel_loop3A_699 {add = true, strides = array<i32>} : memref<1600x32xf32, #tpu.memory_space<vmem>>, vector<1x16xf32>,
        %parallel_loop3A_700 = arith.constant 1000 : i32
        %parallel_loop3A_701 = arith.addi %parallel_loop3A_700, %parallel_loop3A_600 : i32
        %parallel_loop3A_702 = arith.index_cast %parallel_loop3A_701 : i32 to index
        %parallel_loop3A_703 = arith.constant 16 : index
        %parallel_loop3A_704 = tpu.vector_load %arg9[%parallel_loop3A_702, %parallel_loop3A_703] {strides = array<i32>} : memref<1600x32xf32, #tpu.memory_space<vmem>>, vector<1x16xf32>,
        %parallel_loop3A_705 = vector.shape_cast %parallel_loop3A_704 : vector<1x16xf32> to vector<16xf32>
        %parallel_loop3A_706 = vector.shape_cast %parallel_loop3A_664 : vector<16xf32> to vector<1x16xf32>
        tpu.vector_store %arg9[%parallel_loop3A_702, %parallel_loop3A_703], %parallel_loop3A_706 {add = true, strides = array<i32>} : memref<1600x32xf32, #tpu.memory_space<vmem>>, vector<1x16xf32>,
        %parallel_loop3A_707 = arith.constant 1200 : i32
        %parallel_loop3A_708 = arith.addi %parallel_loop3A_707, %parallel_loop3A_600 : i32
        %parallel_loop3A_709 = arith.index_cast %parallel_loop3A_708 : i32 to index
        %parallel_loop3A_710 = arith.constant 16 : index
        %parallel_loop3A_711 = tpu.vector_load %arg9[%parallel_loop3A_709, %parallel_loop3A_710] {strides = array<i32>} : memref<1600x32xf32, #tpu.memory_space<vmem>>, vector<1x16xf32>,
        %parallel_loop3A_712 = vector.shape_cast %parallel_loop3A_711 : vector<1x16xf32> to vector<16xf32>
        %parallel_loop3A_713 = vector.shape_cast %parallel_loop3A_664 : vector<16xf32> to vector<1x16xf32>
        tpu.vector_store %arg9[%parallel_loop3A_709, %parallel_loop3A_710], %parallel_loop3A_713 {add = true, strides = array<i32>} : memref<1600x32xf32, #tpu.memory_space<vmem>>, vector<1x16xf32>,
        %parallel_loop3A_714 = arith.constant 1400 : i32
        %parallel_loop3A_715 = arith.addi %parallel_loop3A_714, %parallel_loop3A_600 : i32
        %parallel_loop3A_716 = arith.index_cast %parallel_loop3A_715 : i32 to index
        %parallel_loop3A_717 = arith.constant 16 : index
        %parallel_loop3A_718 = tpu.vector_load %arg9[%parallel_loop3A_716, %parallel_loop3A_717] {strides = array<i32>} : memref<1600x32xf32, #tpu.memory_space<vmem>>, vector<1x16xf32>,
        %parallel_loop3A_719 = vector.shape_cast %parallel_loop3A_718 : vector<1x16xf32> to vector<16xf32>
        %parallel_loop3A_720 = vector.shape_cast %parallel_loop3A_664 : vector<16xf32> to vector<1x16xf32>
        tpu.vector_store %arg9[%parallel_loop3A_716, %parallel_loop3A_717], %parallel_loop3A_720 {add = true, strides = array<i32>} : memref<1600x32xf32, #tpu.memory_space<vmem>>, vector<1x16xf32>,
      } {sc.loop_unroll_factor = 8 : i64, sc.parallel_access}
      %add3A_462 = arith.constant 0 : i32
      %add3A_463 = arith.addi %add3A_448, %add3A_462 : i32
      %dma_start3A_464 = arith.constant 0 : i32
      %dma_start3A_465 = arith.constant 0 : i32
      %dma_start3A_466 = tpu.memref_slice %arg9[%dma_start3A_464, %dma_start3A_465] : memref<1600x32xf32, #tpu.memory_space<vmem>> -> memref<200x32xf32, #tpu.memory_space<vmem>>
      %dma_start3A_467 = arith.constant 0 : i32
      %dma_start3A_468 = arith.constant 0 : i32
      %dma_start3A_469 = tpu.memref_slice %arg5[%add3A_463, %dma_start3A_467, %dma_start3A_468] : memref<16384x200x32xf32, #tpu.memory_space<hbm>> -> memref<1x200x32xf32, #tpu.memory_space<hbm>>
      %dma_start3A_470 = tpu.memref_squeeze %dma_start3A_469 : memref<1x200x32xf32, #tpu.memory_space<hbm>> -> memref<200x32xf32, #tpu.memory_space<hbm>>
      %dma_start3A_471 = arith.constant 0 : i32
      %dma_start3A_472 = arith.constant 0 : i32
      %dma_start3A_473 = tpu.memref_slice %arg5[%add3A_463, %dma_start3A_471, %dma_start3A_472] : memref<16384x200x32xf32, #tpu.memory_space<hbm>> -> memref<1x200x32xf32, #tpu.memory_space<hbm>>
      %dma_start3A_474 = tpu.memref_squeeze %dma_start3A_473 : memref<1x200x32xf32, #tpu.memory_space<hbm>> -> memref<200x32xf32, #tpu.memory_space<hbm>>
      %dma_start3A_475 = arith.constant 0 : i32
      %dma_start3A_476 = arith.constant 0 : i32
      %dma_start3A_477 = tpu.memref_slice %arg9[%dma_start3A_475, %dma_start3A_476] : memref<1600x32xf32, #tpu.memory_space<vmem>> -> memref<200x32xf32, #tpu.memory_space<vmem>>
      tpu.enqueue_dma source(%dma_start3A_477 : memref<200x32xf32, #tpu.memory_space<vmem>>) target(%dma_start3A_474 : memref<200x32xf32, #tpu.memory_space<hbm>>) target_semaphore(%arg14 : memref<!tpu.dma_semaphore, #tpu.memory_space<semaphore_mem>>)
      %add3A_478 = arith.constant 1 : i32
      %add3A_479 = arith.addi %add3A_448, %add3A_478 : i32
      %dma_start3A_480 = arith.constant 200 : i32
      %dma_start3A_481 = arith.constant 0 : i32
      %dma_start3A_482 = tpu.memref_slice %arg9[%dma_start3A_480, %dma_start3A_481] : memref<1600x32xf32, #tpu.memory_space<vmem>> -> memref<200x32xf32, #tpu.memory_space<vmem>>
      %dma_start3A_483 = arith.constant 0 : i32
      %dma_start3A_484 = arith.constant 0 : i32
      %dma_start3A_485 = tpu.memref_slice %arg5[%add3A_479, %dma_start3A_483, %dma_start3A_484] : memref<16384x200x32xf32, #tpu.memory_space<hbm>> -> memref<1x200x32xf32, #tpu.memory_space<hbm>>
      %dma_start3A_486 = tpu.memref_squeeze %dma_start3A_485 : memref<1x200x32xf32, #tpu.memory_space<hbm>> -> memref<200x32xf32, #tpu.memory_space<hbm>>
      %dma_start3A_487 = arith.constant 0 : i32
      %dma_start3A_488 = arith.constant 0 : i32
      %dma_start3A_489 = tpu.memref_slice %arg5[%add3A_479, %dma_start3A_487, %dma_start3A_488] : memref<16384x200x32xf32, #tpu.memory_space<hbm>> -> memref<1x200x32xf32, #tpu.memory_space<hbm>>
      %dma_start3A_490 = tpu.memref_squeeze %dma_start3A_489 : memref<1x200x32xf32, #tpu.memory_space<hbm>> -> memref<200x32xf32, #tpu.memory_space<hbm>>
      %dma_start3A_491 = arith.constant 200 : i32
      %dma_start3A_492 = arith.constant 0 : i32
      %dma_start3A_493 = tpu.memref_slice %arg9[%dma_start3A_491, %dma_start3A_492] : memref<1600x32xf32, #tpu.memory_space<vmem>> -> memref<200x32xf32, #tpu.memory_space<vmem>>
      tpu.enqueue_dma source(%dma_start3A_493 : memref<200x32xf32, #tpu.memory_space<vmem>>) target(%dma_start3A_490 : memref<200x32xf32, #tpu.memory_space<hbm>>) target_semaphore(%arg14 : memref<!tpu.dma_semaphore, #tpu.memory_space<semaphore_mem>>)
      %add3A_494 = arith.constant 2 : i32
      %add3A_495 = arith.addi %add3A_448, %add3A_494 : i32
      %dma_start3A_496 = arith.constant 400 : i32
      %dma_start3A_497 = arith.constant 0 : i32
      %dma_start3A_498 = tpu.memref_slice %arg9[%dma_start3A_496, %dma_start3A_497] : memref<1600x32xf32, #tpu.memory_space<vmem>> -> memref<200x32xf32, #tpu.memory_space<vmem>>
      %dma_start3A_499 = arith.constant 0 : i32
      %dma_start3A_500 = arith.constant 0 : i32
      %dma_start3A_501 = tpu.memref_slice %arg5[%add3A_495, %dma_start3A_499, %dma_start3A_500] : memref<16384x200x32xf32, #tpu.memory_space<hbm>> -> memref<1x200x32xf32, #tpu.memory_space<hbm>>
      %dma_start3A_502 = tpu.memref_squeeze %dma_start3A_501 : memref<1x200x32xf32, #tpu.memory_space<hbm>> -> memref<200x32xf32, #tpu.memory_space<hbm>>
      %dma_start3A_503 = arith.constant 0 : i32
      %dma_start3A_504 = arith.constant 0 : i32
      %dma_start3A_505 = tpu.memref_slice %arg5[%add3A_495, %dma_start3A_503, %dma_start3A_504] : memref<16384x200x32xf32, #tpu.memory_space<hbm>> -> memref<1x200x32xf32, #tpu.memory_space<hbm>>
      %dma_start3A_506 = tpu.memref_squeeze %dma_start3A_505 : memref<1x200x32xf32, #tpu.memory_space<hbm>> -> memref<200x32xf32, #tpu.memory_space<hbm>>
      %dma_start3A_507 = arith.constant 400 : i32
      %dma_start3A_508 = arith.constant 0 : i32
      %dma_start3A_509 = tpu.memref_slice %arg9[%dma_start3A_507, %dma_start3A_508] : memref<1600x32xf32, #tpu.memory_space<vmem>> -> memref<200x32xf32, #tpu.memory_space<vmem>>
      tpu.enqueue_dma source(%dma_start3A_509 : memref<200x32xf32, #tpu.memory_space<vmem>>) target(%dma_start3A_506 : memref<200x32xf32, #tpu.memory_space<hbm>>) target_semaphore(%arg14 : memref<!tpu.dma_semaphore, #tpu.memory_space<semaphore_mem>>)
      %add3A_510 = arith.constant 3 : i32
      %add3A_511 = arith.addi %add3A_448, %add3A_510 : i32
      %dma_start3A_512 = arith.constant 600 : i32
      %dma_start3A_513 = arith.constant 0 : i32
      %dma_start3A_514 = tpu.memref_slice %arg9[%dma_start3A_512, %dma_start3A_513] : memref<1600x32xf32, #tpu.memory_space<vmem>> -> memref<200x32xf32, #tpu.memory_space<vmem>>
      %dma_start3A_515 = arith.constant 0 : i32
      %dma_start3A_516 = arith.constant 0 : i32
      %dma_start3A_517 = tpu.memref_slice %arg5[%add3A_511, %dma_start3A_515, %dma_start3A_516] : memref<16384x200x32xf32, #tpu.memory_space<hbm>> -> memref<1x200x32xf32, #tpu.memory_space<hbm>>
      %dma_start3A_518 = tpu.memref_squeeze %dma_start3A_517 : memref<1x200x32xf32, #tpu.memory_space<hbm>> -> memref<200x32xf32, #tpu.memory_space<hbm>>
      %dma_start3A_519 = arith.constant 0 : i32
      %dma_start3A_520 = arith.constant 0 : i32
      %dma_start3A_521 = tpu.memref_slice %arg5[%add3A_511, %dma_start3A_519, %dma_start3A_520] : memref<16384x200x32xf32, #tpu.memory_space<hbm>> -> memref<1x200x32xf32, #tpu.memory_space<hbm>>
      %dma_start3A_522 = tpu.memref_squeeze %dma_start3A_521 : memref<1x200x32xf32, #tpu.memory_space<hbm>> -> memref<200x32xf32, #tpu.memory_space<hbm>>
      %dma_start3A_523 = arith.constant 600 : i32
      %dma_start3A_524 = arith.constant 0 : i32
      %dma_start3A_525 = tpu.memref_slice %arg9[%dma_start3A_523, %dma_start3A_524] : memref<1600x32xf32, #tpu.memory_space<vmem>> -> memref<200x32xf32, #tpu.memory_space<vmem>>
      tpu.enqueue_dma source(%dma_start3A_525 : memref<200x32xf32, #tpu.memory_space<vmem>>) target(%dma_start3A_522 : memref<200x32xf32, #tpu.memory_space<hbm>>) target_semaphore(%arg14 : memref<!tpu.dma_semaphore, #tpu.memory_space<semaphore_mem>>)
      %add3A_526 = arith.constant 4 : i32
      %add3A_527 = arith.addi %add3A_448, %add3A_526 : i32
      %dma_start3A_528 = arith.constant 800 : i32
      %dma_start3A_529 = arith.constant 0 : i32
      %dma_start3A_530 = tpu.memref_slice %arg9[%dma_start3A_528, %dma_start3A_529] : memref<1600x32xf32, #tpu.memory_space<vmem>> -> memref<200x32xf32, #tpu.memory_space<vmem>>
      %dma_start3A_531 = arith.constant 0 : i32
      %dma_start3A_532 = arith.constant 0 : i32
      %dma_start3A_533 = tpu.memref_slice %arg5[%add3A_527, %dma_start3A_531, %dma_start3A_532] : memref<16384x200x32xf32, #tpu.memory_space<hbm>> -> memref<1x200x32xf32, #tpu.memory_space<hbm>>
      %dma_start3A_534 = tpu.memref_squeeze %dma_start3A_533 : memref<1x200x32xf32, #tpu.memory_space<hbm>> -> memref<200x32xf32, #tpu.memory_space<hbm>>
      %dma_start3A_535 = arith.constant 0 : i32
      %dma_start3A_536 = arith.constant 0 : i32
      %dma_start3A_537 = tpu.memref_slice %arg5[%add3A_527, %dma_start3A_535, %dma_start3A_536] : memref<16384x200x32xf32, #tpu.memory_space<hbm>> -> memref<1x200x32xf32, #tpu.memory_space<hbm>>
      %dma_start3A_538 = tpu.memref_squeeze %dma_start3A_537 : memref<1x200x32xf32, #tpu.memory_space<hbm>> -> memref<200x32xf32, #tpu.memory_space<hbm>>
      %dma_start3A_539 = arith.constant 800 : i32
      %dma_start3A_540 = arith.constant 0 : i32
      %dma_start3A_541 = tpu.memref_slice %arg9[%dma_start3A_539, %dma_start3A_540] : memref<1600x32xf32, #tpu.memory_space<vmem>> -> memref<200x32xf32, #tpu.memory_space<vmem>>
      tpu.enqueue_dma source(%dma_start3A_541 : memref<200x32xf32, #tpu.memory_space<vmem>>) target(%dma_start3A_538 : memref<200x32xf32, #tpu.memory_space<hbm>>) target_semaphore(%arg14 : memref<!tpu.dma_semaphore, #tpu.memory_space<semaphore_mem>>)
      %add3A_542 = arith.constant 5 : i32
      %add3A_543 = arith.addi %add3A_448, %add3A_542 : i32
      %dma_start3A_544 = arith.constant 1000 : i32
      %dma_start3A_545 = arith.constant 0 : i32
      %dma_start3A_546 = tpu.memref_slice %arg9[%dma_start3A_544, %dma_start3A_545] : memref<1600x32xf32, #tpu.memory_space<vmem>> -> memref<200x32xf32, #tpu.memory_space<vmem>>
      %dma_start3A_547 = arith.constant 0 : i32
      %dma_start3A_548 = arith.constant 0 : i32
      %dma_start3A_549 = tpu.memref_slice %arg5[%add3A_543, %dma_start3A_547, %dma_start3A_548] : memref<16384x200x32xf32, #tpu.memory_space<hbm>> -> memref<1x200x32xf32, #tpu.memory_space<hbm>>
      %dma_start3A_550 = tpu.memref_squeeze %dma_start3A_549 : memref<1x200x32xf32, #tpu.memory_space<hbm>> -> memref<200x32xf32, #tpu.memory_space<hbm>>
      %dma_start3A_551 = arith.constant 0 : i32
      %dma_start3A_552 = arith.constant 0 : i32
      %dma_start3A_553 = tpu.memref_slice %arg5[%add3A_543, %dma_start3A_551, %dma_start3A_552] : memref<16384x200x32xf32, #tpu.memory_space<hbm>> -> memref<1x200x32xf32, #tpu.memory_space<hbm>>
      %dma_start3A_554 = tpu.memref_squeeze %dma_start3A_553 : memref<1x200x32xf32, #tpu.memory_space<hbm>> -> memref<200x32xf32, #tpu.memory_space<hbm>>
      %dma_start3A_555 = arith.constant 1000 : i32
      %dma_start3A_556 = arith.constant 0 : i32
      %dma_start3A_557 = tpu.memref_slice %arg9[%dma_start3A_555, %dma_start3A_556] : memref<1600x32xf32, #tpu.memory_space<vmem>> -> memref<200x32xf32, #tpu.memory_space<vmem>>
      tpu.enqueue_dma source(%dma_start3A_557 : memref<200x32xf32, #tpu.memory_space<vmem>>) target(%dma_start3A_554 : memref<200x32xf32, #tpu.memory_space<hbm>>) target_semaphore(%arg14 : memref<!tpu.dma_semaphore, #tpu.memory_space<semaphore_mem>>)
      %add3A_558 = arith.constant 6 : i32
      %add3A_559 = arith.addi %add3A_448, %add3A_558 : i32
      %dma_start3A_560 = arith.constant 1200 : i32
      %dma_start3A_561 = arith.constant 0 : i32
      %dma_start3A_562 = tpu.memref_slice %arg9[%dma_start3A_560, %dma_start3A_561] : memref<1600x32xf32, #tpu.memory_space<vmem>> -> memref<200x32xf32, #tpu.memory_space<vmem>>
      %dma_start3A_563 = arith.constant 0 : i32
      %dma_start3A_564 = arith.constant 0 : i32
      %dma_start3A_565 = tpu.memref_slice %arg5[%add3A_559, %dma_start3A_563, %dma_start3A_564] : memref<16384x200x32xf32, #tpu.memory_space<hbm>> -> memref<1x200x32xf32, #tpu.memory_space<hbm>>
      %dma_start3A_566 = tpu.memref_squeeze %dma_start3A_565 : memref<1x200x32xf32, #tpu.memory_space<hbm>> -> memref<200x32xf32, #tpu.memory_space<hbm>>
      %dma_start3A_567 = arith.constant 0 : i32
      %dma_start3A_568 = arith.constant 0 : i32
      %dma_start3A_569 = tpu.memref_slice %arg5[%add3A_559, %dma_start3A_567, %dma_start3A_568] : memref<16384x200x32xf32, #tpu.memory_space<hbm>> -> memref<1x200x32xf32, #tpu.memory_space<hbm>>
      %dma_start3A_570 = tpu.memref_squeeze %dma_start3A_569 : memref<1x200x32xf32, #tpu.memory_space<hbm>> -> memref<200x32xf32, #tpu.memory_space<hbm>>
      %dma_start3A_571 = arith.constant 1200 : i32
      %dma_start3A_572 = arith.constant 0 : i32
      %dma_start3A_573 = tpu.memref_slice %arg9[%dma_start3A_571, %dma_start3A_572] : memref<1600x32xf32, #tpu.memory_space<vmem>> -> memref<200x32xf32, #tpu.memory_space<vmem>>
      tpu.enqueue_dma source(%dma_start3A_573 : memref<200x32xf32, #tpu.memory_space<vmem>>) target(%dma_start3A_570 : memref<200x32xf32, #tpu.memory_space<hbm>>) target_semaphore(%arg14 : memref<!tpu.dma_semaphore, #tpu.memory_space<semaphore_mem>>)
      %add3A_574 = arith.constant 7 : i32
      %add3A_575 = arith.addi %add3A_448, %add3A_574 : i32
      %dma_start3A_576 = arith.constant 1400 : i32
      %dma_start3A_577 = arith.constant 0 : i32
      %dma_start3A_578 = tpu.memref_slice %arg9[%dma_start3A_576, %dma_start3A_577] : memref<1600x32xf32, #tpu.memory_space<vmem>> -> memref<200x32xf32, #tpu.memory_space<vmem>>
      %dma_start3A_579 = arith.constant 0 : i32
      %dma_start3A_580 = arith.constant 0 : i32
      %dma_start3A_581 = tpu.memref_slice %arg5[%add3A_575, %dma_start3A_579, %dma_start3A_580] : memref<16384x200x32xf32, #tpu.memory_space<hbm>> -> memref<1x200x32xf32, #tpu.memory_space<hbm>>
      %dma_start3A_582 = tpu.memref_squeeze %dma_start3A_581 : memref<1x200x32xf32, #tpu.memory_space<hbm>> -> memref<200x32xf32, #tpu.memory_space<hbm>>
      %dma_start3A_583 = arith.constant 0 : i32
      %dma_start3A_584 = arith.constant 0 : i32
      %dma_start3A_585 = tpu.memref_slice %arg5[%add3A_575, %dma_start3A_583, %dma_start3A_584] : memref<16384x200x32xf32, #tpu.memory_space<hbm>> -> memref<1x200x32xf32, #tpu.memory_space<hbm>>
      %dma_start3A_586 = tpu.memref_squeeze %dma_start3A_585 : memref<1x200x32xf32, #tpu.memory_space<hbm>> -> memref<200x32xf32, #tpu.memory_space<hbm>>
      %dma_start3A_587 = arith.constant 1400 : i32
      %dma_start3A_588 = arith.constant 0 : i32
      %dma_start3A_589 = tpu.memref_slice %arg9[%dma_start3A_587, %dma_start3A_588] : memref<1600x32xf32, #tpu.memory_space<vmem>> -> memref<200x32xf32, #tpu.memory_space<vmem>>
      tpu.enqueue_dma source(%dma_start3A_589 : memref<200x32xf32, #tpu.memory_space<vmem>>) target(%dma_start3A_586 : memref<200x32xf32, #tpu.memory_space<hbm>>) target_semaphore(%arg14 : memref<!tpu.dma_semaphore, #tpu.memory_space<semaphore_mem>>)
      %sub3A_590 = arith.constant 1 : i32
      %sub3A_591 = arith.subi %add3A_445, %sub3A_590 : i32
      %add3A_592 = arith.constant 2 : i32
      %add3A_593 = arith.addi %sub3A_591, %add3A_592 : i32
      %lt3A_594 = arith.constant 64 : i32
      %lt3A_595 = arith.cmpi slt, %add3A_593, %lt3A_594 : i32
      %convert_element_type3A_596 = arith.extui %lt3A_595 : i1 to i32
      %cond3A_597 = arith.constant 0 : i32
      %cond3A_598 = arith.cmpi ne, %convert_element_type3A_596, %cond3A_597 : i32
      scf.if %cond3A_598 {
        %dma_wait3A_600 = arith.constant 0 : i32
        %dma_wait3A_601 = arith.constant 0 : i32
        %dma_wait3A_602 = arith.constant 0 : i32
        %dma_wait3A_603 = tpu.memref_slice %arg8[%dma_wait3A_601, %dma_wait3A_602] : memref<1600x32xf32, #tpu.memory_space<vmem>> -> memref<200x32xf32, #tpu.memory_space<vmem>>
        %dma_wait3A_604 = arith.constant 0 : i32
        %dma_wait3A_605 = arith.constant 0 : i32
        %dma_wait3A_606 = tpu.memref_slice %arg5[%dma_wait3A_600, %dma_wait3A_604, %dma_wait3A_605] : memref<16384x200x32xf32, #tpu.memory_space<hbm>> -> memref<1x200x32xf32, #tpu.memory_space<hbm>>
        %dma_wait3A_607 = tpu.memref_squeeze %dma_wait3A_606 : memref<1x200x32xf32, #tpu.memory_space<hbm>> -> memref<200x32xf32, #tpu.memory_space<hbm>>
        %dma_wait3A_608 = arith.constant 0 : i32
        %dma_wait3A_609 = arith.constant 0 : i32
        %dma_wait3A_610 = tpu.memref_slice %arg5[%dma_wait3A_600, %dma_wait3A_608, %dma_wait3A_609] : memref<16384x200x32xf32, #tpu.memory_space<hbm>> -> memref<1x200x32xf32, #tpu.memory_space<hbm>>
        %dma_wait3A_611 = tpu.memref_squeeze %dma_wait3A_610 : memref<1x200x32xf32, #tpu.memory_space<hbm>> -> memref<200x32xf32, #tpu.memory_space<hbm>>
        %dma_wait3A_612 = arith.constant 0 : i32
        %dma_wait3A_613 = arith.constant 0 : i32
        %dma_wait3A_614 = tpu.memref_slice %arg8[%dma_wait3A_612, %dma_wait3A_613] : memref<1600x32xf32, #tpu.memory_space<vmem>> -> memref<200x32xf32, #tpu.memory_space<vmem>>
        tpu.wait_dma2 semaphore(%arg13 : memref<!tpu.dma_semaphore, #tpu.memory_space<semaphore_mem>>) src(%dma_wait3A_614 : memref<200x32xf32, #tpu.memory_space<vmem>>) dst(%dma_wait3A_611 : memref<200x32xf32, #tpu.memory_space<hbm>>)
        %dma_wait3A_615 = arith.constant 0 : i32
        %dma_wait3A_616 = arith.constant 0 : i32
        %dma_wait3A_617 = tpu.memref_slice %arg6[%dma_wait3A_616] : memref<1600xi32, #tpu.memory_space<vmem>> -> memref<200xi32, #tpu.memory_space<vmem>>
        %dma_wait3A_618 = arith.constant 0 : i32
        %dma_wait3A_619 = tpu.memref_slice %arg2[%dma_wait3A_615, %dma_wait3A_618] : memref<16384x200xi32, #tpu.memory_space<hbm>> -> memref<1x200xi32, #tpu.memory_space<hbm>>
        %dma_wait3A_620 = tpu.memref_squeeze %dma_wait3A_619 : memref<1x200xi32, #tpu.memory_space<hbm>> -> memref<200xi32, #tpu.memory_space<hbm>>
        %dma_wait3A_621 = arith.constant 0 : i32
        %dma_wait3A_622 = tpu.memref_slice %arg6[%dma_wait3A_621] : memref<1600xi32, #tpu.memory_space<vmem>> -> memref<200xi32, #tpu.memory_space<vmem>>
        %dma_wait3A_623 = arith.constant 0 : i32
        %dma_wait3A_624 = tpu.memref_slice %arg2[%dma_wait3A_615, %dma_wait3A_623] : memref<16384x200xi32, #tpu.memory_space<hbm>> -> memref<1x200xi32, #tpu.memory_space<hbm>>
        %dma_wait3A_625 = tpu.memref_squeeze %dma_wait3A_624 : memref<1x200xi32, #tpu.memory_space<hbm>> -> memref<200xi32, #tpu.memory_space<hbm>>
        tpu.wait_dma2 semaphore(%arg15 : memref<!tpu.dma_semaphore, #tpu.memory_space<semaphore_mem>>) src(%dma_wait3A_625 : memref<200xi32, #tpu.memory_space<hbm>>) dst(%dma_wait3A_622 : memref<200xi32, #tpu.memory_space<vmem>>)
        %dma_wait3A_626 = arith.constant 1 : i32
        %dma_wait3A_627 = arith.constant 200 : i32
        %dma_wait3A_628 = arith.constant 0 : i32
        %dma_wait3A_629 = tpu.memref_slice %arg8[%dma_wait3A_627, %dma_wait3A_628] : memref<1600x32xf32, #tpu.memory_space<vmem>> -> memref<200x32xf32, #tpu.memory_space<vmem>>
        %dma_wait3A_630 = arith.constant 0 : i32
        %dma_wait3A_631 = arith.constant 0 : i32
        %dma_wait3A_632 = tpu.memref_slice %arg5[%dma_wait3A_626, %dma_wait3A_630, %dma_wait3A_631] : memref<16384x200x32xf32, #tpu.memory_space<hbm>> -> memref<1x200x32xf32, #tpu.memory_space<hbm>>
        %dma_wait3A_633 = tpu.memref_squeeze %dma_wait3A_632 : memref<1x200x32xf32, #tpu.memory_space<hbm>> -> memref<200x32xf32, #tpu.memory_space<hbm>>
        %dma_wait3A_634 = arith.constant 0 : i32
        %dma_wait3A_635 = arith.constant 0 : i32
        %dma_wait3A_636 = tpu.memref_slice %arg5[%dma_wait3A_626, %dma_wait3A_634, %dma_wait3A_635] : memref<16384x200x32xf32, #tpu.memory_space<hbm>> -> memref<1x200x32xf32, #tpu.memory_space<hbm>>
        %dma_wait3A_637 = tpu.memref_squeeze %dma_wait3A_636 : memref<1x200x32xf32, #tpu.memory_space<hbm>> -> memref<200x32xf32, #tpu.memory_space<hbm>>
        %dma_wait3A_638 = arith.constant 200 : i32
        %dma_wait3A_639 = arith.constant 0 : i32
        %dma_wait3A_640 = tpu.memref_slice %arg8[%dma_wait3A_638, %dma_wait3A_639] : memref<1600x32xf32, #tpu.memory_space<vmem>> -> memref<200x32xf32, #tpu.memory_space<vmem>>
        tpu.wait_dma2 semaphore(%arg13 : memref<!tpu.dma_semaphore, #tpu.memory_space<semaphore_mem>>) src(%dma_wait3A_640 : memref<200x32xf32, #tpu.memory_space<vmem>>) dst(%dma_wait3A_637 : memref<200x32xf32, #tpu.memory_space<hbm>>)
        %dma_wait3A_641 = arith.constant 1 : i32
        %dma_wait3A_642 = arith.constant 200 : i32
        %dma_wait3A_643 = tpu.memref_slice %arg6[%dma_wait3A_642] : memref<1600xi32, #tpu.memory_space<vmem>> -> memref<200xi32, #tpu.memory_space<vmem>>
        %dma_wait3A_644 = arith.constant 0 : i32
        %dma_wait3A_645 = tpu.memref_slice %arg2[%dma_wait3A_641, %dma_wait3A_644] : memref<16384x200xi32, #tpu.memory_space<hbm>> -> memref<1x200xi32, #tpu.memory_space<hbm>>
        %dma_wait3A_646 = tpu.memref_squeeze %dma_wait3A_645 : memref<1x200xi32, #tpu.memory_space<hbm>> -> memref<200xi32, #tpu.memory_space<hbm>>
        %dma_wait3A_647 = arith.constant 200 : i32
        %dma_wait3A_648 = tpu.memref_slice %arg6[%dma_wait3A_647] : memref<1600xi32, #tpu.memory_space<vmem>> -> memref<200xi32, #tpu.memory_space<vmem>>
        %dma_wait3A_649 = arith.constant 0 : i32
        %dma_wait3A_650 = tpu.memref_slice %arg2[%dma_wait3A_641, %dma_wait3A_649] : memref<16384x200xi32, #tpu.memory_space<hbm>> -> memref<1x200xi32, #tpu.memory_space<hbm>>
        %dma_wait3A_651 = tpu.memref_squeeze %dma_wait3A_650 : memref<1x200xi32, #tpu.memory_space<hbm>> -> memref<200xi32, #tpu.memory_space<hbm>>
        tpu.wait_dma2 semaphore(%arg15 : memref<!tpu.dma_semaphore, #tpu.memory_space<semaphore_mem>>) src(%dma_wait3A_651 : memref<200xi32, #tpu.memory_space<hbm>>) dst(%dma_wait3A_648 : memref<200xi32, #tpu.memory_space<vmem>>)
        %dma_wait3A_652 = arith.constant 2 : i32
        %dma_wait3A_653 = arith.constant 400 : i32
        %dma_wait3A_654 = arith.constant 0 : i32
        %dma_wait3A_655 = tpu.memref_slice %arg8[%dma_wait3A_653, %dma_wait3A_654] : memref<1600x32xf32, #tpu.memory_space<vmem>> -> memref<200x32xf32, #tpu.memory_space<vmem>>
        %dma_wait3A_656 = arith.constant 0 : i32
        %dma_wait3A_657 = arith.constant 0 : i32
        %dma_wait3A_658 = tpu.memref_slice %arg5[%dma_wait3A_652, %dma_wait3A_656, %dma_wait3A_657] : memref<16384x200x32xf32, #tpu.memory_space<hbm>> -> memref<1x200x32xf32, #tpu.memory_space<hbm>>
        %dma_wait3A_659 = tpu.memref_squeeze %dma_wait3A_658 : memref<1x200x32xf32, #tpu.memory_space<hbm>> -> memref<200x32xf32, #tpu.memory_space<hbm>>
        %dma_wait3A_660 = arith.constant 0 : i32
        %dma_wait3A_661 = arith.constant 0 : i32
        %dma_wait3A_662 = tpu.memref_slice %arg5[%dma_wait3A_652, %dma_wait3A_660, %dma_wait3A_661] : memref<16384x200x32xf32, #tpu.memory_space<hbm>> -> memref<1x200x32xf32, #tpu.memory_space<hbm>>
        %dma_wait3A_663 = tpu.memref_squeeze %dma_wait3A_662 : memref<1x200x32xf32, #tpu.memory_space<hbm>> -> memref<200x32xf32, #tpu.memory_space<hbm>>
        %dma_wait3A_664 = arith.constant 400 : i32
        %dma_wait3A_665 = arith.constant 0 : i32
        %dma_wait3A_666 = tpu.memref_slice %arg8[%dma_wait3A_664, %dma_wait3A_665] : memref<1600x32xf32, #tpu.memory_space<vmem>> -> memref<200x32xf32, #tpu.memory_space<vmem>>
        tpu.wait_dma2 semaphore(%arg13 : memref<!tpu.dma_semaphore, #tpu.memory_space<semaphore_mem>>) src(%dma_wait3A_666 : memref<200x32xf32, #tpu.memory_space<vmem>>) dst(%dma_wait3A_663 : memref<200x32xf32, #tpu.memory_space<hbm>>)
        %dma_wait3A_667 = arith.constant 2 : i32
        %dma_wait3A_668 = arith.constant 400 : i32
        %dma_wait3A_669 = tpu.memref_slice %arg6[%dma_wait3A_668] : memref<1600xi32, #tpu.memory_space<vmem>> -> memref<200xi32, #tpu.memory_space<vmem>>
        %dma_wait3A_670 = arith.constant 0 : i32
        %dma_wait3A_671 = tpu.memref_slice %arg2[%dma_wait3A_667, %dma_wait3A_670] : memref<16384x200xi32, #tpu.memory_space<hbm>> -> memref<1x200xi32, #tpu.memory_space<hbm>>
        %dma_wait3A_672 = tpu.memref_squeeze %dma_wait3A_671 : memref<1x200xi32, #tpu.memory_space<hbm>> -> memref<200xi32, #tpu.memory_space<hbm>>
        %dma_wait3A_673 = arith.constant 400 : i32
        %dma_wait3A_674 = tpu.memref_slice %arg6[%dma_wait3A_673] : memref<1600xi32, #tpu.memory_space<vmem>> -> memref<200xi32, #tpu.memory_space<vmem>>
        %dma_wait3A_675 = arith.constant 0 : i32
        %dma_wait3A_676 = tpu.memref_slice %arg2[%dma_wait3A_667, %dma_wait3A_675] : memref<16384x200xi32, #tpu.memory_space<hbm>> -> memref<1x200xi32, #tpu.memory_space<hbm>>
        %dma_wait3A_677 = tpu.memref_squeeze %dma_wait3A_676 : memref<1x200xi32, #tpu.memory_space<hbm>> -> memref<200xi32, #tpu.memory_space<hbm>>
        tpu.wait_dma2 semaphore(%arg15 : memref<!tpu.dma_semaphore, #tpu.memory_space<semaphore_mem>>) src(%dma_wait3A_677 : memref<200xi32, #tpu.memory_space<hbm>>) dst(%dma_wait3A_674 : memref<200xi32, #tpu.memory_space<vmem>>)
        %dma_wait3A_678 = arith.constant 3 : i32
        %dma_wait3A_679 = arith.constant 600 : i32
        %dma_wait3A_680 = arith.constant 0 : i32
        %dma_wait3A_681 = tpu.memref_slice %arg8[%dma_wait3A_679, %dma_wait3A_680] : memref<1600x32xf32, #tpu.memory_space<vmem>> -> memref<200x32xf32, #tpu.memory_space<vmem>>
        %dma_wait3A_682 = arith.constant 0 : i32
        %dma_wait3A_683 = arith.constant 0 : i32
        %dma_wait3A_684 = tpu.memref_slice %arg5[%dma_wait3A_678, %dma_wait3A_682, %dma_wait3A_683] : memref<16384x200x32xf32, #tpu.memory_space<hbm>> -> memref<1x200x32xf32, #tpu.memory_space<hbm>>
        %dma_wait3A_685 = tpu.memref_squeeze %dma_wait3A_684 : memref<1x200x32xf32, #tpu.memory_space<hbm>> -> memref<200x32xf32, #tpu.memory_space<hbm>>
        %dma_wait3A_686 = arith.constant 0 : i32
        %dma_wait3A_687 = arith.constant 0 : i32
        %dma_wait3A_688 = tpu.memref_slice %arg5[%dma_wait3A_678, %dma_wait3A_686, %dma_wait3A_687] : memref<16384x200x32xf32, #tpu.memory_space<hbm>> -> memref<1x200x32xf32, #tpu.memory_space<hbm>>
        %dma_wait3A_689 = tpu.memref_squeeze %dma_wait3A_688 : memref<1x200x32xf32, #tpu.memory_space<hbm>> -> memref<200x32xf32, #tpu.memory_space<hbm>>
        %dma_wait3A_690 = arith.constant 600 : i32
        %dma_wait3A_691 = arith.constant 0 : i32
        %dma_wait3A_692 = tpu.memref_slice %arg8[%dma_wait3A_690, %dma_wait3A_691] : memref<1600x32xf32, #tpu.memory_space<vmem>> -> memref<200x32xf32, #tpu.memory_space<vmem>>
        tpu.wait_dma2 semaphore(%arg13 : memref<!tpu.dma_semaphore, #tpu.memory_space<semaphore_mem>>) src(%dma_wait3A_692 : memref<200x32xf32, #tpu.memory_space<vmem>>) dst(%dma_wait3A_689 : memref<200x32xf32, #tpu.memory_space<hbm>>)
        %dma_wait3A_693 = arith.constant 3 : i32
        %dma_wait3A_694 = arith.constant 600 : i32
        %dma_wait3A_695 = tpu.memref_slice %arg6[%dma_wait3A_694] : memref<1600xi32, #tpu.memory_space<vmem>> -> memref<200xi32, #tpu.memory_space<vmem>>
        %dma_wait3A_696 = arith.constant 0 : i32
        %dma_wait3A_697 = tpu.memref_slice %arg2[%dma_wait3A_693, %dma_wait3A_696] : memref<16384x200xi32, #tpu.memory_space<hbm>> -> memref<1x200xi32, #tpu.memory_space<hbm>>
        %dma_wait3A_698 = tpu.memref_squeeze %dma_wait3A_697 : memref<1x200xi32, #tpu.memory_space<hbm>> -> memref<200xi32, #tpu.memory_space<hbm>>
        %dma_wait3A_699 = arith.constant 600 : i32
        %dma_wait3A_700 = tpu.memref_slice %arg6[%dma_wait3A_699] : memref<1600xi32, #tpu.memory_space<vmem>> -> memref<200xi32, #tpu.memory_space<vmem>>
        %dma_wait3A_701 = arith.constant 0 : i32
        %dma_wait3A_702 = tpu.memref_slice %arg2[%dma_wait3A_693, %dma_wait3A_701] : memref<16384x200xi32, #tpu.memory_space<hbm>> -> memref<1x200xi32, #tpu.memory_space<hbm>>
        %dma_wait3A_703 = tpu.memref_squeeze %dma_wait3A_702 : memref<1x200xi32, #tpu.memory_space<hbm>> -> memref<200xi32, #tpu.memory_space<hbm>>
        tpu.wait_dma2 semaphore(%arg15 : memref<!tpu.dma_semaphore, #tpu.memory_space<semaphore_mem>>) src(%dma_wait3A_703 : memref<200xi32, #tpu.memory_space<hbm>>) dst(%dma_wait3A_700 : memref<200xi32, #tpu.memory_space<vmem>>)
        %dma_wait3A_704 = arith.constant 4 : i32
        %dma_wait3A_705 = arith.constant 800 : i32
        %dma_wait3A_706 = arith.constant 0 : i32
        %dma_wait3A_707 = tpu.memref_slice %arg8[%dma_wait3A_705, %dma_wait3A_706] : memref<1600x32xf32, #tpu.memory_space<vmem>> -> memref<200x32xf32, #tpu.memory_space<vmem>>
        %dma_wait3A_708 = arith.constant 0 : i32
        %dma_wait3A_709 = arith.constant 0 : i32
        %dma_wait3A_710 = tpu.memref_slice %arg5[%dma_wait3A_704, %dma_wait3A_708, %dma_wait3A_709] : memref<16384x200x32xf32, #tpu.memory_space<hbm>> -> memref<1x200x32xf32, #tpu.memory_space<hbm>>
        %dma_wait3A_711 = tpu.memref_squeeze %dma_wait3A_710 : memref<1x200x32xf32, #tpu.memory_space<hbm>> -> memref<200x32xf32, #tpu.memory_space<hbm>>
        %dma_wait3A_712 = arith.constant 0 : i32
        %dma_wait3A_713 = arith.constant 0 : i32
        %dma_wait3A_714 = tpu.memref_slice %arg5[%dma_wait3A_704, %dma_wait3A_712, %dma_wait3A_713] : memref<16384x200x32xf32, #tpu.memory_space<hbm>> -> memref<1x200x32xf32, #tpu.memory_space<hbm>>
        %dma_wait3A_715 = tpu.memref_squeeze %dma_wait3A_714 : memref<1x200x32xf32, #tpu.memory_space<hbm>> -> memref<200x32xf32, #tpu.memory_space<hbm>>
        %dma_wait3A_716 = arith.constant 800 : i32
        %dma_wait3A_717 = arith.constant 0 : i32
        %dma_wait3A_718 = tpu.memref_slice %arg8[%dma_wait3A_716, %dma_wait3A_717] : memref<1600x32xf32, #tpu.memory_space<vmem>> -> memref<200x32xf32, #tpu.memory_space<vmem>>
        tpu.wait_dma2 semaphore(%arg13 : memref<!tpu.dma_semaphore, #tpu.memory_space<semaphore_mem>>) src(%dma_wait3A_718 : memref<200x32xf32, #tpu.memory_space<vmem>>) dst(%dma_wait3A_715 : memref<200x32xf32, #tpu.memory_space<hbm>>)
        %dma_wait3A_719 = arith.constant 4 : i32
        %dma_wait3A_720 = arith.constant 800 : i32
        %dma_wait3A_721 = tpu.memref_slice %arg6[%dma_wait3A_720] : memref<1600xi32, #tpu.memory_space<vmem>> -> memref<200xi32, #tpu.memory_space<vmem>>
        %dma_wait3A_722 = arith.constant 0 : i32
        %dma_wait3A_723 = tpu.memref_slice %arg2[%dma_wait3A_719, %dma_wait3A_722] : memref<16384x200xi32, #tpu.memory_space<hbm>> -> memref<1x200xi32, #tpu.memory_space<hbm>>
        %dma_wait3A_724 = tpu.memref_squeeze %dma_wait3A_723 : memref<1x200xi32, #tpu.memory_space<hbm>> -> memref<200xi32, #tpu.memory_space<hbm>>
        %dma_wait3A_725 = arith.constant 800 : i32
        %dma_wait3A_726 = tpu.memref_slice %arg6[%dma_wait3A_725] : memref<1600xi32, #tpu.memory_space<vmem>> -> memref<200xi32, #tpu.memory_space<vmem>>
        %dma_wait3A_727 = arith.constant 0 : i32
        %dma_wait3A_728 = tpu.memref_slice %arg2[%dma_wait3A_719, %dma_wait3A_727] : memref<16384x200xi32, #tpu.memory_space<hbm>> -> memref<1x200xi32, #tpu.memory_space<hbm>>
        %dma_wait3A_729 = tpu.memref_squeeze %dma_wait3A_728 : memref<1x200xi32, #tpu.memory_space<hbm>> -> memref<200xi32, #tpu.memory_space<hbm>>
        tpu.wait_dma2 semaphore(%arg15 : memref<!tpu.dma_semaphore, #tpu.memory_space<semaphore_mem>>) src(%dma_wait3A_729 : memref<200xi32, #tpu.memory_space<hbm>>) dst(%dma_wait3A_726 : memref<200xi32, #tpu.memory_space<vmem>>)
        %dma_wait3A_730 = arith.constant 5 : i32
        %dma_wait3A_731 = arith.constant 1000 : i32
        %dma_wait3A_732 = arith.constant 0 : i32
        %dma_wait3A_733 = tpu.memref_slice %arg8[%dma_wait3A_731, %dma_wait3A_732] : memref<1600x32xf32, #tpu.memory_space<vmem>> -> memref<200x32xf32, #tpu.memory_space<vmem>>
        %dma_wait3A_734 = arith.constant 0 : i32
        %dma_wait3A_735 = arith.constant 0 : i32
        %dma_wait3A_736 = tpu.memref_slice %arg5[%dma_wait3A_730, %dma_wait3A_734, %dma_wait3A_735] : memref<16384x200x32xf32, #tpu.memory_space<hbm>> -> memref<1x200x32xf32, #tpu.memory_space<hbm>>
        %dma_wait3A_737 = tpu.memref_squeeze %dma_wait3A_736 : memref<1x200x32xf32, #tpu.memory_space<hbm>> -> memref<200x32xf32, #tpu.memory_space<hbm>>
        %dma_wait3A_738 = arith.constant 0 : i32
        %dma_wait3A_739 = arith.constant 0 : i32
        %dma_wait3A_740 = tpu.memref_slice %arg5[%dma_wait3A_730, %dma_wait3A_738, %dma_wait3A_739] : memref<16384x200x32xf32, #tpu.memory_space<hbm>> -> memref<1x200x32xf32, #tpu.memory_space<hbm>>
        %dma_wait3A_741 = tpu.memref_squeeze %dma_wait3A_740 : memref<1x200x32xf32, #tpu.memory_space<hbm>> -> memref<200x32xf32, #tpu.memory_space<hbm>>
        %dma_wait3A_742 = arith.constant 1000 : i32
        %dma_wait3A_743 = arith.constant 0 : i32
        %dma_wait3A_744 = tpu.memref_slice %arg8[%dma_wait3A_742, %dma_wait3A_743] : memref<1600x32xf32, #tpu.memory_space<vmem>> -> memref<200x32xf32, #tpu.memory_space<vmem>>
        tpu.wait_dma2 semaphore(%arg13 : memref<!tpu.dma_semaphore, #tpu.memory_space<semaphore_mem>>) src(%dma_wait3A_744 : memref<200x32xf32, #tpu.memory_space<vmem>>) dst(%dma_wait3A_741 : memref<200x32xf32, #tpu.memory_space<hbm>>)
        %dma_wait3A_745 = arith.constant 5 : i32
        %dma_wait3A_746 = arith.constant 1000 : i32
        %dma_wait3A_747 = tpu.memref_slice %arg6[%dma_wait3A_746] : memref<1600xi32, #tpu.memory_space<vmem>> -> memref<200xi32, #tpu.memory_space<vmem>>
        %dma_wait3A_748 = arith.constant 0 : i32
        %dma_wait3A_749 = tpu.memref_slice %arg2[%dma_wait3A_745, %dma_wait3A_748] : memref<16384x200xi32, #tpu.memory_space<hbm>> -> memref<1x200xi32, #tpu.memory_space<hbm>>
        %dma_wait3A_750 = tpu.memref_squeeze %dma_wait3A_749 : memref<1x200xi32, #tpu.memory_space<hbm>> -> memref<200xi32, #tpu.memory_space<hbm>>
        %dma_wait3A_751 = arith.constant 1000 : i32
        %dma_wait3A_752 = tpu.memref_slice %arg6[%dma_wait3A_751] : memref<1600xi32, #tpu.memory_space<vmem>> -> memref<200xi32, #tpu.memory_space<vmem>>
        %dma_wait3A_753 = arith.constant 0 : i32
        %dma_wait3A_754 = tpu.memref_slice %arg2[%dma_wait3A_745, %dma_wait3A_753] : memref<16384x200xi32, #tpu.memory_space<hbm>> -> memref<1x200xi32, #tpu.memory_space<hbm>>
        %dma_wait3A_755 = tpu.memref_squeeze %dma_wait3A_754 : memref<1x200xi32, #tpu.memory_space<hbm>> -> memref<200xi32, #tpu.memory_space<hbm>>
        tpu.wait_dma2 semaphore(%arg15 : memref<!tpu.dma_semaphore, #tpu.memory_space<semaphore_mem>>) src(%dma_wait3A_755 : memref<200xi32, #tpu.memory_space<hbm>>) dst(%dma_wait3A_752 : memref<200xi32, #tpu.memory_space<vmem>>)
        %dma_wait3A_756 = arith.constant 6 : i32
        %dma_wait3A_757 = arith.constant 1200 : i32
        %dma_wait3A_758 = arith.constant 0 : i32
        %dma_wait3A_759 = tpu.memref_slice %arg8[%dma_wait3A_757, %dma_wait3A_758] : memref<1600x32xf32, #tpu.memory_space<vmem>> -> memref<200x32xf32, #tpu.memory_space<vmem>>
        %dma_wait3A_760 = arith.constant 0 : i32
        %dma_wait3A_761 = arith.constant 0 : i32
        %dma_wait3A_762 = tpu.memref_slice %arg5[%dma_wait3A_756, %dma_wait3A_760, %dma_wait3A_761] : memref<16384x200x32xf32, #tpu.memory_space<hbm>> -> memref<1x200x32xf32, #tpu.memory_space<hbm>>
        %dma_wait3A_763 = tpu.memref_squeeze %dma_wait3A_762 : memref<1x200x32xf32, #tpu.memory_space<hbm>> -> memref<200x32xf32, #tpu.memory_space<hbm>>
        %dma_wait3A_764 = arith.constant 0 : i32
        %dma_wait3A_765 = arith.constant 0 : i32
        %dma_wait3A_766 = tpu.memref_slice %arg5[%dma_wait3A_756, %dma_wait3A_764, %dma_wait3A_765] : memref<16384x200x32xf32, #tpu.memory_space<hbm>> -> memref<1x200x32xf32, #tpu.memory_space<hbm>>
        %dma_wait3A_767 = tpu.memref_squeeze %dma_wait3A_766 : memref<1x200x32xf32, #tpu.memory_space<hbm>> -> memref<200x32xf32, #tpu.memory_space<hbm>>
        %dma_wait3A_768 = arith.constant 1200 : i32
        %dma_wait3A_769 = arith.constant 0 : i32
        %dma_wait3A_770 = tpu.memref_slice %arg8[%dma_wait3A_768, %dma_wait3A_769] : memref<1600x32xf32, #tpu.memory_space<vmem>> -> memref<200x32xf32, #tpu.memory_space<vmem>>
        tpu.wait_dma2 semaphore(%arg13 : memref<!tpu.dma_semaphore, #tpu.memory_space<semaphore_mem>>) src(%dma_wait3A_770 : memref<200x32xf32, #tpu.memory_space<vmem>>) dst(%dma_wait3A_767 : memref<200x32xf32, #tpu.memory_space<hbm>>)
        %dma_wait3A_771 = arith.constant 6 : i32
        %dma_wait3A_772 = arith.constant 1200 : i32
        %dma_wait3A_773 = tpu.memref_slice %arg6[%dma_wait3A_772] : memref<1600xi32, #tpu.memory_space<vmem>> -> memref<200xi32, #tpu.memory_space<vmem>>
        %dma_wait3A_774 = arith.constant 0 : i32
        %dma_wait3A_775 = tpu.memref_slice %arg2[%dma_wait3A_771, %dma_wait3A_774] : memref<16384x200xi32, #tpu.memory_space<hbm>> -> memref<1x200xi32, #tpu.memory_space<hbm>>
        %dma_wait3A_776 = tpu.memref_squeeze %dma_wait3A_775 : memref<1x200xi32, #tpu.memory_space<hbm>> -> memref<200xi32, #tpu.memory_space<hbm>>
        %dma_wait3A_777 = arith.constant 1200 : i32
        %dma_wait3A_778 = tpu.memref_slice %arg6[%dma_wait3A_777] : memref<1600xi32, #tpu.memory_space<vmem>> -> memref<200xi32, #tpu.memory_space<vmem>>
        %dma_wait3A_779 = arith.constant 0 : i32
        %dma_wait3A_780 = tpu.memref_slice %arg2[%dma_wait3A_771, %dma_wait3A_779] : memref<16384x200xi32, #tpu.memory_space<hbm>> -> memref<1x200xi32, #tpu.memory_space<hbm>>
        %dma_wait3A_781 = tpu.memref_squeeze %dma_wait3A_780 : memref<1x200xi32, #tpu.memory_space<hbm>> -> memref<200xi32, #tpu.memory_space<hbm>>
        tpu.wait_dma2 semaphore(%arg15 : memref<!tpu.dma_semaphore, #tpu.memory_space<semaphore_mem>>) src(%dma_wait3A_781 : memref<200xi32, #tpu.memory_space<hbm>>) dst(%dma_wait3A_778 : memref<200xi32, #tpu.memory_space<vmem>>)
        %dma_wait3A_782 = arith.constant 7 : i32
        %dma_wait3A_783 = arith.constant 1400 : i32
        %dma_wait3A_784 = arith.constant 0 : i32
        %dma_wait3A_785 = tpu.memref_slice %arg8[%dma_wait3A_783, %dma_wait3A_784] : memref<1600x32xf32, #tpu.memory_space<vmem>> -> memref<200x32xf32, #tpu.memory_space<vmem>>
        %dma_wait3A_786 = arith.constant 0 : i32
        %dma_wait3A_787 = arith.constant 0 : i32
        %dma_wait3A_788 = tpu.memref_slice %arg5[%dma_wait3A_782, %dma_wait3A_786, %dma_wait3A_787] : memref<16384x200x32xf32, #tpu.memory_space<hbm>> -> memref<1x200x32xf32, #tpu.memory_space<hbm>>
        %dma_wait3A_789 = tpu.memref_squeeze %dma_wait3A_788 : memref<1x200x32xf32, #tpu.memory_space<hbm>> -> memref<200x32xf32, #tpu.memory_space<hbm>>
        %dma_wait3A_790 = arith.constant 0 : i32
        %dma_wait3A_791 = arith.constant 0 : i32
        %dma_wait3A_792 = tpu.memref_slice %arg5[%dma_wait3A_782, %dma_wait3A_790, %dma_wait3A_791] : memref<16384x200x32xf32, #tpu.memory_space<hbm>> -> memref<1x200x32xf32, #tpu.memory_space<hbm>>
        %dma_wait3A_793 = tpu.memref_squeeze %dma_wait3A_792 : memref<1x200x32xf32, #tpu.memory_space<hbm>> -> memref<200x32xf32, #tpu.memory_space<hbm>>
        %dma_wait3A_794 = arith.constant 1400 : i32
        %dma_wait3A_795 = arith.constant 0 : i32
        %dma_wait3A_796 = tpu.memref_slice %arg8[%dma_wait3A_794, %dma_wait3A_795] : memref<1600x32xf32, #tpu.memory_space<vmem>> -> memref<200x32xf32, #tpu.memory_space<vmem>>
        tpu.wait_dma2 semaphore(%arg13 : memref<!tpu.dma_semaphore, #tpu.memory_space<semaphore_mem>>) src(%dma_wait3A_796 : memref<200x32xf32, #tpu.memory_space<vmem>>) dst(%dma_wait3A_793 : memref<200x32xf32, #tpu.memory_space<hbm>>)
        %dma_wait3A_797 = arith.constant 7 : i32
        %dma_wait3A_798 = arith.constant 1400 : i32
        %dma_wait3A_799 = tpu.memref_slice %arg6[%dma_wait3A_798] : memref<1600xi32, #tpu.memory_space<vmem>> -> memref<200xi32, #tpu.memory_space<vmem>>
        %dma_wait3A_800 = arith.constant 0 : i32
        %dma_wait3A_801 = tpu.memref_slice %arg2[%dma_wait3A_797, %dma_wait3A_800] : memref<16384x200xi32, #tpu.memory_space<hbm>> -> memref<1x200xi32, #tpu.memory_space<hbm>>
        %dma_wait3A_802 = tpu.memref_squeeze %dma_wait3A_801 : memref<1x200xi32, #tpu.memory_space<hbm>> -> memref<200xi32, #tpu.memory_space<hbm>>
        %dma_wait3A_803 = arith.constant 1400 : i32
        %dma_wait3A_804 = tpu.memref_slice %arg6[%dma_wait3A_803] : memref<1600xi32, #tpu.memory_space<vmem>> -> memref<200xi32, #tpu.memory_space<vmem>>
        %dma_wait3A_805 = arith.constant 0 : i32
        %dma_wait3A_806 = tpu.memref_slice %arg2[%dma_wait3A_797, %dma_wait3A_805] : memref<16384x200xi32, #tpu.memory_space<hbm>> -> memref<1x200xi32, #tpu.memory_space<hbm>>
        %dma_wait3A_807 = tpu.memref_squeeze %dma_wait3A_806 : memref<1x200xi32, #tpu.memory_space<hbm>> -> memref<200xi32, #tpu.memory_space<hbm>>
        tpu.wait_dma2 semaphore(%arg15 : memref<!tpu.dma_semaphore, #tpu.memory_space<semaphore_mem>>) src(%dma_wait3A_807 : memref<200xi32, #tpu.memory_space<hbm>>) dst(%dma_wait3A_804 : memref<200xi32, #tpu.memory_space<vmem>>)
        %dma_start3A_808 = arith.constant 0 : i32
        %dma_start3A_809 = arith.constant 0 : i32
        %dma_start3A_810 = tpu.memref_slice %arg3[%dma_start3A_808, %dma_start3A_809] : memref<1000000x32xf32, #tpu.memory_space<hbm>> -> memref<1000000x32xf32, #tpu.memory_space<hbm>>
        tpu.enqueue_indirect_dma source(%dma_start3A_810 : memref<1000000x32xf32, #tpu.memory_space<hbm>>) target(%arg8 : memref<1600x32xf32, #tpu.memory_space<vmem>>) offsets(%arg6 : memref<1600xi32, #tpu.memory_space<vmem>>) semaphore(%arg11 : memref<!tpu.dma_semaphore, #tpu.memory_space<semaphore_mem>>)
      } else {
      }
      %scan3A_599 = arith.constant 0 : i32
      scf.yield %scan3A_599 : i32
    }
    %scan3A_49 = arith.constant 32 : i32
    %dma_wait3A = arith.constant 0 : i32
    %dma_wait3A_50 = arith.constant 0 : i32
    %dma_wait3A_51 = arith.constant 0 : i32
    %dma_wait3A_52 = tpu.memref_slice %arg8[%dma_wait3A_50, %dma_wait3A_51] : memref<1600x32xf32, #tpu.memory_space<vmem>> -> memref<200x32xf32, #tpu.memory_space<vmem>>
    %dma_wait3A_53 = arith.constant 0 : i32
    %dma_wait3A_54 = arith.constant 0 : i32
    %dma_wait3A_55 = tpu.memref_slice %arg5[%dma_wait3A, %dma_wait3A_53, %dma_wait3A_54] : memref<16384x200x32xf32, #tpu.memory_space<hbm>> -> memref<1x200x32xf32, #tpu.memory_space<hbm>>
    %dma_wait3A_56 = tpu.memref_squeeze %dma_wait3A_55 : memref<1x200x32xf32, #tpu.memory_space<hbm>> -> memref<200x32xf32, #tpu.memory_space<hbm>>
    %dma_wait3A_57 = arith.constant 0 : i32
    %dma_wait3A_58 = arith.constant 0 : i32
    %dma_wait3A_59 = tpu.memref_slice %arg5[%dma_wait3A, %dma_wait3A_57, %dma_wait3A_58] : memref<16384x200x32xf32, #tpu.memory_space<hbm>> -> memref<1x200x32xf32, #tpu.memory_space<hbm>>
    %dma_wait3A_60 = tpu.memref_squeeze %dma_wait3A_59 : memref<1x200x32xf32, #tpu.memory_space<hbm>> -> memref<200x32xf32, #tpu.memory_space<hbm>>
    %dma_wait3A_61 = arith.constant 0 : i32
    %dma_wait3A_62 = arith.constant 0 : i32
    %dma_wait3A_63 = tpu.memref_slice %arg8[%dma_wait3A_61, %dma_wait3A_62] : memref<1600x32xf32, #tpu.memory_space<vmem>> -> memref<200x32xf32, #tpu.memory_space<vmem>>
    tpu.wait_dma2 semaphore(%arg13 : memref<!tpu.dma_semaphore, #tpu.memory_space<semaphore_mem>>) src(%dma_wait3A_63 : memref<200x32xf32, #tpu.memory_space<vmem>>) dst(%dma_wait3A_60 : memref<200x32xf32, #tpu.memory_space<hbm>>)
    %dma_wait3A_64 = arith.constant 1 : i32
    %dma_wait3A_65 = arith.constant 200 : i32
    %dma_wait3A_66 = arith.constant 0 : i32
    %dma_wait3A_67 = tpu.memref_slice %arg8[%dma_wait3A_65, %dma_wait3A_66] : memref<1600x32xf32, #tpu.memory_space<vmem>> -> memref<200x32xf32, #tpu.memory_space<vmem>>
    %dma_wait3A_68 = arith.constant 0 : i32
    %dma_wait3A_69 = arith.constant 0 : i32
    %dma_wait3A_70 = tpu.memref_slice %arg5[%dma_wait3A_64, %dma_wait3A_68, %dma_wait3A_69] : memref<16384x200x32xf32, #tpu.memory_space<hbm>> -> memref<1x200x32xf32, #tpu.memory_space<hbm>>
    %dma_wait3A_71 = tpu.memref_squeeze %dma_wait3A_70 : memref<1x200x32xf32, #tpu.memory_space<hbm>> -> memref<200x32xf32, #tpu.memory_space<hbm>>
    %dma_wait3A_72 = arith.constant 0 : i32
    %dma_wait3A_73 = arith.constant 0 : i32
    %dma_wait3A_74 = tpu.memref_slice %arg5[%dma_wait3A_64, %dma_wait3A_72, %dma_wait3A_73] : memref<16384x200x32xf32, #tpu.memory_space<hbm>> -> memref<1x200x32xf32, #tpu.memory_space<hbm>>
    %dma_wait3A_75 = tpu.memref_squeeze %dma_wait3A_74 : memref<1x200x32xf32, #tpu.memory_space<hbm>> -> memref<200x32xf32, #tpu.memory_space<hbm>>
    %dma_wait3A_76 = arith.constant 200 : i32
    %dma_wait3A_77 = arith.constant 0 : i32
    %dma_wait3A_78 = tpu.memref_slice %arg8[%dma_wait3A_76, %dma_wait3A_77] : memref<1600x32xf32, #tpu.memory_space<vmem>> -> memref<200x32xf32, #tpu.memory_space<vmem>>
    tpu.wait_dma2 semaphore(%arg13 : memref<!tpu.dma_semaphore, #tpu.memory_space<semaphore_mem>>) src(%dma_wait3A_78 : memref<200x32xf32, #tpu.memory_space<vmem>>) dst(%dma_wait3A_75 : memref<200x32xf32, #tpu.memory_space<hbm>>)
    %dma_wait3A_79 = arith.constant 2 : i32
    %dma_wait3A_80 = arith.constant 400 : i32
    %dma_wait3A_81 = arith.constant 0 : i32
    %dma_wait3A_82 = tpu.memref_slice %arg8[%dma_wait3A_80, %dma_wait3A_81] : memref<1600x32xf32, #tpu.memory_space<vmem>> -> memref<200x32xf32, #tpu.memory_space<vmem>>
    %dma_wait3A_83 = arith.constant 0 : i32
    %dma_wait3A_84 = arith.constant 0 : i32
    %dma_wait3A_85 = tpu.memref_slice %arg5[%dma_wait3A_79, %dma_wait3A_83, %dma_wait3A_84] : memref<16384x200x32xf32, #tpu.memory_space<hbm>> -> memref<1x200x32xf32, #tpu.memory_space<hbm>>
    %dma_wait3A_86 = tpu.memref_squeeze %dma_wait3A_85 : memref<1x200x32xf32, #tpu.memory_space<hbm>> -> memref<200x32xf32, #tpu.memory_space<hbm>>
    %dma_wait3A_87 = arith.constant 0 : i32
    %dma_wait3A_88 = arith.constant 0 : i32
    %dma_wait3A_89 = tpu.memref_slice %arg5[%dma_wait3A_79, %dma_wait3A_87, %dma_wait3A_88] : memref<16384x200x32xf32, #tpu.memory_space<hbm>> -> memref<1x200x32xf32, #tpu.memory_space<hbm>>
    %dma_wait3A_90 = tpu.memref_squeeze %dma_wait3A_89 : memref<1x200x32xf32, #tpu.memory_space<hbm>> -> memref<200x32xf32, #tpu.memory_space<hbm>>
    %dma_wait3A_91 = arith.constant 400 : i32
    %dma_wait3A_92 = arith.constant 0 : i32
    %dma_wait3A_93 = tpu.memref_slice %arg8[%dma_wait3A_91, %dma_wait3A_92] : memref<1600x32xf32, #tpu.memory_space<vmem>> -> memref<200x32xf32, #tpu.memory_space<vmem>>
    tpu.wait_dma2 semaphore(%arg13 : memref<!tpu.dma_semaphore, #tpu.memory_space<semaphore_mem>>) src(%dma_wait3A_93 : memref<200x32xf32, #tpu.memory_space<vmem>>) dst(%dma_wait3A_90 : memref<200x32xf32, #tpu.memory_space<hbm>>)
    %dma_wait3A_94 = arith.constant 3 : i32
    %dma_wait3A_95 = arith.constant 600 : i32
    %dma_wait3A_96 = arith.constant 0 : i32
    %dma_wait3A_97 = tpu.memref_slice %arg8[%dma_wait3A_95, %dma_wait3A_96] : memref<1600x32xf32, #tpu.memory_space<vmem>> -> memref<200x32xf32, #tpu.memory_space<vmem>>
    %dma_wait3A_98 = arith.constant 0 : i32
    %dma_wait3A_99 = arith.constant 0 : i32
    %dma_wait3A_100 = tpu.memref_slice %arg5[%dma_wait3A_94, %dma_wait3A_98, %dma_wait3A_99] : memref<16384x200x32xf32, #tpu.memory_space<hbm>> -> memref<1x200x32xf32, #tpu.memory_space<hbm>>
    %dma_wait3A_101 = tpu.memref_squeeze %dma_wait3A_100 : memref<1x200x32xf32, #tpu.memory_space<hbm>> -> memref<200x32xf32, #tpu.memory_space<hbm>>
    %dma_wait3A_102 = arith.constant 0 : i32
    %dma_wait3A_103 = arith.constant 0 : i32
    %dma_wait3A_104 = tpu.memref_slice %arg5[%dma_wait3A_94, %dma_wait3A_102, %dma_wait3A_103] : memref<16384x200x32xf32, #tpu.memory_space<hbm>> -> memref<1x200x32xf32, #tpu.memory_space<hbm>>
    %dma_wait3A_105 = tpu.memref_squeeze %dma_wait3A_104 : memref<1x200x32xf32, #tpu.memory_space<hbm>> -> memref<200x32xf32, #tpu.memory_space<hbm>>
    %dma_wait3A_106 = arith.constant 600 : i32
    %dma_wait3A_107 = arith.constant 0 : i32
    %dma_wait3A_108 = tpu.memref_slice %arg8[%dma_wait3A_106, %dma_wait3A_107] : memref<1600x32xf32, #tpu.memory_space<vmem>> -> memref<200x32xf32, #tpu.memory_space<vmem>>
    tpu.wait_dma2 semaphore(%arg13 : memref<!tpu.dma_semaphore, #tpu.memory_space<semaphore_mem>>) src(%dma_wait3A_108 : memref<200x32xf32, #tpu.memory_space<vmem>>) dst(%dma_wait3A_105 : memref<200x32xf32, #tpu.memory_space<hbm>>)
    %dma_wait3A_109 = arith.constant 4 : i32
    %dma_wait3A_110 = arith.constant 800 : i32
    %dma_wait3A_111 = arith.constant 0 : i32
    %dma_wait3A_112 = tpu.memref_slice %arg8[%dma_wait3A_110, %dma_wait3A_111] : memref<1600x32xf32, #tpu.memory_space<vmem>> -> memref<200x32xf32, #tpu.memory_space<vmem>>
    %dma_wait3A_113 = arith.constant 0 : i32
    %dma_wait3A_114 = arith.constant 0 : i32
    %dma_wait3A_115 = tpu.memref_slice %arg5[%dma_wait3A_109, %dma_wait3A_113, %dma_wait3A_114] : memref<16384x200x32xf32, #tpu.memory_space<hbm>> -> memref<1x200x32xf32, #tpu.memory_space<hbm>>
    %dma_wait3A_116 = tpu.memref_squeeze %dma_wait3A_115 : memref<1x200x32xf32, #tpu.memory_space<hbm>> -> memref<200x32xf32, #tpu.memory_space<hbm>>
    %dma_wait3A_117 = arith.constant 0 : i32
    %dma_wait3A_118 = arith.constant 0 : i32
    %dma_wait3A_119 = tpu.memref_slice %arg5[%dma_wait3A_109, %dma_wait3A_117, %dma_wait3A_118] : memref<16384x200x32xf32, #tpu.memory_space<hbm>> -> memref<1x200x32xf32, #tpu.memory_space<hbm>>
    %dma_wait3A_120 = tpu.memref_squeeze %dma_wait3A_119 : memref<1x200x32xf32, #tpu.memory_space<hbm>> -> memref<200x32xf32, #tpu.memory_space<hbm>>
    %dma_wait3A_121 = arith.constant 800 : i32
    %dma_wait3A_122 = arith.constant 0 : i32
    %dma_wait3A_123 = tpu.memref_slice %arg8[%dma_wait3A_121, %dma_wait3A_122] : memref<1600x32xf32, #tpu.memory_space<vmem>> -> memref<200x32xf32, #tpu.memory_space<vmem>>
    tpu.wait_dma2 semaphore(%arg13 : memref<!tpu.dma_semaphore, #tpu.memory_space<semaphore_mem>>) src(%dma_wait3A_123 : memref<200x32xf32, #tpu.memory_space<vmem>>) dst(%dma_wait3A_120 : memref<200x32xf32, #tpu.memory_space<hbm>>)
    %dma_wait3A_124 = arith.constant 5 : i32
    %dma_wait3A_125 = arith.constant 1000 : i32
    %dma_wait3A_126 = arith.constant 0 : i32
    %dma_wait3A_127 = tpu.memref_slice %arg8[%dma_wait3A_125, %dma_wait3A_126] : memref<1600x32xf32, #tpu.memory_space<vmem>> -> memref<200x32xf32, #tpu.memory_space<vmem>>
    %dma_wait3A_128 = arith.constant 0 : i32
    %dma_wait3A_129 = arith.constant 0 : i32
    %dma_wait3A_130 = tpu.memref_slice %arg5[%dma_wait3A_124, %dma_wait3A_128, %dma_wait3A_129] : memref<16384x200x32xf32, #tpu.memory_space<hbm>> -> memref<1x200x32xf32, #tpu.memory_space<hbm>>
    %dma_wait3A_131 = tpu.memref_squeeze %dma_wait3A_130 : memref<1x200x32xf32, #tpu.memory_space<hbm>> -> memref<200x32xf32, #tpu.memory_space<hbm>>
    %dma_wait3A_132 = arith.constant 0 : i32
    %dma_wait3A_133 = arith.constant 0 : i32
    %dma_wait3A_134 = tpu.memref_slice %arg5[%dma_wait3A_124, %dma_wait3A_132, %dma_wait3A_133] : memref<16384x200x32xf32, #tpu.memory_space<hbm>> -> memref<1x200x32xf32, #tpu.memory_space<hbm>>
    %dma_wait3A_135 = tpu.memref_squeeze %dma_wait3A_134 : memref<1x200x32xf32, #tpu.memory_space<hbm>> -> memref<200x32xf32, #tpu.memory_space<hbm>>
    %dma_wait3A_136 = arith.constant 1000 : i32
    %dma_wait3A_137 = arith.constant 0 : i32
    %dma_wait3A_138 = tpu.memref_slice %arg8[%dma_wait3A_136, %dma_wait3A_137] : memref<1600x32xf32, #tpu.memory_space<vmem>> -> memref<200x32xf32, #tpu.memory_space<vmem>>
    tpu.wait_dma2 semaphore(%arg13 : memref<!tpu.dma_semaphore, #tpu.memory_space<semaphore_mem>>) src(%dma_wait3A_138 : memref<200x32xf32, #tpu.memory_space<vmem>>) dst(%dma_wait3A_135 : memref<200x32xf32, #tpu.memory_space<hbm>>)
    %dma_wait3A_139 = arith.constant 6 : i32
    %dma_wait3A_140 = arith.constant 1200 : i32
    %dma_wait3A_141 = arith.constant 0 : i32
    %dma_wait3A_142 = tpu.memref_slice %arg8[%dma_wait3A_140, %dma_wait3A_141] : memref<1600x32xf32, #tpu.memory_space<vmem>> -> memref<200x32xf32, #tpu.memory_space<vmem>>
    %dma_wait3A_143 = arith.constant 0 : i32
    %dma_wait3A_144 = arith.constant 0 : i32
    %dma_wait3A_145 = tpu.memref_slice %arg5[%dma_wait3A_139, %dma_wait3A_143, %dma_wait3A_144] : memref<16384x200x32xf32, #tpu.memory_space<hbm>> -> memref<1x200x32xf32, #tpu.memory_space<hbm>>
    %dma_wait3A_146 = tpu.memref_squeeze %dma_wait3A_145 : memref<1x200x32xf32, #tpu.memory_space<hbm>> -> memref<200x32xf32, #tpu.memory_space<hbm>>
    %dma_wait3A_147 = arith.constant 0 : i32
    %dma_wait3A_148 = arith.constant 0 : i32
    %dma_wait3A_149 = tpu.memref_slice %arg5[%dma_wait3A_139, %dma_wait3A_147, %dma_wait3A_148] : memref<16384x200x32xf32, #tpu.memory_space<hbm>> -> memref<1x200x32xf32, #tpu.memory_space<hbm>>
    %dma_wait3A_150 = tpu.memref_squeeze %dma_wait3A_149 : memref<1x200x32xf32, #tpu.memory_space<hbm>> -> memref<200x32xf32, #tpu.memory_space<hbm>>
    %dma_wait3A_151 = arith.constant 1200 : i32
    %dma_wait3A_152 = arith.constant 0 : i32
    %dma_wait3A_153 = tpu.memref_slice %arg8[%dma_wait3A_151, %dma_wait3A_152] : memref<1600x32xf32, #tpu.memory_space<vmem>> -> memref<200x32xf32, #tpu.memory_space<vmem>>
    tpu.wait_dma2 semaphore(%arg13 : memref<!tpu.dma_semaphore, #tpu.memory_space<semaphore_mem>>) src(%dma_wait3A_153 : memref<200x32xf32, #tpu.memory_space<vmem>>) dst(%dma_wait3A_150 : memref<200x32xf32, #tpu.memory_space<hbm>>)
    %dma_wait3A_154 = arith.constant 7 : i32
    %dma_wait3A_155 = arith.constant 1400 : i32
    %dma_wait3A_156 = arith.constant 0 : i32
    %dma_wait3A_157 = tpu.memref_slice %arg8[%dma_wait3A_155, %dma_wait3A_156] : memref<1600x32xf32, #tpu.memory_space<vmem>> -> memref<200x32xf32, #tpu.memory_space<vmem>>
    %dma_wait3A_158 = arith.constant 0 : i32
    %dma_wait3A_159 = arith.constant 0 : i32
    %dma_wait3A_160 = tpu.memref_slice %arg5[%dma_wait3A_154, %dma_wait3A_158, %dma_wait3A_159] : memref<16384x200x32xf32, #tpu.memory_space<hbm>> -> memref<1x200x32xf32, #tpu.memory_space<hbm>>
    %dma_wait3A_161 = tpu.memref_squeeze %dma_wait3A_160 : memref<1x200x32xf32, #tpu.memory_space<hbm>> -> memref<200x32xf32, #tpu.memory_space<hbm>>
    %dma_wait3A_162 = arith.constant 0 : i32
    %dma_wait3A_163 = arith.constant 0 : i32
    %dma_wait3A_164 = tpu.memref_slice %arg5[%dma_wait3A_154, %dma_wait3A_162, %dma_wait3A_163] : memref<16384x200x32xf32, #tpu.memory_space<hbm>> -> memref<1x200x32xf32, #tpu.memory_space<hbm>>
    %dma_wait3A_165 = tpu.memref_squeeze %dma_wait3A_164 : memref<1x200x32xf32, #tpu.memory_space<hbm>> -> memref<200x32xf32, #tpu.memory_space<hbm>>
    %dma_wait3A_166 = arith.constant 1400 : i32
    %dma_wait3A_167 = arith.constant 0 : i32
    %dma_wait3A_168 = tpu.memref_slice %arg8[%dma_wait3A_166, %dma_wait3A_167] : memref<1600x32xf32, #tpu.memory_space<vmem>> -> memref<200x32xf32, #tpu.memory_space<vmem>>
    tpu.wait_dma2 semaphore(%arg13 : memref<!tpu.dma_semaphore, #tpu.memory_space<semaphore_mem>>) src(%dma_wait3A_168 : memref<200x32xf32, #tpu.memory_space<vmem>>) dst(%dma_wait3A_165 : memref<200x32xf32, #tpu.memory_space<hbm>>)
    %dma_wait3A_169 = arith.constant 0 : i32
    %dma_wait3A_170 = arith.constant 0 : i32
    %dma_wait3A_171 = arith.constant 0 : i32
    %dma_wait3A_172 = tpu.memref_slice %arg9[%dma_wait3A_170, %dma_wait3A_171] : memref<1600x32xf32, #tpu.memory_space<vmem>> -> memref<200x32xf32, #tpu.memory_space<vmem>>
    %dma_wait3A_173 = arith.constant 0 : i32
    %dma_wait3A_174 = arith.constant 0 : i32
    %dma_wait3A_175 = tpu.memref_slice %arg5[%dma_wait3A_169, %dma_wait3A_173, %dma_wait3A_174] : memref<16384x200x32xf32, #tpu.memory_space<hbm>> -> memref<1x200x32xf32, #tpu.memory_space<hbm>>
    %dma_wait3A_176 = tpu.memref_squeeze %dma_wait3A_175 : memref<1x200x32xf32, #tpu.memory_space<hbm>> -> memref<200x32xf32, #tpu.memory_space<hbm>>
    %dma_wait3A_177 = arith.constant 0 : i32
    %dma_wait3A_178 = arith.constant 0 : i32
    %dma_wait3A_179 = tpu.memref_slice %arg5[%dma_wait3A_169, %dma_wait3A_177, %dma_wait3A_178] : memref<16384x200x32xf32, #tpu.memory_space<hbm>> -> memref<1x200x32xf32, #tpu.memory_space<hbm>>
    %dma_wait3A_180 = tpu.memref_squeeze %dma_wait3A_179 : memref<1x200x32xf32, #tpu.memory_space<hbm>> -> memref<200x32xf32, #tpu.memory_space<hbm>>
    %dma_wait3A_181 = arith.constant 0 : i32
    %dma_wait3A_182 = arith.constant 0 : i32
    %dma_wait3A_183 = tpu.memref_slice %arg9[%dma_wait3A_181, %dma_wait3A_182] : memref<1600x32xf32, #tpu.memory_space<vmem>> -> memref<200x32xf32, #tpu.memory_space<vmem>>
    tpu.wait_dma2 semaphore(%arg14 : memref<!tpu.dma_semaphore, #tpu.memory_space<semaphore_mem>>) src(%dma_wait3A_183 : memref<200x32xf32, #tpu.memory_space<vmem>>) dst(%dma_wait3A_180 : memref<200x32xf32, #tpu.memory_space<hbm>>)
    %dma_wait3A_184 = arith.constant 1 : i32
    %dma_wait3A_185 = arith.constant 200 : i32
    %dma_wait3A_186 = arith.constant 0 : i32
    %dma_wait3A_187 = tpu.memref_slice %arg9[%dma_wait3A_185, %dma_wait3A_186] : memref<1600x32xf32, #tpu.memory_space<vmem>> -> memref<200x32xf32, #tpu.memory_space<vmem>>
    %dma_wait3A_188 = arith.constant 0 : i32
    %dma_wait3A_189 = arith.constant 0 : i32
    %dma_wait3A_190 = tpu.memref_slice %arg5[%dma_wait3A_184, %dma_wait3A_188, %dma_wait3A_189] : memref<16384x200x32xf32, #tpu.memory_space<hbm>> -> memref<1x200x32xf32, #tpu.memory_space<hbm>>
    %dma_wait3A_191 = tpu.memref_squeeze %dma_wait3A_190 : memref<1x200x32xf32, #tpu.memory_space<hbm>> -> memref<200x32xf32, #tpu.memory_space<hbm>>
    %dma_wait3A_192 = arith.constant 0 : i32
    %dma_wait3A_193 = arith.constant 0 : i32
    %dma_wait3A_194 = tpu.memref_slice %arg5[%dma_wait3A_184, %dma_wait3A_192, %dma_wait3A_193] : memref<16384x200x32xf32, #tpu.memory_space<hbm>> -> memref<1x200x32xf32, #tpu.memory_space<hbm>>
    %dma_wait3A_195 = tpu.memref_squeeze %dma_wait3A_194 : memref<1x200x32xf32, #tpu.memory_space<hbm>> -> memref<200x32xf32, #tpu.memory_space<hbm>>
    %dma_wait3A_196 = arith.constant 200 : i32
    %dma_wait3A_197 = arith.constant 0 : i32
    %dma_wait3A_198 = tpu.memref_slice %arg9[%dma_wait3A_196, %dma_wait3A_197] : memref<1600x32xf32, #tpu.memory_space<vmem>> -> memref<200x32xf32, #tpu.memory_space<vmem>>
    tpu.wait_dma2 semaphore(%arg14 : memref<!tpu.dma_semaphore, #tpu.memory_space<semaphore_mem>>) src(%dma_wait3A_198 : memref<200x32xf32, #tpu.memory_space<vmem>>) dst(%dma_wait3A_195 : memref<200x32xf32, #tpu.memory_space<hbm>>)
    %dma_wait3A_199 = arith.constant 2 : i32
    %dma_wait3A_200 = arith.constant 400 : i32
    %dma_wait3A_201 = arith.constant 0 : i32
    %dma_wait3A_202 = tpu.memref_slice %arg9[%dma_wait3A_200, %dma_wait3A_201] : memref<1600x32xf32, #tpu.memory_space<vmem>> -> memref<200x32xf32, #tpu.memory_space<vmem>>
    %dma_wait3A_203 = arith.constant 0 : i32
    %dma_wait3A_204 = arith.constant 0 : i32
    %dma_wait3A_205 = tpu.memref_slice %arg5[%dma_wait3A_199, %dma_wait3A_203, %dma_wait3A_204] : memref<16384x200x32xf32, #tpu.memory_space<hbm>> -> memref<1x200x32xf32, #tpu.memory_space<hbm>>
    %dma_wait3A_206 = tpu.memref_squeeze %dma_wait3A_205 : memref<1x200x32xf32, #tpu.memory_space<hbm>> -> memref<200x32xf32, #tpu.memory_space<hbm>>
    %dma_wait3A_207 = arith.constant 0 : i32
    %dma_wait3A_208 = arith.constant 0 : i32
    %dma_wait3A_209 = tpu.memref_slice %arg5[%dma_wait3A_199, %dma_wait3A_207, %dma_wait3A_208] : memref<16384x200x32xf32, #tpu.memory_space<hbm>> -> memref<1x200x32xf32, #tpu.memory_space<hbm>>
    %dma_wait3A_210 = tpu.memref_squeeze %dma_wait3A_209 : memref<1x200x32xf32, #tpu.memory_space<hbm>> -> memref<200x32xf32, #tpu.memory_space<hbm>>
    %dma_wait3A_211 = arith.constant 400 : i32
    %dma_wait3A_212 = arith.constant 0 : i32
    %dma_wait3A_213 = tpu.memref_slice %arg9[%dma_wait3A_211, %dma_wait3A_212] : memref<1600x32xf32, #tpu.memory_space<vmem>> -> memref<200x32xf32, #tpu.memory_space<vmem>>
    tpu.wait_dma2 semaphore(%arg14 : memref<!tpu.dma_semaphore, #tpu.memory_space<semaphore_mem>>) src(%dma_wait3A_213 : memref<200x32xf32, #tpu.memory_space<vmem>>) dst(%dma_wait3A_210 : memref<200x32xf32, #tpu.memory_space<hbm>>)
    %dma_wait3A_214 = arith.constant 3 : i32
    %dma_wait3A_215 = arith.constant 600 : i32
    %dma_wait3A_216 = arith.constant 0 : i32
    %dma_wait3A_217 = tpu.memref_slice %arg9[%dma_wait3A_215, %dma_wait3A_216] : memref<1600x32xf32, #tpu.memory_space<vmem>> -> memref<200x32xf32, #tpu.memory_space<vmem>>
    %dma_wait3A_218 = arith.constant 0 : i32
    %dma_wait3A_219 = arith.constant 0 : i32
    %dma_wait3A_220 = tpu.memref_slice %arg5[%dma_wait3A_214, %dma_wait3A_218, %dma_wait3A_219] : memref<16384x200x32xf32, #tpu.memory_space<hbm>> -> memref<1x200x32xf32, #tpu.memory_space<hbm>>
    %dma_wait3A_221 = tpu.memref_squeeze %dma_wait3A_220 : memref<1x200x32xf32, #tpu.memory_space<hbm>> -> memref<200x32xf32, #tpu.memory_space<hbm>>
    %dma_wait3A_222 = arith.constant 0 : i32
    %dma_wait3A_223 = arith.constant 0 : i32
    %dma_wait3A_224 = tpu.memref_slice %arg5[%dma_wait3A_214, %dma_wait3A_222, %dma_wait3A_223] : memref<16384x200x32xf32, #tpu.memory_space<hbm>> -> memref<1x200x32xf32, #tpu.memory_space<hbm>>
    %dma_wait3A_225 = tpu.memref_squeeze %dma_wait3A_224 : memref<1x200x32xf32, #tpu.memory_space<hbm>> -> memref<200x32xf32, #tpu.memory_space<hbm>>
    %dma_wait3A_226 = arith.constant 600 : i32
    %dma_wait3A_227 = arith.constant 0 : i32
    %dma_wait3A_228 = tpu.memref_slice %arg9[%dma_wait3A_226, %dma_wait3A_227] : memref<1600x32xf32, #tpu.memory_space<vmem>> -> memref<200x32xf32, #tpu.memory_space<vmem>>
    tpu.wait_dma2 semaphore(%arg14 : memref<!tpu.dma_semaphore, #tpu.memory_space<semaphore_mem>>) src(%dma_wait3A_228 : memref<200x32xf32, #tpu.memory_space<vmem>>) dst(%dma_wait3A_225 : memref<200x32xf32, #tpu.memory_space<hbm>>)
    %dma_wait3A_229 = arith.constant 4 : i32
    %dma_wait3A_230 = arith.constant 800 : i32
    %dma_wait3A_231 = arith.constant 0 : i32
    %dma_wait3A_232 = tpu.memref_slice %arg9[%dma_wait3A_230, %dma_wait3A_231] : memref<1600x32xf32, #tpu.memory_space<vmem>> -> memref<200x32xf32, #tpu.memory_space<vmem>>
    %dma_wait3A_233 = arith.constant 0 : i32
    %dma_wait3A_234 = arith.constant 0 : i32
    %dma_wait3A_235 = tpu.memref_slice %arg5[%dma_wait3A_229, %dma_wait3A_233, %dma_wait3A_234] : memref<16384x200x32xf32, #tpu.memory_space<hbm>> -> memref<1x200x32xf32, #tpu.memory_space<hbm>>
    %dma_wait3A_236 = tpu.memref_squeeze %dma_wait3A_235 : memref<1x200x32xf32, #tpu.memory_space<hbm>> -> memref<200x32xf32, #tpu.memory_space<hbm>>
    %dma_wait3A_237 = arith.constant 0 : i32
    %dma_wait3A_238 = arith.constant 0 : i32
    %dma_wait3A_239 = tpu.memref_slice %arg5[%dma_wait3A_229, %dma_wait3A_237, %dma_wait3A_238] : memref<16384x200x32xf32, #tpu.memory_space<hbm>> -> memref<1x200x32xf32, #tpu.memory_space<hbm>>
    %dma_wait3A_240 = tpu.memref_squeeze %dma_wait3A_239 : memref<1x200x32xf32, #tpu.memory_space<hbm>> -> memref<200x32xf32, #tpu.memory_space<hbm>>
    %dma_wait3A_241 = arith.constant 800 : i32
    %dma_wait3A_242 = arith.constant 0 : i32
    %dma_wait3A_243 = tpu.memref_slice %arg9[%dma_wait3A_241, %dma_wait3A_242] : memref<1600x32xf32, #tpu.memory_space<vmem>> -> memref<200x32xf32, #tpu.memory_space<vmem>>
    tpu.wait_dma2 semaphore(%arg14 : memref<!tpu.dma_semaphore, #tpu.memory_space<semaphore_mem>>) src(%dma_wait3A_243 : memref<200x32xf32, #tpu.memory_space<vmem>>) dst(%dma_wait3A_240 : memref<200x32xf32, #tpu.memory_space<hbm>>)
    %dma_wait3A_244 = arith.constant 5 : i32
    %dma_wait3A_245 = arith.constant 1000 : i32
    %dma_wait3A_246 = arith.constant 0 : i32
    %dma_wait3A_247 = tpu.memref_slice %arg9[%dma_wait3A_245, %dma_wait3A_246] : memref<1600x32xf32, #tpu.memory_space<vmem>> -> memref<200x32xf32, #tpu.memory_space<vmem>>
    %dma_wait3A_248 = arith.constant 0 : i32
    %dma_wait3A_249 = arith.constant 0 : i32
    %dma_wait3A_250 = tpu.memref_slice %arg5[%dma_wait3A_244, %dma_wait3A_248, %dma_wait3A_249] : memref<16384x200x32xf32, #tpu.memory_space<hbm>> -> memref<1x200x32xf32, #tpu.memory_space<hbm>>
    %dma_wait3A_251 = tpu.memref_squeeze %dma_wait3A_250 : memref<1x200x32xf32, #tpu.memory_space<hbm>> -> memref<200x32xf32, #tpu.memory_space<hbm>>
    %dma_wait3A_252 = arith.constant 0 : i32
    %dma_wait3A_253 = arith.constant 0 : i32
    %dma_wait3A_254 = tpu.memref_slice %arg5[%dma_wait3A_244, %dma_wait3A_252, %dma_wait3A_253] : memref<16384x200x32xf32, #tpu.memory_space<hbm>> -> memref<1x200x32xf32, #tpu.memory_space<hbm>>
    %dma_wait3A_255 = tpu.memref_squeeze %dma_wait3A_254 : memref<1x200x32xf32, #tpu.memory_space<hbm>> -> memref<200x32xf32, #tpu.memory_space<hbm>>
    %dma_wait3A_256 = arith.constant 1000 : i32
    %dma_wait3A_257 = arith.constant 0 : i32
    %dma_wait3A_258 = tpu.memref_slice %arg9[%dma_wait3A_256, %dma_wait3A_257] : memref<1600x32xf32, #tpu.memory_space<vmem>> -> memref<200x32xf32, #tpu.memory_space<vmem>>
    tpu.wait_dma2 semaphore(%arg14 : memref<!tpu.dma_semaphore, #tpu.memory_space<semaphore_mem>>) src(%dma_wait3A_258 : memref<200x32xf32, #tpu.memory_space<vmem>>) dst(%dma_wait3A_255 : memref<200x32xf32, #tpu.memory_space<hbm>>)
    %dma_wait3A_259 = arith.constant 6 : i32
    %dma_wait3A_260 = arith.constant 1200 : i32
    %dma_wait3A_261 = arith.constant 0 : i32
    %dma_wait3A_262 = tpu.memref_slice %arg9[%dma_wait3A_260, %dma_wait3A_261] : memref<1600x32xf32, #tpu.memory_space<vmem>> -> memref<200x32xf32, #tpu.memory_space<vmem>>
    %dma_wait3A_263 = arith.constant 0 : i32
    %dma_wait3A_264 = arith.constant 0 : i32
    %dma_wait3A_265 = tpu.memref_slice %arg5[%dma_wait3A_259, %dma_wait3A_263, %dma_wait3A_264] : memref<16384x200x32xf32, #tpu.memory_space<hbm>> -> memref<1x200x32xf32, #tpu.memory_space<hbm>>
    %dma_wait3A_266 = tpu.memref_squeeze %dma_wait3A_265 : memref<1x200x32xf32, #tpu.memory_space<hbm>> -> memref<200x32xf32, #tpu.memory_space<hbm>>
    %dma_wait3A_267 = arith.constant 0 : i32
    %dma_wait3A_268 = arith.constant 0 : i32
    %dma_wait3A_269 = tpu.memref_slice %arg5[%dma_wait3A_259, %dma_wait3A_267, %dma_wait3A_268] : memref<16384x200x32xf32, #tpu.memory_space<hbm>> -> memref<1x200x32xf32, #tpu.memory_space<hbm>>
    %dma_wait3A_270 = tpu.memref_squeeze %dma_wait3A_269 : memref<1x200x32xf32, #tpu.memory_space<hbm>> -> memref<200x32xf32, #tpu.memory_space<hbm>>
    %dma_wait3A_271 = arith.constant 1200 : i32
    %dma_wait3A_272 = arith.constant 0 : i32
    %dma_wait3A_273 = tpu.memref_slice %arg9[%dma_wait3A_271, %dma_wait3A_272] : memref<1600x32xf32, #tpu.memory_space<vmem>> -> memref<200x32xf32, #tpu.memory_space<vmem>>
    tpu.wait_dma2 semaphore(%arg14 : memref<!tpu.dma_semaphore, #tpu.memory_space<semaphore_mem>>) src(%dma_wait3A_273 : memref<200x32xf32, #tpu.memory_space<vmem>>) dst(%dma_wait3A_270 : memref<200x32xf32, #tpu.memory_space<hbm>>)
    %dma_wait3A_274 = arith.constant 7 : i32
    %dma_wait3A_275 = arith.constant 1400 : i32
    %dma_wait3A_276 = arith.constant 0 : i32
    %dma_wait3A_277 = tpu.memref_slice %arg9[%dma_wait3A_275, %dma_wait3A_276] : memref<1600x32xf32, #tpu.memory_space<vmem>> -> memref<200x32xf32, #tpu.memory_space<vmem>>
    %dma_wait3A_278 = arith.constant 0 : i32
    %dma_wait3A_279 = arith.constant 0 : i32
    %dma_wait3A_280 = tpu.memref_slice %arg5[%dma_wait3A_274, %dma_wait3A_278, %dma_wait3A_279] : memref<16384x200x32xf32, #tpu.memory_space<hbm>> -> memref<1x200x32xf32, #tpu.memory_space<hbm>>
    %dma_wait3A_281 = tpu.memref_squeeze %dma_wait3A_280 : memref<1x200x32xf32, #tpu.memory_space<hbm>> -> memref<200x32xf32, #tpu.memory_space<hbm>>
    %dma_wait3A_282 = arith.constant 0 : i32
    %dma_wait3A_283 = arith.constant 0 : i32
    %dma_wait3A_284 = tpu.memref_slice %arg5[%dma_wait3A_274, %dma_wait3A_282, %dma_wait3A_283] : memref<16384x200x32xf32, #tpu.memory_space<hbm>> -> memref<1x200x32xf32, #tpu.memory_space<hbm>>
    %dma_wait3A_285 = tpu.memref_squeeze %dma_wait3A_284 : memref<1x200x32xf32, #tpu.memory_space<hbm>> -> memref<200x32xf32, #tpu.memory_space<hbm>>
    %dma_wait3A_286 = arith.constant 1400 : i32
    %dma_wait3A_287 = arith.constant 0 : i32
    %dma_wait3A_288 = tpu.memref_slice %arg9[%dma_wait3A_286, %dma_wait3A_287] : memref<1600x32xf32, #tpu.memory_space<vmem>> -> memref<200x32xf32, #tpu.memory_space<vmem>>
    tpu.wait_dma2 semaphore(%arg14 : memref<!tpu.dma_semaphore, #tpu.memory_space<semaphore_mem>>) src(%dma_wait3A_288 : memref<200x32xf32, #tpu.memory_space<vmem>>) dst(%dma_wait3A_285 : memref<200x32xf32, #tpu.memory_space<hbm>>)
    return
  }
}

</mosaic_0001>

<sc_bundles>
// kernel: kernel.3.cloned.1.call-start
scs
__scs_entry_jumppad:
0x0: {  	(pc) =	sbr.rel $0x88, $3  }
0x1: {  	(tag) =	ssettag $0x0;
	lr =	simm.s32 $0x1  }
0x2: {  	[smem:$0x3F9E] =	sst lr;
	_ =	strace $0xD0000000  }
0x3: {  	_ = 	snop  }
0x4: {  	_ = 	snop  }
0x5: {  	_ = 	snop  }
0x6: {  	_ = 	snop  }
0x7: {  	_ = 	snop  }
__scs_overlays_trampoline_lowered:
0x8: {  	[smem:$0x3FAD] =	sst s0  }
0x9: {  	[smem:$0x3FAE] =	sst s1  }
0xa: {  	[smem:$0x3FAF] =	sst s2  }
0xb: {  	[smem:$0x3FB0] =	sst s3  }
0xc: {  	[smem:$0x3FB1] =	sst s4  }
0xd: {  	[smem:$0x3FB2] =	sst s5  }
0xe: {  	[smem:$0x3FB3] =	sst s6  }
0xf: {  	[smem:$0x3FB4] =	sst s7  }
0x10: {  	[smem:$0x3FB5] =	sst s8  }
0x11: {  	[smem:$0x3FB6] =	sst s9;
	s0 =	simm.s32 @!p0 $0x0  }
0x12: {  	s1 =	sld [smem:$0x3F9C];
	s0 =	simm.s32 @p0 $0x1  }
0x13: {  	[smem:$0x3FB7] =	sst s0;
	s0 =	simm.s32 @!p1 $0x0  }
0x14: {  	s2 =	sld [smem:$0x3F9B];
	s0 =	simm.s32 @p1 $0x1  }
0x15: {  	[smem:$0x3FB8] =	sst s0;
	s0 =	simm.s32 @!p2 $0x0  }
0x16: {  	s3 =	sld [smem:$0x3FDB];
	s0 =	simm.s32 @p2 $0x1  }
0x17: {  	s4 =	simm.s32 $0x1BF5;
	[smem:$0x3FBA] =	sst s0  }
0x18: {  	s0 =	sld [smem:$0x3F9D];
	_ =	swait.ge [sflag:s4], $0x0  }
0x19: {  	s7 =	sld [smem:$0x3F9E]  }
0x1a: {  	s8 =	sadd.s32 $0xFFFFE003, lr  }
0x1b: {  	s9 =	sadd.s32 $0xFFFFFEF7, lr;
	s5 =	simm.s32 $0xFFFFFFFF;
	p2 =	slt.u32 s8, $0xFFFFF086  }
0x1c: {  	p1 =	slt.u32 s9, $0xF7A;
	s5 =	simm.s32 @!p2 $0x0  }
0x1d: {  	s5 =	simm.s32 @p1 $0x1;
	p0 =	seq.s32 s7, s2  }
0x1e: {  	s7 =	smul.u32 @!p0 $0xF7A, s2;
	p2 =	seq.s32 @!p0 s5, $0x0  }
0x1f: {  	s9 =	smul.u32 $0xF7A, s1;
	s8 =	simm.s32 @!p0 $0x1BF5;
	p2 =	por !p2, p0  }
0x20: {  	[sflag:s8] =	ssyncset.s32 @!p0 $0xFFFFF086;
	s6 =	sadd.s32 @!p0 s3, s7;
	s7 =	simm.s32 @!p0 $0x108  }
0x21: {  	s3 =	sadd.s32 s3, s9;
	s6 =	sadd.s32 @!p0 $0x88, s6;
	s7 =	simm.s32 @p2 $0x1082  }
0x22: {  	[simem:s7], [sflag:s8] =	dma.local @!p0 [hbm:s6], $0xF7A  }
0x23: {  	s9 =	sor.u32 $0xD0000000, s2;
	s6 =	simm.s32 $0x108;
	_ =	swait.ge @!p0 [sflag:s8], $0x0  }
0x24: {  	s3 =	sadd.s32 $0x88, s3;
	s6 =	simm.s32 @!p1 $0x1082;
	[sflag:s4] =	ssyncset.s32 $0xFFFFF086  }
0x25: {  	[simem:s6], [sflag:s4] =	dma.local [hbm:s3], $0xF7A  }
0x26: {  	[smem:$0x3F9E] =	sst s1;
	(tag) =	ssettag s2;
	_ =	strace s9  }
0x27: {  	s1 =	sld [smem:$0x3FAE]  }
0x28: {  	s2 =	sld [smem:$0x3FAF]  }
0x29: {  	s4 =	sld [smem:$0x3FB1]  }
0x2a: {  	p0 =	seq.s32 s5, $0x0;
	s5 =	sld [smem:$0x3FB2]  }
0x2b: {  	s6 =	sld [smem:$0x3FB3]  }
0x2c: {  	s7 =	sld [smem:$0x3FB4]  }
0x2d: {  	s3 =	simm.s32 $0x108;
	s8 =	sld [smem:$0x3FB5]  }
0x2e: {  	s3 =	simm.s32 @!p0 $0x1082;
	s9 =	sld [smem:$0x3FB6]  }
0x2f: {  	lr =	sadd.s32 s0, s3;
	s0 =	sld [smem:$0x3FAD]  }
0x30: {  	s3 =	sld [smem:$0x3FB0]  }
0x31: {  	[smem:$0x3FB9] =	sst s10  }
0x32: {  	s10 =	sld [smem:$0x3FB7];
	_ =	sdelay $0x3  }
0x33: {  	p0 =	seq.s32 s10, $0x1;
	s10 =	sld [smem:$0x3FB9];
	_ =	sdelay $0x3  }
0x34: {  	[smem:$0x3FB9] =	sst s10  }
0x35: {  	s10 =	sld [smem:$0x3FB8];
	_ =	sdelay $0x3  }
0x36: {  	p1 =	seq.s32 s10, $0x1;
	s10 =	sld [smem:$0x3FB9];
	_ =	sdelay $0x3  }
0x37: {  	[smem:$0x3FB9] =	sst s10  }
0x38: {  	s10 =	sld [smem:$0x3FBA]  }
0x39: {  	_ = 	snop;
	(pc) =	sbr.ind lr, $3  }
0x3a: {  	_ = 	snop  }
0x3b: {  	_ = 	snop  }
0x3c: {  	p2 =	seq.s32 s10, $0x1;
	s10 =	sld [smem:$0x3FB9]  }
0x3d: {  	_ =	shalt  }
0x3e: {  	_ =	shalt  }
0x3f: {  	_ =	shalt  }
0x40: {  	_ =	shalt  }
0x41: {  	_ =	shalt  }
0x42: {  	_ =	shalt  }
0x43: {  	_ =	shalt  }
0x44: {  	_ =	shalt  }
0x45: {  	_ =	shalt  }
0x46: {  	_ =	shalt  }
0x47: {  	_ =	shalt  }
0x48: {  	_ =	shalt  }
0x49: {  	_ =	shalt  }
0x4a: {  	_ =	shalt  }
0x4b: {  	_ =	shalt  }
0x4c: {  	_ =	shalt  }
0x4d: {  	_ =	shalt  }
0x4e: {  	_ =	shalt  }
0x4f: {  	_ =	shalt  }
0x50: {  	_ =	shalt  }
0x51: {  	_ =	shalt  }
0x52: {  	_ =	shalt  }
0x53: {  	_ =	shalt  }
0x54: {  	_ =	shalt  }
0x55: {  	_ =	shalt  }
0x56: {  	_ =	shalt  }
0x57: {  	_ =	shalt  }
0x58: {  	_ =	shalt  }
0x59: {  	_ =	shalt  }
0x5a: {  	_ =	shalt  }
0x5b: {  	_ =	shalt  }
0x5c: {  	_ =	shalt  }
0x5d: {  	_ =	shalt  }
0x5e: {  	_ =	shalt  }
0x5f: {  	_ =	shalt  }
0x60: {  	_ =	shalt  }
0x61: {  	_ =	shalt  }
0x62: {  	_ =	shalt  }
0x63: {  	_ =	shalt  }
0x64: {  	_ =	shalt  }
0x65: {  	_ =	shalt  }
0x66: {  	_ =	shalt  }
0x67: {  	_ =	shalt  }
0x68: {  	_ =	shalt  }
0x69: {  	_ =	shalt  }
0x6a: {  	_ =	shalt  }
0x6b: {  	_ =	shalt  }
0x6c: {  	_ =	shalt  }
0x6d: {  	_ =	shalt  }
0x6e: {  	_ =	shalt  }
0x6f: {  	_ =	shalt  }
0x70: {  	_ =	shalt  }
0x71: {  	_ =	shalt  }
0x72: {  	_ =	shalt  }
0x73: {  	_ =	shalt  }
0x74: {  	_ =	shalt  }
0x75: {  	_ =	shalt  }
0x76: {  	_ =	shalt  }
0x77: {  	_ =	shalt  }
0x78: {  	_ =	shalt  }
0x79: {  	_ =	shalt  }
0x7a: {  	_ =	shalt  }
0x7b: {  	_ =	shalt  }
0x7c: {  	_ =	shalt  }
0x7d: {  	_ =	shalt  }
0x7e: {  	_ =	shalt  }
0x7f: {  	_ =	shalt  }
0x80: {  	_ =	shalt  }
0x81: {  	_ =	shalt  }
0x82: {  	_ =	shalt  }
0x83: {  	_ =	shalt  }
0x84: {  	_ =	shalt  }
0x85: {  	_ =	shalt  }
0x86: {  	_ =	shalt  }
0x87: {  	_ =	shalt  }
.Lfunc_end0:
.L_simem_size_0:
called_computation.1_lowered:
.L_overlay_start_0:
0x88: {  	s2 =	sld [smem:$0x3FD9]  }
0x89: {  	s3 =	sld [smem:$0x3FFE];
	_ =	sdelay $0x1  }
0x8a: {  	s1 =	srdreg.scid  }
0x8b: {  	s0 =	sand.u32 $0x1, s1  }
0x8c: {  	s17 =	sshll.u32 s0, $0xA;
	s2 =	sadd.s32 s3, s2  }
0x8d: {  	s2 =	sadd.s32 s2, s17  }
0x8e: {  	[smem:$0x3FC5] =	sst s2  }
0x8f: {  	_ = 	snop  }
0x90: {  	s2 =	sld [smem:$0x3FD0];
	(tm) =	ssettm $0x1  }
0x91: {  	s18 =	sld [smem:$0x3FFB];
	_ =	sdelay $0x3  }
0x92: {  	_ =	strace s18  }
0x93: {  	s3 =	sld [smem:$0x3FFC];
	_ =	sdelay $0x3  }
0x94: {  	_ =	strace s3  }
0x95: {  	s3 =	sld [smem:$0x3FFD];
	_ =	sdelay $0x3  }
0x96: {  	_ =	strace s3  }
0x97: {  	_ =	strace $0x8FFFFFFF  }
0x98: {  	s19 =	sld [smem:$0x3FDB];
	_ =	sdelay $0x1  }
0x99: {  	s4 =	simm.s32 $_scs_section_size  }
0x9a: {  	s5 =	simm.s32 $_size__tile_overlayer_lowered;
	s6 =	simm.s32 $_tile_overlayer_lowered  }
0x9b: {  	s22 =	simm.s32 $0x1BFF;
	s21 =	sshll.u32 s6, $0x1;
	s3 =	sadd.s32 s4, s19  }
0x9c: {  	s7 =	simm.s32 $0x0;
	s20 =	sshll.u32 s5, $0x1;
	s5 =	sadd.s32 s21, s3  }
0x9d: {  	[timem:s7], [sflag:s22] =	dma.local [hbm:s5], s20  }
0x9e: {  	_ =	swait.ge [sflag:s22], s20  }
0x9f: {  	s4 =	ssub.s32 $0x0, s20;
	[sflag:s22] =	ssyncset.done $0x0  }
0xa0: {  	[sflag:s22] =	ssyncadd.s32 s4;
	_ =	sdelay $0x1  }
0xa1: {  	s23 =	simm.s32 $0x1B8B  }
0xa2: {  	_ =	swait.ge [sflag:s23], $0x1  }
0xa3: {  	[sflag:s23] =	ssyncset.done $0x0  }
0xa4: {  	s25 =	simm.s32 $0x1B8E;
	s24 =	sld [smem:$0x3FFE];
	[sflag:s23] =	ssyncadd.s32 $0xFFFFFFFF  }
0xa5: {  	s26 =	simm.s32 $execute0_lowered;
	[smem:$0x3FD2] =	sst s25  }
0xa6: {  	s5 =	sshll.u32 s26, $0x1;
	_ =	strace $0x80000046;
	[dreg:$0x1] =	wrdreg $0xFFFFFFFF  }
0xa7: {  	s28 =	simm.s32 $_size_execute0_lowered;
	s3 =	sadd.s32 s3, s5;
	[dreg:$0x0] =	wrdreg $0x0  }
0xa8: {  	s5 =	sshll.u32 s28, $0x1;
	[dreg:$0x2] =	wrdreg s3  }
0xa9: {  	[dreg:$0x3] =	wrdreg s5  }
0xaa: {  	[dreg:$0x4] =	wrdreg $0xC0  }
0xab: {  	_ =	task [dreg:s7], $0x5FFFF  }
0xac: {  	[dreg:$0x1] =	wrdreg $0xFFFFFFFF  }
0xad: {  	[dreg:$0x0] =	wrdreg $0x60  }
0xae: {  	[dreg:$0x2] =	wrdreg s24  }
0xaf: {  	[dreg:$0x3] =	wrdreg s2  }
0xb0: {  	[dreg:$0x4] =	wrdreg $0x9  }
0xb1: {  	_ =	task.clear_ibuf [dreg:s7], $0x5FFFF;
	_ =	strace $0x90000046  }
0xb2: {  	s29 =	simm.s32 $0x9;
	_ =	strace $0x80000048  }
0xb3: {  	_ =	swait.ge [sflag:s29], $0x1  }
0xb4: {  	[sflag:s29] =	ssyncadd.s32 $0xFFFFFFFF  }
0xb5: {  	_ =	strace $0x90000048  }
0xb6: {  	_ =	sfence  }
0xb7: {  	s30 =	sld [smem:$0x0];
	_ =	sdelay $0x2  }
0xb8: {  	s31 =	sshll.u32 s1, $0xD;
	s1 =	sshrl.u32 s1, $0x2  }
0xb9: {  	s3 =	sand.u32 $0x4000, s31;
	s1 =	sadd.s32 s1, s30  }
0xba: {  	s0 =	sor.u32 s3, s0;
	s1 =	sshll.u32 s1, $0x11  }
0xbb: {  	s0 =	sor.u32 s1, s0  }
0xbc: {  	s0 =	sadd.s32 $0x8F2B, s0  }
0xbd: {  	[sflag:s0] =	ssyncadd.remote.s32 $0x1  }
0xbe: {  	_ =	sfence.sel $0xFFFF  }
0xbf: {  	[dreg:$0x0] =	wrdreg $0xFFFFFFFF;
	(pc) =	sbr.abs _section_cstart, $3  }
0xc0: {  	[dreg:$0x1] =	wrdreg $0xFFFFFFFF  }
0xc1: {  	_ =	task.clear_ibuf [dreg:s7], $0x2FFFF;
	_ =	strace $0x9FFFFFFF  }
0xc2: {  	(tm) =	ssettm $0x7FFFFFFF  }
0xc3: {  	_ =	shalt  }
tec
execute0_lowered:
.L_overlay_start_1:
0x0: {  	(tag) =	ssettag $0x1  }
0x1: {  	s0 =	rddreg [dreg:$0x0]  }
0x2: {  	s2 =	rddreg [dreg:$0x1]  }
0x3: {  	s1 =	srdreg.scid;
	s4 =	stileid.u32;
	s3 =	simm.s32 $0x0  }
0x4: {  	s1 =	sand.u32 $0x1, s1;
	s4 =	sshll.u32 s4, $0xA;
	[smem:$0x7FF] =	sst s3  }
0x5: {  	s6 =	sadd.s32 $0xFA7000, s0;
	s5 =	sshll.u32 s1, $0x9;
	s1 =	ssub.s32 $0x2, s1  }
0x6: {  	s4 =	sor.u32 s5, s4;
	s5 =	sadd.s32 $0xC00, s0;
	s8 =	sshrl.u32 s1, $0x1  }
0x7: {  	s0 =	sadd.s32 $0x800, s0;
	s7 =	smul.u32 $0x19, s4;
	s13 =	ssub.s32 s1, s8  }
0x8: {  	_ =	strace $0x80000047;
	[dreg:$0x3] =	wrdreg s0;
	s0 =	smax.u32 s13, $0x1  }
0x9: {  	s14 =	sadd.s32 s5, s7;
	[dreg:$0x14] =	wrdreg s0  }
0xa: {  	s7 =	sadd.s32 $0x19, s14;
	[dreg:$0x4] =	wrdreg s14  }
0xb: {  	s15 =	sadd.s32 $0x32, s14;
	[dreg:$0x5] =	wrdreg s7  }
0xc: {  	s16 =	sadd.s32 $0x4B, s14;
	[dreg:$0x6] =	wrdreg s15  }
0xd: {  	s17 =	sadd.s32 $0x64, s14;
	[dreg:$0x7] =	wrdreg s16  }
0xe: {  	s18 =	sadd.s32 $0x7D, s14;
	[dreg:$0x8] =	wrdreg s17  }
0xf: {  	s19 =	sadd.s32 $0x96, s14;
	[dreg:$0x9] =	wrdreg s18  }
0x10: {  	s20 =	sadd.s32 $0xAF, s14;
	[dreg:$0xa] =	wrdreg s19  }
0x11: {  	s21 =	sadd.s32 $0xC8, s14;
	[dreg:$0xb] =	wrdreg s20  }
0x12: {  	s29 =	simm.s32 $0x7;
	s22 =	sadd.s32 $0xE1, s14;
	[dreg:$0xc] =	wrdreg s21  }
0x13: {  	s30 =	simm.s32 $0xD480;
	s23 =	sadd.s32 $0xFA, s14;
	[dreg:$0xd] =	wrdreg s22  }
0x14: {  	s31 =	simm.s32 $0x1;
	s24 =	sadd.s32 $0x113, s14;
	[dreg:$0xe] =	wrdreg s23  }
0x15: {  	s12 =	simm.s32 $0xA280;
	s25 =	sadd.s32 $0x12C, s14;
	[dreg:$0xf] =	wrdreg s24  }
0x16: {  	s9 =	simm.s32 $0x0;
	s26 =	sadd.s32 $0x145, s14;
	[dreg:$0x10] =	wrdreg s25  }
0x17: {  	s13 =	simm.s32 $0xBB80;
	s28 =	sadd.s32 $0x15E, s14;
	[dreg:$0x11] =	wrdreg s26  }
0x18: {  	s0 =	simm.s32 $0x640;
	s1 =	sadd.s32 $0x177, s14;
	[dreg:$0x12] =	wrdreg s28  }
.Ltmp0:
0x19: {  	s14 =	simm.s32 $0x2;
	[dreg:$0x13] =	wrdreg s1;
	(pc) =	sbr.rel .LBB2_1-.Ltmp0, $4  }
0x1a: {  	s24 =	sor.u32 $0x10, s4;
	s26 =	sor.u32 $0x18, s4;
	s1 =	simm.s32 $0xC80  }
0x1b: {  	s15 =	simm.s32 $0xED80;
	s16 =	simm.s32 $0x10680;
	s17 =	simm.s32 $0x11F80  }
0x1c: {  	s18 =	simm.s32 $0x13880;
	s19 =	simm.s32 $0x15180;
	s20 =	simm.s32 $0x16A80  }
0x1d: {  	s21 =	simm.s32 $0x18380;
	s22 =	simm.s32 $0x3;
	s25 =	simm.s32 $0x5  }
.LBB2_8:
0x1e: {  	_ =	swait.ge [sflag:s22], $0x1900  }
0x1f: {  	[sflag:s22] =	ssyncset.done $0x0  }
0x20: {  	[sflag:s22] =	ssyncadd.s32 $0xFFFFE700  }
0x21: {  	_ =	swait.ge [sflag:s22], $0x1900  }
0x22: {  	[sflag:s22] =	ssyncset.done $0x0  }
0x23: {  	[sflag:s22] =	ssyncadd.s32 $0xFFFFE700  }
0x24: {  	_ =	swait.ge [sflag:s22], $0x1900  }
0x25: {  	[sflag:s22] =	ssyncset.done $0x0  }
0x26: {  	[sflag:s22] =	ssyncadd.s32 $0xFFFFE700  }
0x27: {  	_ =	swait.ge [sflag:s22], $0x1900  }
0x28: {  	[sflag:s22] =	ssyncset.done $0x0  }
0x29: {  	[sflag:s22] =	ssyncadd.s32 $0xFFFFE700  }
0x2a: {  	_ =	swait.ge [sflag:s22], $0x1900  }
0x2b: {  	[sflag:s22] =	ssyncset.done $0x0  }
0x2c: {  	[sflag:s22] =	ssyncadd.s32 $0xFFFFE700  }
0x2d: {  	_ =	swait.ge [sflag:s22], $0x1900  }
0x2e: {  	[sflag:s22] =	ssyncset.done $0x0  }
0x2f: {  	[sflag:s22] =	ssyncadd.s32 $0xFFFFE700  }
0x30: {  	_ =	swait.ge [sflag:s22], $0x1900  }
0x31: {  	[sflag:s22] =	ssyncset.done $0x0  }
0x32: {  	s8 =	simm.s32 $0x4;
	[sflag:s22] =	ssyncadd.s32 $0xFFFFE700  }
0x33: {  	_ =	swait.ge [sflag:s8], $0x1900  }
0x34: {  	[sflag:s8] =	ssyncset.done $0x0  }
0x35: {  	[sflag:s8] =	ssyncadd.s32 $0xFFFFE700  }
0x36: {  	_ =	swait.ge [sflag:s8], $0x1900  }
0x37: {  	[sflag:s8] =	ssyncset.done $0x0  }
0x38: {  	[sflag:s8] =	ssyncadd.s32 $0xFFFFE700  }
0x39: {  	_ =	swait.ge [sflag:s8], $0x1900  }
0x3a: {  	[sflag:s8] =	ssyncset.done $0x0  }
0x3b: {  	[sflag:s8] =	ssyncadd.s32 $0xFFFFE700  }
0x3c: {  	_ =	swait.ge [sflag:s8], $0x1900  }
0x3d: {  	[sflag:s8] =	ssyncset.done $0x0  }
0x3e: {  	[sflag:s8] =	ssyncadd.s32 $0xFFFFE700  }
0x3f: {  	_ =	swait.ge [sflag:s8], $0x1900  }
0x40: {  	[sflag:s8] =	ssyncset.done $0x0  }
0x41: {  	[sflag:s8] =	ssyncadd.s32 $0xFFFFE700  }
0x42: {  	_ =	swait.ge [sflag:s8], $0x1900  }
0x43: {  	[sflag:s8] =	ssyncset.done $0x0  }
0x44: {  	[sflag:s8] =	ssyncadd.s32 $0xFFFFE700  }
0x45: {  	_ =	swait.ge [sflag:s8], $0x1900  }
0x46: {  	[sflag:s8] =	ssyncset.done $0x0  }
0x47: {  	[sflag:s8] =	ssyncadd.s32 $0xFFFFE700  }
0x48: {  	_ =	swait.ge [sflag:s8], $0x1900  }
0x49: {  	s9 =	rddreg [dreg:$0x15]  }
0x4a: {  	s7 =	rddreg [dreg:$0x14];
	s9 =	sadd.s32 $0x1, s9  }
0x4b: {  	p0 =	sne.s32 s9, s7  }
.Ltmp1:
0x4c: {  	_ = 	snop;
	(pc) =	sbr.rel @!p0 .LBB2_9-.Ltmp1, $3  }
0x4d: {  	_ =	sdelay $0x1  }
0x4e: {  	[sflag:s8] =	ssyncset.done $0x0  }
0x4f: {  	[sflag:s8] =	ssyncadd.s32 $0xFFFFE700  }
.LBB2_1:
0x50: {  	[dreg:$0x15] =	wrdreg s9  }
0x51: {  	s7 =	rddreg [dreg:$0x3];
	s8 =	simm.s32 $0x19C80  }
0x52: {  	[tilespmem:s8], [sflag:$0x7] =	stream.linear.gather [hbm4b:s7+s3], $0x1900, $0x38;
	[tilespmem:$0x1B580] =	vst v63  }
0x53: {  	_ =	swait.ge [sflag:s29], $0x1900  }
0x54: {  	[sflag:s29] =	ssyncset.done $0x0  }
0x55: {  	s28 =	rddreg [dreg:$0x4];
	[sflag:s29] =	ssyncadd.s32 $0xFFFFE700  }
0x56: {  	[tilespmem:s3], [sflag:$0x7] =	stream.linear.gather [hbm4b:s28+s3], $0xC8, $0x38;
	[tilespmem:$0x1B580] =	vst v63  }
0x57: {  	_ =	swait.ge [sflag:s29], $0xC8  }
0x58: {  	[sflag:s29] =	ssyncset.done $0x0  }
0x59: {  	s9 =	simm.s32 $0xC8;
	s8 =	rddreg [dreg:$0x5];
	[sflag:s29] =	ssyncadd.s32 $0xFFFFFF38  }
0x5a: {  	[tilespmem:s9], [sflag:$0x7] =	stream.linear.gather [hbm4b:s8+s3], $0xC8, $0x38;
	[tilespmem:$0x1B580] =	vst v63  }
0x5b: {  	_ =	swait.ge [sflag:s29], $0xC8  }
0x5c: {  	[sflag:s29] =	ssyncset.done $0x0  }
0x5d: {  	s11 =	simm.s32 $0x190;
	s10 =	rddreg [dreg:$0x6];
	[sflag:s29] =	ssyncadd.s32 $0xFFFFFF38  }
0x5e: {  	[tilespmem:s11], [sflag:$0x7] =	stream.linear.gather [hbm4b:s10+s3], $0xC8, $0x38;
	[tilespmem:$0x1B580] =	vst v63  }
0x5f: {  	_ =	swait.ge [sflag:s29], $0xC8  }
0x60: {  	[sflag:s29] =	ssyncset.done $0x0  }
0x61: {  	s28 =	simm.s32 $0x258;
	s23 =	rddreg [dreg:$0x7];
	[sflag:s29] =	ssyncadd.s32 $0xFFFFFF38  }
0x62: {  	[tilespmem:s28], [sflag:$0x7] =	stream.linear.gather [hbm4b:s23+s3], $0xC8, $0x38;
	[tilespmem:$0x1B580] =	vst v63  }
0x63: {  	_ =	swait.ge [sflag:s29], $0xC8  }
0x64: {  	[sflag:s29] =	ssyncset.done $0x0  }
0x65: {  	s9 =	simm.s32 $0x320;
	s8 =	rddreg [dreg:$0x8];
	[sflag:s29] =	ssyncadd.s32 $0xFFFFFF38  }
0x66: {  	[tilespmem:s9], [sflag:$0x7] =	stream.linear.gather [hbm4b:s8+s3], $0xC8, $0x38;
	[tilespmem:$0x1B580] =	vst v63  }
0x67: {  	_ =	swait.ge [sflag:s29], $0xC8  }
0x68: {  	[sflag:s29] =	ssyncset.done $0x0  }
0x69: {  	s11 =	simm.s32 $0x3E8;
	s10 =	rddreg [dreg:$0x9];
	[sflag:s29] =	ssyncadd.s32 $0xFFFFFF38  }
0x6a: {  	[tilespmem:s11], [sflag:$0x7] =	stream.linear.gather [hbm4b:s10+s3], $0xC8, $0x38;
	[tilespmem:$0x1B580] =	vst v63  }
0x6b: {  	_ =	swait.ge [sflag:s29], $0xC8  }
0x6c: {  	[sflag:s29] =	ssyncset.done $0x0  }
0x6d: {  	s28 =	simm.s32 $0x4B0;
	s23 =	rddreg [dreg:$0xa];
	[sflag:s29] =	ssyncadd.s32 $0xFFFFFF38  }
0x6e: {  	[tilespmem:s28], [sflag:$0x7] =	stream.linear.gather [hbm4b:s23+s3], $0xC8, $0x38;
	[tilespmem:$0x1B580] =	vst v63  }
0x6f: {  	_ =	swait.ge [sflag:s29], $0xC8  }
0x70: {  	[sflag:s29] =	ssyncset.done $0x0  }
0x71: {  	s10 =	simm.s32 $0x578;
	s9 =	rddreg [dreg:$0xb];
	[sflag:s29] =	ssyncadd.s32 $0xFFFFFF38  }
0x72: {  	[tilespmem:s10], [sflag:$0x7] =	stream.linear.gather [hbm4b:s9+s3], $0xC8, $0x38;
	[tilespmem:$0x1B580] =	vst v63  }
0x73: {  	_ =	swait.ge [sflag:s29], $0xC8  }
0x74: {  	[sflag:s29] =	ssyncset.done $0x0  }
0x75: {  	[sflag:s29] =	ssyncadd.s32 $0xFFFFFF38  }
0x76: {  	[tilespmem:s1], [sflag:$0x1] =	stream.indirect.gather [hbm4b:s6+s0], $0x20, s3, s0, $0xb8;
	[tilespmem:$0x1B580] =	vst v63  }
0x77: {  	s11 =	rddreg [dreg:$0xc]  }
0x78: {  	[tilespmem:s0], [sflag:$0x7] =	stream.linear.gather [hbm4b:s11+s3], $0xC8, $0x38;
	[tilespmem:$0x1B580] =	vst v63  }
0x79: {  	_ =	swait.ge [sflag:s29], $0xC8  }
0x7a: {  	[sflag:s29] =	ssyncset.done $0x0  }
0x7b: {  	s28 =	simm.s32 $0x708;
	s23 =	rddreg [dreg:$0xd];
	[sflag:s29] =	ssyncadd.s32 $0xFFFFFF38  }
0x7c: {  	[tilespmem:s28], [sflag:$0x7] =	stream.linear.gather [hbm4b:s23+s3], $0xC8, $0x38;
	[tilespmem:$0x1B580] =	vst v63  }
0x7d: {  	_ =	swait.ge [sflag:s29], $0xC8  }
0x7e: {  	[sflag:s29] =	ssyncset.done $0x0  }
0x7f: {  	s9 =	simm.s32 $0x7D0;
	s8 =	rddreg [dreg:$0xe];
	[sflag:s29] =	ssyncadd.s32 $0xFFFFFF38  }
0x80: {  	[tilespmem:s9], [sflag:$0x7] =	stream.linear.gather [hbm4b:s8+s3], $0xC8, $0x38;
	[tilespmem:$0x1B580] =	vst v63  }
0x81: {  	_ =	swait.ge [sflag:s29], $0xC8  }
0x82: {  	[sflag:s29] =	ssyncset.done $0x0  }
0x83: {  	s11 =	simm.s32 $0x898;
	s10 =	rddreg [dreg:$0xf];
	[sflag:s29] =	ssyncadd.s32 $0xFFFFFF38  }
0x84: {  	[tilespmem:s11], [sflag:$0x7] =	stream.linear.gather [hbm4b:s10+s3], $0xC8, $0x38;
	[tilespmem:$0x1B580] =	vst v63  }
0x85: {  	_ =	swait.ge [sflag:s29], $0xC8  }
0x86: {  	[sflag:s29] =	ssyncset.done $0x0  }
0x87: {  	s28 =	simm.s32 $0x960;
	s23 =	rddreg [dreg:$0x10];
	[sflag:s29] =	ssyncadd.s32 $0xFFFFFF38  }
0x88: {  	[tilespmem:s28], [sflag:$0x7] =	stream.linear.gather [hbm4b:s23+s3], $0xC8, $0x38;
	[tilespmem:$0x1B580] =	vst v63  }
0x89: {  	_ =	swait.ge [sflag:s29], $0xC8  }
0x8a: {  	[sflag:s29] =	ssyncset.done $0x0  }
0x8b: {  	s9 =	simm.s32 $0xA28;
	s8 =	rddreg [dreg:$0x11];
	[sflag:s29] =	ssyncadd.s32 $0xFFFFFF38  }
0x8c: {  	[tilespmem:s9], [sflag:$0x7] =	stream.linear.gather [hbm4b:s8+s3], $0xC8, $0x38;
	[tilespmem:$0x1B580] =	vst v63  }
0x8d: {  	_ =	swait.ge [sflag:s29], $0xC8  }
0x8e: {  	[sflag:s29] =	ssyncset.done $0x0  }
0x8f: {  	s11 =	simm.s32 $0xAF0;
	s10 =	rddreg [dreg:$0x12];
	[sflag:s29] =	ssyncadd.s32 $0xFFFFFF38  }
0x90: {  	[tilespmem:s11], [sflag:$0x7] =	stream.linear.gather [hbm4b:s10+s3], $0xC8, $0x38;
	[tilespmem:$0x1B580] =	vst v63  }
0x91: {  	_ =	swait.ge [sflag:s29], $0xC8  }
0x92: {  	[sflag:s29] =	ssyncset.done $0x0  }
0x93: {  	s28 =	simm.s32 $0xBB8;
	s23 =	rddreg [dreg:$0x13];
	[sflag:s29] =	ssyncadd.s32 $0xFFFFFF38  }
0x94: {  	[tilespmem:s28], [sflag:$0x7] =	stream.linear.gather [hbm4b:s23+s3], $0xC8, $0x38;
	[tilespmem:$0x1B580] =	vst v63  }
0x95: {  	_ =	swait.ge [sflag:s29], $0xC8  }
0x96: {  	[sflag:s29] =	ssyncset.done $0x0  }
0x97: {  	s8 =	simm.s32 $0x0;
	[sflag:s29] =	ssyncadd.s32 $0xFFFFFF38  }
0x98: {  	[tilespmem:s30], [sflag:$0x2] =	stream.indirect.gather [hbm4b:s6+s0], $0x20, s0, s0, $0xb8;
	[tilespmem:$0x1B580] =	vst v63  }
.LBB2_2:
0x99: {  	s23 =	sshll.u32 s8, $0x4;
	p0 =	seq.s32 s8, $0x1F  }
0x9a: {  	s7 =	sadd.s32 @!p0 s23, s24  }
0x9b: {  	_ =	swait.ge [sflag:s31], $0xC800;
	s9 =	smul.u32 @!p0 $0x19, s7  }
0x9c: {  	[sflag:s31] =	ssyncset.done $0x0;
	s10 =	simm.s32 @!p0 $0x0  }
0x9d: {  	[sflag:s31] =	ssyncadd.s32 $0xFFFF3800;
	s7 =	smul.u32 @!p0 $0xC8, s7;
	s9 =	sadd.s32 @!p0 s5, s9  }
0x9e: {  	[tilespmem:s10], [sflag:$0x5] =	stream.linear.gather @!p0 [hbm4b:s9+s10], $0xC8, $0x38;
	[tilespmem:$0x1B580] =	vst v63  }
0x9f: {  	s9 =	sadd.s32 @!p0 $0xC8, s7  }
0xa0: {  	s9 =	sshrl.u32 @!p0 s9, $0x3  }
0xa1: {  	s28 =	simm.s32 @!p0 $0xC8;
	s9 =	sadd.s32 @!p0 s5, s9  }
0xa2: {  	[tilespmem:s28], [sflag:$0x5] =	stream.linear.gather @!p0 [hbm4b:s9+s10], $0xC8, $0x38;
	[tilespmem:$0x1B580] =	vst v63  }
0xa3: {  	s9 =	sshrl.u32 @!p0 s7, $0x3  }
0xa4: {  	s9 =	sadd.s32 @!p0 s5, s9  }
0xa5: {  	s11 =	simm.s32 @!p0 $0x190;
	s28 =	sadd.s32 @!p0 $0x32, s9  }
0xa6: {  	[tilespmem:s11], [sflag:$0x5] =	stream.linear.gather @!p0 [hbm4b:s28+s10], $0xC8, $0x38;
	[tilespmem:$0x1B580] =	vst v63  }
0xa7: {  	s11 =	sadd.s32 @!p0 $0x258, s7  }
0xa8: {  	s11 =	sshrl.u32 @!p0 s11, $0x3  }
0xa9: {  	s28 =	simm.s32 @!p0 $0x258;
	s11 =	sadd.s32 @!p0 s5, s11  }
0xaa: {  	[tilespmem:s28], [sflag:$0x5] =	stream.linear.gather @!p0 [hbm4b:s11+s10], $0xC8, $0x38;
	[tilespmem:$0x1B580] =	vst v63  }
0xab: {  	s11 =	sadd.s32 @!p0 $0x64, s9;
	s28 =	simm.s32 @!p0 $0x320  }
0xac: {  	[tilespmem:s28], [sflag:$0x5] =	stream.linear.gather @!p0 [hbm4b:s11+s10], $0xC8, $0x38;
	[tilespmem:$0x1B580] =	vst v63  }
0xad: {  	s11 =	sadd.s32 @!p0 $0x3E8, s7  }
0xae: {  	s11 =	sshrl.u32 @!p0 s11, $0x3  }
0xaf: {  	s28 =	simm.s32 @!p0 $0x3E8;
	s7 =	sadd.s32 @!p0 $0x578, s7;
	s11 =	sadd.s32 @!p0 s5, s11  }
0xb0: {  	[tilespmem:s28], [sflag:$0x5] =	stream.linear.gather @!p0 [hbm4b:s11+s10], $0xC8, $0x38;
	[tilespmem:$0x1B580] =	vst v63  }
0xb1: {  	s9 =	sadd.s32 @!p0 $0x96, s9;
	s7 =	sshrl.u32 @!p0 s7, $0x3;
	s11 =	simm.s32 @!p0 $0x4B0  }
0xb2: {  	[tilespmem:s11], [sflag:$0x5] =	stream.linear.gather @!p0 [hbm4b:s9+s10], $0xC8, $0x38;
	[tilespmem:$0x1B580] =	vst v63  }
0xb3: {  	s7 =	sadd.s32 @!p0 s5, s7;
	s9 =	simm.s32 @!p0 $0x578  }
0xb4: {  	[tilespmem:s9], [sflag:$0x5] =	stream.linear.gather @!p0 [hbm4b:s7+s10], $0xC8, $0x38;
	[tilespmem:$0x1B580] =	vst v63  }
0xb5: {  	s7 =	simm.s32 $0x0  }
0xb6: {  	v0 =	vld [tilespmem:s7+$0x19D70]  }
0xb7: {  	v1 =	vld [tilespmem:s7+$0x19C80]  }
0xb8: {  	v2 =	vld [tilespmem:s7+$0x19C90]  }
0xb9: {  	v3 =	vld [tilespmem:s7+$0x19CA0]  }
0xba: {  	v4 =	vld [tilespmem:s7+$0x19CB0]  }
0xbb: {  	v5 =	vld [tilespmem:s7+$0x19CC0]  }
0xbc: {  	v6 =	vld [tilespmem:s7+$0x19CD0]  }
0xbd: {  	v7 =	vld [tilespmem:s7+$0x19CE0]  }
0xbe: {  	v8 =	vld [tilespmem:s7+$0x19CF0]  }
0xbf: {  	v9 =	vld [tilespmem:s7+$0x19D00]  }
0xc0: {  	v10 =	vld [tilespmem:s7+$0x19D10]  }
0xc1: {  	v11 =	vld [tilespmem:s7+$0x19D20]  }
0xc2: {  	v12 =	vld [tilespmem:s7+$0x19D30]  }
0xc3: {  	v13 =	vld [tilespmem:s7+$0x19D40]  }
0xc4: {  	v14 =	vld [tilespmem:s7+$0x19D50]  }
0xc5: {  	v15 =	vld [tilespmem:s7+$0x19D60]  }
0xc6: {  	[tilespmem:s7+$0xBC70] =	vst.add.f32.msk $0xffff, v0  }
0xc7: {  	[tilespmem:s7+$0xC80] =	vst.add.f32.msk $0xffff, v1  }
0xc8: {  	[tilespmem:s7+$0x2580] =	vst.add.f32.msk $0xffff, v1  }
0xc9: {  	[tilespmem:s7+$0x3E80] =	vst.add.f32.msk $0xffff, v1  }
0xca: {  	[tilespmem:s7+$0x5780] =	vst.add.f32.msk $0xffff, v1  }
0xcb: {  	[tilespmem:s7+$0x7080] =	vst.add.f32.msk $0xffff, v1  }
0xcc: {  	[tilespmem:s7+$0x8980] =	vst.add.f32.msk $0xffff, v1  }
0xcd: {  	[tilespmem:s7+$0xA280] =	vst.add.f32.msk $0xffff, v1  }
0xce: {  	[tilespmem:s7+$0xBB80] =	vst.add.f32.msk $0xffff, v1  }
0xcf: {  	[tilespmem:s7+$0xC90] =	vst.add.f32.msk $0xffff, v2  }
0xd0: {  	[tilespmem:s7+$0x2590] =	vst.add.f32.msk $0xffff, v2  }
0xd1: {  	[tilespmem:s7+$0x3E90] =	vst.add.f32.msk $0xffff, v2  }
0xd2: {  	[tilespmem:s7+$0x5790] =	vst.add.f32.msk $0xffff, v2  }
0xd3: {  	[tilespmem:s7+$0x7090] =	vst.add.f32.msk $0xffff, v2  }
0xd4: {  	[tilespmem:s7+$0x8990] =	vst.add.f32.msk $0xffff, v2  }
0xd5: {  	[tilespmem:s7+$0xA290] =	vst.add.f32.msk $0xffff, v2  }
0xd6: {  	[tilespmem:s7+$0xBB90] =	vst.add.f32.msk $0xffff, v2  }
0xd7: {  	[tilespmem:s7+$0xCA0] =	vst.add.f32.msk $0xffff, v3  }
0xd8: {  	[tilespmem:s7+$0x25A0] =	vst.add.f32.msk $0xffff, v3  }
0xd9: {  	[tilespmem:s7+$0x3EA0] =	vst.add.f32.msk $0xffff, v3  }
0xda: {  	[tilespmem:s7+$0x57A0] =	vst.add.f32.msk $0xffff, v3  }
0xdb: {  	[tilespmem:s7+$0x70A0] =	vst.add.f32.msk $0xffff, v3  }
0xdc: {  	[tilespmem:s7+$0x89A0] =	vst.add.f32.msk $0xffff, v3  }
0xdd: {  	[tilespmem:s7+$0xA2A0] =	vst.add.f32.msk $0xffff, v3  }
0xde: {  	[tilespmem:s7+$0xBBA0] =	vst.add.f32.msk $0xffff, v3  }
0xdf: {  	[tilespmem:s7+$0xCB0] =	vst.add.f32.msk $0xffff, v4  }
0xe0: {  	[tilespmem:s7+$0x25B0] =	vst.add.f32.msk $0xffff, v4  }
0xe1: {  	[tilespmem:s7+$0x3EB0] =	vst.add.f32.msk $0xffff, v4  }
0xe2: {  	[tilespmem:s7+$0x57B0] =	vst.add.f32.msk $0xffff, v4  }
0xe3: {  	[tilespmem:s7+$0x70B0] =	vst.add.f32.msk $0xffff, v4  }
0xe4: {  	[tilespmem:s7+$0x89B0] =	vst.add.f32.msk $0xffff, v4  }
0xe5: {  	[tilespmem:s7+$0xA2B0] =	vst.add.f32.msk $0xffff, v4  }
0xe6: {  	[tilespmem:s7+$0xBBB0] =	vst.add.f32.msk $0xffff, v4  }
0xe7: {  	[tilespmem:s7+$0xCC0] =	vst.add.f32.msk $0xffff, v5  }
0xe8: {  	[tilespmem:s7+$0x25C0] =	vst.add.f32.msk $0xffff, v5  }
0xe9: {  	[tilespmem:s7+$0x3EC0] =	vst.add.f32.msk $0xffff, v5  }
0xea: {  	[tilespmem:s7+$0x57C0] =	vst.add.f32.msk $0xffff, v5  }
0xeb: {  	[tilespmem:s7+$0x70C0] =	vst.add.f32.msk $0xffff, v5  }
0xec: {  	[tilespmem:s7+$0x89C0] =	vst.add.f32.msk $0xffff, v5  }
0xed: {  	[tilespmem:s7+$0xA2C0] =	vst.add.f32.msk $0xffff, v5  }
0xee: {  	[tilespmem:s7+$0xBBC0] =	vst.add.f32.msk $0xffff, v5  }
0xef: {  	[tilespmem:s7+$0xCD0] =	vst.add.f32.msk $0xffff, v6  }
0xf0: {  	[tilespmem:s7+$0x25D0] =	vst.add.f32.msk $0xffff, v6  }
0xf1: {  	[tilespmem:s7+$0x3ED0] =	vst.add.f32.msk $0xffff, v6  }
0xf2: {  	[tilespmem:s7+$0x57D0] =	vst.add.f32.msk $0xffff, v6  }
0xf3: {  	[tilespmem:s7+$0x70D0] =	vst.add.f32.msk $0xffff, v6  }
0xf4: {  	[tilespmem:s7+$0x89D0] =	vst.add.f32.msk $0xffff, v6  }
0xf5: {  	[tilespmem:s7+$0xA2D0] =	vst.add.f32.msk $0xffff, v6  }
0xf6: {  	[tilespmem:s7+$0xBBD0] =	vst.add.f32.msk $0xffff, v6  }
0xf7: {  	[tilespmem:s7+$0xCE0] =	vst.add.f32.msk $0xffff, v7  }
0xf8: {  	[tilespmem:s7+$0x25E0] =	vst.add.f32.msk $0xffff, v7  }
0xf9: {  	[tilespmem:s7+$0x3EE0] =	vst.add.f32.msk $0xffff, v7  }
0xfa: {  	[tilespmem:s7+$0x57E0] =	vst.add.f32.msk $0xffff, v7  }
0xfb: {  	[tilespmem:s7+$0x70E0] =	vst.add.f32.msk $0xffff, v7  }
0xfc: {  	[tilespmem:s7+$0x89E0] =	vst.add.f32.msk $0xffff, v7  }
0xfd: {  	[tilespmem:s7+$0xA2E0] =	vst.add.f32.msk $0xffff, v7  }
0xfe: {  	[tilespmem:s7+$0xBBE0] =	vst.add.f32.msk $0xffff, v7  }
0xff: {  	[tilespmem:s7+$0xCF0] =	vst.add.f32.msk $0xffff, v8  }
0x100: {  	[tilespmem:s7+$0x25F0] =	vst.add.f32.msk $0xffff, v8  }
0x101: {  	[tilespmem:s7+$0x3EF0] =	vst.add.f32.msk $0xffff, v8  }
0x102: {  	[tilespmem:s7+$0x57F0] =	vst.add.f32.msk $0xffff, v8  }
0x103: {  	[tilespmem:s7+$0x70F0] =	vst.add.f32.msk $0xffff, v8  }
0x104: {  	[tilespmem:s7+$0x89F0] =	vst.add.f32.msk $0xffff, v8  }
0x105: {  	[tilespmem:s7+$0xA2F0] =	vst.add.f32.msk $0xffff, v8  }
0x106: {  	[tilespmem:s7+$0xBBF0] =	vst.add.f32.msk $0xffff, v8  }
0x107: {  	[tilespmem:s7+$0xD00] =	vst.add.f32.msk $0xffff, v9  }
0x108: {  	[tilespmem:s7+$0x2600] =	vst.add.f32.msk $0xffff, v9  }
0x109: {  	[tilespmem:s7+$0x3F00] =	vst.add.f32.msk $0xffff, v9  }
0x10a: {  	[tilespmem:s7+$0x5800] =	vst.add.f32.msk $0xffff, v9  }
0x10b: {  	[tilespmem:s7+$0x7100] =	vst.add.f32.msk $0xffff, v9  }
0x10c: {  	[tilespmem:s7+$0x8A00] =	vst.add.f32.msk $0xffff, v9  }
0x10d: {  	[tilespmem:s7+$0xA300] =	vst.add.f32.msk $0xffff, v9  }
0x10e: {  	[tilespmem:s7+$0xBC00] =	vst.add.f32.msk $0xffff, v9  }
0x10f: {  	[tilespmem:s7+$0xD10] =	vst.add.f32.msk $0xffff, v10  }
0x110: {  	[tilespmem:s7+$0x2610] =	vst.add.f32.msk $0xffff, v10  }
0x111: {  	[tilespmem:s7+$0x3F10] =	vst.add.f32.msk $0xffff, v10  }
0x112: {  	[tilespmem:s7+$0x5810] =	vst.add.f32.msk $0xffff, v10  }
0x113: {  	[tilespmem:s7+$0x7110] =	vst.add.f32.msk $0xffff, v10  }
0x114: {  	[tilespmem:s7+$0x8A10] =	vst.add.f32.msk $0xffff, v10  }
0x115: {  	[tilespmem:s7+$0xA310] =	vst.add.f32.msk $0xffff, v10  }
0x116: {  	[tilespmem:s7+$0xBC10] =	vst.add.f32.msk $0xffff, v10  }
0x117: {  	[tilespmem:s7+$0xD20] =	vst.add.f32.msk $0xffff, v11  }
0x118: {  	[tilespmem:s7+$0x2620] =	vst.add.f32.msk $0xffff, v11  }
0x119: {  	[tilespmem:s7+$0x3F20] =	vst.add.f32.msk $0xffff, v11  }
0x11a: {  	[tilespmem:s7+$0x5820] =	vst.add.f32.msk $0xffff, v11  }
0x11b: {  	[tilespmem:s7+$0x7120] =	vst.add.f32.msk $0xffff, v11  }
0x11c: {  	[tilespmem:s7+$0x8A20] =	vst.add.f32.msk $0xffff, v11  }
0x11d: {  	[tilespmem:s7+$0xA320] =	vst.add.f32.msk $0xffff, v11  }
0x11e: {  	[tilespmem:s7+$0xBC20] =	vst.add.f32.msk $0xffff, v11  }
0x11f: {  	[tilespmem:s7+$0xD30] =	vst.add.f32.msk $0xffff, v12  }
0x120: {  	[tilespmem:s7+$0x2630] =	vst.add.f32.msk $0xffff, v12  }
0x121: {  	[tilespmem:s7+$0x3F30] =	vst.add.f32.msk $0xffff, v12  }
0x122: {  	[tilespmem:s7+$0x5830] =	vst.add.f32.msk $0xffff, v12  }
0x123: {  	[tilespmem:s7+$0x7130] =	vst.add.f32.msk $0xffff, v12  }
0x124: {  	[tilespmem:s7+$0x8A30] =	vst.add.f32.msk $0xffff, v12  }
0x125: {  	[tilespmem:s7+$0xA330] =	vst.add.f32.msk $0xffff, v12  }
0x126: {  	[tilespmem:s7+$0xBC30] =	vst.add.f32.msk $0xffff, v12  }
0x127: {  	[tilespmem:s7+$0xD40] =	vst.add.f32.msk $0xffff, v13  }
0x128: {  	[tilespmem:s7+$0x2640] =	vst.add.f32.msk $0xffff, v13  }
0x129: {  	[tilespmem:s7+$0x3F40] =	vst.add.f32.msk $0xffff, v13  }
0x12a: {  	[tilespmem:s7+$0x5840] =	vst.add.f32.msk $0xffff, v13  }
0x12b: {  	[tilespmem:s7+$0x7140] =	vst.add.f32.msk $0xffff, v13  }
0x12c: {  	[tilespmem:s7+$0x8A40] =	vst.add.f32.msk $0xffff, v13  }
0x12d: {  	[tilespmem:s7+$0xA340] =	vst.add.f32.msk $0xffff, v13  }
0x12e: {  	[tilespmem:s7+$0xBC40] =	vst.add.f32.msk $0xffff, v13  }
0x12f: {  	[tilespmem:s7+$0xD50] =	vst.add.f32.msk $0xffff, v14  }
0x130: {  	[tilespmem:s7+$0x2650] =	vst.add.f32.msk $0xffff, v14  }
0x131: {  	[tilespmem:s7+$0x3F50] =	vst.add.f32.msk $0xffff, v14  }
0x132: {  	[tilespmem:s7+$0x5850] =	vst.add.f32.msk $0xffff, v14  }
0x133: {  	[tilespmem:s7+$0x7150] =	vst.add.f32.msk $0xffff, v14  }
0x134: {  	[tilespmem:s7+$0x8A50] =	vst.add.f32.msk $0xffff, v14  }
0x135: {  	[tilespmem:s7+$0xA350] =	vst.add.f32.msk $0xffff, v14  }
0x136: {  	[tilespmem:s7+$0xBC50] =	vst.add.f32.msk $0xffff, v14  }
0x137: {  	[tilespmem:s7+$0xD60] =	vst.add.f32.msk $0xffff, v15  }
0x138: {  	[tilespmem:s7+$0x2660] =	vst.add.f32.msk $0xffff, v15  }
0x139: {  	[tilespmem:s7+$0x3F60] =	vst.add.f32.msk $0xffff, v15  }
0x13a: {  	[tilespmem:s7+$0x5860] =	vst.add.f32.msk $0xffff, v15  }
0x13b: {  	[tilespmem:s7+$0x7160] =	vst.add.f32.msk $0xffff, v15  }
0x13c: {  	[tilespmem:s7+$0x8A60] =	vst.add.f32.msk $0xffff, v15  }
0x13d: {  	[tilespmem:s7+$0xA360] =	vst.add.f32.msk $0xffff, v15  }
0x13e: {  	[tilespmem:s7+$0xBC60] =	vst.add.f32.msk $0xffff, v15  }
0x13f: {  	[tilespmem:s7+$0xD70] =	vst.add.f32.msk $0xffff, v0  }
0x140: {  	[tilespmem:s7+$0x2670] =	vst.add.f32.msk $0xffff, v0  }
0x141: {  	[tilespmem:s7+$0x3F70] =	vst.add.f32.msk $0xffff, v0  }
0x142: {  	[tilespmem:s7+$0x5870] =	vst.add.f32.msk $0xffff, v0  }
0x143: {  	[tilespmem:s7+$0x7170] =	vst.add.f32.msk $0xffff, v0  }
0x144: {  	s28 =	sor.u32 s4, s23;
	s9 =	simm.s32 $0x0;
	s10 =	simm.s32 $0x400;
	[tilespmem:s7+$0x8A70] =	vst.add.f32.msk $0xffff, v0  }
.LBB2_3:
0x145: {  	s9 =	sadd.s32 $0x8, s9;
	[tilespmem:s7+$0xA370] =	vst.add.f32.msk $0xffff, v0;
	s7 =	sshra.s32 s10, $0x2  }
0x146: {  	v0 =	vld [tilespmem:s7+$0x19D70];
	p1 =	slt.u32 s9, $0xC0  }
0x147: {  	v9 =	vld [tilespmem:s7+$0x19C80]  }
0x148: {  	v10 =	vld [tilespmem:s7+$0x19C90]  }
0x149: {  	v11 =	vld [tilespmem:s7+$0x19CA0]  }
0x14a: {  	v12 =	vld [tilespmem:s7+$0x19CB0]  }
0x14b: {  	[tilespmem:s7+$0xBC70] =	vst.add.f32.msk $0xffff, v0  }
0x14c: {  	v13 =	vld [tilespmem:s7+$0x19CC0]  }
0x14d: {  	v14 =	vld [tilespmem:s7+$0x19CD0]  }
0x14e: {  	v15 =	vld [tilespmem:s7+$0x19CE0]  }
0x14f: {  	v8 =	vld [tilespmem:s7+$0x19CF0]  }
0x150: {  	v7 =	vld [tilespmem:s7+$0x19D00]  }
0x151: {  	v6 =	vld [tilespmem:s7+$0x19D10]  }
0x152: {  	v5 =	vld [tilespmem:s7+$0x19D20]  }
0x153: {  	v4 =	vld [tilespmem:s7+$0x19D30]  }
0x154: {  	v3 =	vld [tilespmem:s7+$0x19D40]  }
0x155: {  	v2 =	vld [tilespmem:s7+$0x19D50]  }
0x156: {  	v1 =	vld [tilespmem:s7+$0x19D60]  }
0x157: {  	[tilespmem:s7+$0xC80] =	vst.add.f32.msk $0xffff, v9  }
0x158: {  	[tilespmem:s7+$0x2580] =	vst.add.f32.msk $0xffff, v9  }
0x159: {  	[tilespmem:s7+$0x3E80] =	vst.add.f32.msk $0xffff, v9  }
0x15a: {  	[tilespmem:s7+$0x5780] =	vst.add.f32.msk $0xffff, v9  }
0x15b: {  	[tilespmem:s7+$0x7080] =	vst.add.f32.msk $0xffff, v9  }
0x15c: {  	[tilespmem:s7+$0x8980] =	vst.add.f32.msk $0xffff, v9  }
0x15d: {  	[tilespmem:s7+$0xA280] =	vst.add.f32.msk $0xffff, v9  }
0x15e: {  	[tilespmem:s7+$0xBB80] =	vst.add.f32.msk $0xffff, v9  }
0x15f: {  	[tilespmem:s7+$0xC90] =	vst.add.f32.msk $0xffff, v10  }
0x160: {  	[tilespmem:s7+$0x2590] =	vst.add.f32.msk $0xffff, v10  }
0x161: {  	[tilespmem:s7+$0x3E90] =	vst.add.f32.msk $0xffff, v10  }
0x162: {  	[tilespmem:s7+$0x5790] =	vst.add.f32.msk $0xffff, v10  }
0x163: {  	[tilespmem:s7+$0x7090] =	vst.add.f32.msk $0xffff, v10  }
0x164: {  	[tilespmem:s7+$0x8990] =	vst.add.f32.msk $0xffff, v10  }
0x165: {  	[tilespmem:s7+$0xA290] =	vst.add.f32.msk $0xffff, v10  }
0x166: {  	[tilespmem:s7+$0xBB90] =	vst.add.f32.msk $0xffff, v10  }
0x167: {  	[tilespmem:s7+$0xCA0] =	vst.add.f32.msk $0xffff, v11  }
0x168: {  	[tilespmem:s7+$0x25A0] =	vst.add.f32.msk $0xffff, v11  }
0x169: {  	[tilespmem:s7+$0x3EA0] =	vst.add.f32.msk $0xffff, v11  }
0x16a: {  	[tilespmem:s7+$0x57A0] =	vst.add.f32.msk $0xffff, v11  }
0x16b: {  	[tilespmem:s7+$0x70A0] =	vst.add.f32.msk $0xffff, v11  }
0x16c: {  	[tilespmem:s7+$0x89A0] =	vst.add.f32.msk $0xffff, v11  }
0x16d: {  	[tilespmem:s7+$0xA2A0] =	vst.add.f32.msk $0xffff, v11  }
0x16e: {  	[tilespmem:s7+$0xBBA0] =	vst.add.f32.msk $0xffff, v11  }
0x16f: {  	[tilespmem:s7+$0xCB0] =	vst.add.f32.msk $0xffff, v12  }
0x170: {  	[tilespmem:s7+$0x25B0] =	vst.add.f32.msk $0xffff, v12  }
0x171: {  	[tilespmem:s7+$0x3EB0] =	vst.add.f32.msk $0xffff, v12  }
0x172: {  	[tilespmem:s7+$0x57B0] =	vst.add.f32.msk $0xffff, v12  }
0x173: {  	[tilespmem:s7+$0x70B0] =	vst.add.f32.msk $0xffff, v12  }
0x174: {  	[tilespmem:s7+$0x89B0] =	vst.add.f32.msk $0xffff, v12  }
0x175: {  	[tilespmem:s7+$0xA2B0] =	vst.add.f32.msk $0xffff, v12  }
0x176: {  	[tilespmem:s7+$0xBBB0] =	vst.add.f32.msk $0xffff, v12  }
0x177: {  	[tilespmem:s7+$0xCC0] =	vst.add.f32.msk $0xffff, v13  }
0x178: {  	[tilespmem:s7+$0x25C0] =	vst.add.f32.msk $0xffff, v13  }
0x179: {  	[tilespmem:s7+$0x3EC0] =	vst.add.f32.msk $0xffff, v13  }
0x17a: {  	[tilespmem:s7+$0x57C0] =	vst.add.f32.msk $0xffff, v13  }
0x17b: {  	[tilespmem:s7+$0x70C0] =	vst.add.f32.msk $0xffff, v13  }
0x17c: {  	[tilespmem:s7+$0x89C0] =	vst.add.f32.msk $0xffff, v13  }
0x17d: {  	[tilespmem:s7+$0xA2C0] =	vst.add.f32.msk $0xffff, v13  }
0x17e: {  	[tilespmem:s7+$0xBBC0] =	vst.add.f32.msk $0xffff, v13  }
0x17f: {  	[tilespmem:s7+$0xCD0] =	vst.add.f32.msk $0xffff, v14  }
0x180: {  	[tilespmem:s7+$0x25D0] =	vst.add.f32.msk $0xffff, v14  }
0x181: {  	[tilespmem:s7+$0x3ED0] =	vst.add.f32.msk $0xffff, v14  }
0x182: {  	[tilespmem:s7+$0x57D0] =	vst.add.f32.msk $0xffff, v14  }
0x183: {  	[tilespmem:s7+$0x70D0] =	vst.add.f32.msk $0xffff, v14  }
0x184: {  	[tilespmem:s7+$0x89D0] =	vst.add.f32.msk $0xffff, v14  }
0x185: {  	[tilespmem:s7+$0xA2D0] =	vst.add.f32.msk $0xffff, v14  }
0x186: {  	[tilespmem:s7+$0xBBD0] =	vst.add.f32.msk $0xffff, v14  }
0x187: {  	[tilespmem:s7+$0xCE0] =	vst.add.f32.msk $0xffff, v15  }
0x188: {  	[tilespmem:s7+$0x25E0] =	vst.add.f32.msk $0xffff, v15  }
0x189: {  	[tilespmem:s7+$0x3EE0] =	vst.add.f32.msk $0xffff, v15  }
0x18a: {  	[tilespmem:s7+$0x57E0] =	vst.add.f32.msk $0xffff, v15  }
0x18b: {  	[tilespmem:s7+$0x70E0] =	vst.add.f32.msk $0xffff, v15  }
0x18c: {  	[tilespmem:s7+$0x89E0] =	vst.add.f32.msk $0xffff, v15  }
0x18d: {  	[tilespmem:s7+$0xA2E0] =	vst.add.f32.msk $0xffff, v15  }
0x18e: {  	[tilespmem:s7+$0xBBE0] =	vst.add.f32.msk $0xffff, v15  }
0x18f: {  	[tilespmem:s7+$0xCF0] =	vst.add.f32.msk $0xffff, v8  }
0x190: {  	[tilespmem:s7+$0x25F0] =	vst.add.f32.msk $0xffff, v8  }
0x191: {  	[tilespmem:s7+$0x3EF0] =	vst.add.f32.msk $0xffff, v8  }
0x192: {  	[tilespmem:s7+$0x57F0] =	vst.add.f32.msk $0xffff, v8  }
0x193: {  	[tilespmem:s7+$0x70F0] =	vst.add.f32.msk $0xffff, v8  }
0x194: {  	[tilespmem:s7+$0x89F0] =	vst.add.f32.msk $0xffff, v8  }
0x195: {  	[tilespmem:s7+$0xA2F0] =	vst.add.f32.msk $0xffff, v8  }
0x196: {  	[tilespmem:s7+$0xBBF0] =	vst.add.f32.msk $0xffff, v8  }
0x197: {  	[tilespmem:s7+$0xD00] =	vst.add.f32.msk $0xffff, v7  }
0x198: {  	[tilespmem:s7+$0x2600] =	vst.add.f32.msk $0xffff, v7  }
0x199: {  	[tilespmem:s7+$0x3F00] =	vst.add.f32.msk $0xffff, v7  }
0x19a: {  	[tilespmem:s7+$0x5800] =	vst.add.f32.msk $0xffff, v7  }
0x19b: {  	[tilespmem:s7+$0x7100] =	vst.add.f32.msk $0xffff, v7  }
0x19c: {  	[tilespmem:s7+$0x8A00] =	vst.add.f32.msk $0xffff, v7  }
0x19d: {  	[tilespmem:s7+$0xA300] =	vst.add.f32.msk $0xffff, v7  }
0x19e: {  	[tilespmem:s7+$0xBC00] =	vst.add.f32.msk $0xffff, v7  }
0x19f: {  	[tilespmem:s7+$0xD10] =	vst.add.f32.msk $0xffff, v6  }
0x1a0: {  	[tilespmem:s7+$0x2610] =	vst.add.f32.msk $0xffff, v6  }
0x1a1: {  	[tilespmem:s7+$0x3F10] =	vst.add.f32.msk $0xffff, v6  }
0x1a2: {  	[tilespmem:s7+$0x5810] =	vst.add.f32.msk $0xffff, v6  }
0x1a3: {  	[tilespmem:s7+$0x7110] =	vst.add.f32.msk $0xffff, v6  }
0x1a4: {  	[tilespmem:s7+$0x8A10] =	vst.add.f32.msk $0xffff, v6  }
0x1a5: {  	[tilespmem:s7+$0xA310] =	vst.add.f32.msk $0xffff, v6  }
0x1a6: {  	[tilespmem:s7+$0xBC10] =	vst.add.f32.msk $0xffff, v6  }
0x1a7: {  	[tilespmem:s7+$0xD20] =	vst.add.f32.msk $0xffff, v5  }
0x1a8: {  	[tilespmem:s7+$0x2620] =	vst.add.f32.msk $0xffff, v5  }
0x1a9: {  	[tilespmem:s7+$0x3F20] =	vst.add.f32.msk $0xffff, v5  }
0x1aa: {  	[tilespmem:s7+$0x5820] =	vst.add.f32.msk $0xffff, v5  }
0x1ab: {  	[tilespmem:s7+$0x7120] =	vst.add.f32.msk $0xffff, v5  }
0x1ac: {  	[tilespmem:s7+$0x8A20] =	vst.add.f32.msk $0xffff, v5  }
0x1ad: {  	[tilespmem:s7+$0xA320] =	vst.add.f32.msk $0xffff, v5  }
0x1ae: {  	[tilespmem:s7+$0xBC20] =	vst.add.f32.msk $0xffff, v5  }
0x1af: {  	[tilespmem:s7+$0xD30] =	vst.add.f32.msk $0xffff, v4  }
0x1b0: {  	[tilespmem:s7+$0x2630] =	vst.add.f32.msk $0xffff, v4  }
0x1b1: {  	[tilespmem:s7+$0x3F30] =	vst.add.f32.msk $0xffff, v4  }
0x1b2: {  	[tilespmem:s7+$0x5830] =	vst.add.f32.msk $0xffff, v4  }
0x1b3: {  	[tilespmem:s7+$0x7130] =	vst.add.f32.msk $0xffff, v4  }
0x1b4: {  	[tilespmem:s7+$0x8A30] =	vst.add.f32.msk $0xffff, v4  }
0x1b5: {  	[tilespmem:s7+$0xA330] =	vst.add.f32.msk $0xffff, v4  }
0x1b6: {  	[tilespmem:s7+$0xBC30] =	vst.add.f32.msk $0xffff, v4  }
0x1b7: {  	[tilespmem:s7+$0xD40] =	vst.add.f32.msk $0xffff, v3  }
0x1b8: {  	[tilespmem:s7+$0x2640] =	vst.add.f32.msk $0xffff, v3  }
0x1b9: {  	[tilespmem:s7+$0x3F40] =	vst.add.f32.msk $0xffff, v3  }
0x1ba: {  	[tilespmem:s7+$0x5840] =	vst.add.f32.msk $0xffff, v3  }
0x1bb: {  	[tilespmem:s7+$0x7140] =	vst.add.f32.msk $0xffff, v3  }
0x1bc: {  	[tilespmem:s7+$0x8A40] =	vst.add.f32.msk $0xffff, v3  }
0x1bd: {  	[tilespmem:s7+$0xA340] =	vst.add.f32.msk $0xffff, v3  }
0x1be: {  	[tilespmem:s7+$0xBC40] =	vst.add.f32.msk $0xffff, v3  }
0x1bf: {  	[tilespmem:s7+$0xD50] =	vst.add.f32.msk $0xffff, v2  }
0x1c0: {  	[tilespmem:s7+$0x2650] =	vst.add.f32.msk $0xffff, v2  }
0x1c1: {  	[tilespmem:s7+$0x3F50] =	vst.add.f32.msk $0xffff, v2  }
0x1c2: {  	[tilespmem:s7+$0x5850] =	vst.add.f32.msk $0xffff, v2  }
0x1c3: {  	[tilespmem:s7+$0x7150] =	vst.add.f32.msk $0xffff, v2  }
0x1c4: {  	[tilespmem:s7+$0x8A50] =	vst.add.f32.msk $0xffff, v2  }
0x1c5: {  	[tilespmem:s7+$0xA350] =	vst.add.f32.msk $0xffff, v2  }
0x1c6: {  	[tilespmem:s7+$0xBC50] =	vst.add.f32.msk $0xffff, v2  }
0x1c7: {  	[tilespmem:s7+$0xD60] =	vst.add.f32.msk $0xffff, v1  }
0x1c8: {  	[tilespmem:s7+$0x2660] =	vst.add.f32.msk $0xffff, v1  }
0x1c9: {  	[tilespmem:s7+$0x3F60] =	vst.add.f32.msk $0xffff, v1  }
0x1ca: {  	[tilespmem:s7+$0x5860] =	vst.add.f32.msk $0xffff, v1  }
0x1cb: {  	[tilespmem:s7+$0x7160] =	vst.add.f32.msk $0xffff, v1  }
0x1cc: {  	[tilespmem:s7+$0x8A60] =	vst.add.f32.msk $0xffff, v1  }
0x1cd: {  	[tilespmem:s7+$0xA360] =	vst.add.f32.msk $0xffff, v1  }
0x1ce: {  	[tilespmem:s7+$0xBC60] =	vst.add.f32.msk $0xffff, v1  }
0x1cf: {  	[tilespmem:s7+$0xD70] =	vst.add.f32.msk $0xffff, v0  }
.Ltmp2:
0x1d0: {  	[tilespmem:s7+$0x2670] =	vst.add.f32.msk $0xffff, v0;
	(pc) =	sbr.rel @p1 .LBB2_3-.Ltmp2, $4  }
0x1d1: {  	[tilespmem:s7+$0x3F70] =	vst.add.f32.msk $0xffff, v0  }
0x1d2: {  	[tilespmem:s7+$0x5870] =	vst.add.f32.msk $0xffff, v0  }
0x1d3: {  	[tilespmem:s7+$0x7170] =	vst.add.f32.msk $0xffff, v0  }
0x1d4: {  	s10 =	sadd.s32 $0x400, s10;
	[tilespmem:s7+$0x8A70] =	vst.add.f32.msk $0xffff, v0  }
0x1d5: {  	s9 =	smul.u32 $0x320, s28;
	_ =	sdelay $0x1  }
0x1d6: {  	[tilespmem:s7+$0xA370] =	vst.add.f32.msk $0xffff, v0;
	s11 =	smul.u32 $0x1900, s28;
	s10 =	sadd.s32 s2, s9  }
0x1d7: {  	[hbm4b:s10+s3] =	stream.linear.scatter [tilespmem:s1], [sflag:$0x3], $0x1900, $0x38;
	[tilespmem:$0x1B580] =	vst v63  }
0x1d8: {  	s10 =	sshrl.u32 s11, $0x3  }
0x1d9: {  	s7 =	sadd.s32 s2, s10  }
0x1da: {  	s10 =	simm.s32 $0x2580;
	s11 =	sadd.s32 $0x320, s7  }
0x1db: {  	[hbm4b:s11+s3] =	stream.linear.scatter [tilespmem:s10], [sflag:$0x3], $0x1900, $0x38;
	[tilespmem:$0x1B580] =	vst v63  }
0x1dc: {  	s10 =	sadd.s32 $0x640, s7;
	s11 =	simm.s32 $0x3E80  }
0x1dd: {  	[hbm4b:s10+s3] =	stream.linear.scatter [tilespmem:s11], [sflag:$0x3], $0x1900, $0x38;
	[tilespmem:$0x1B580] =	vst v63  }
0x1de: {  	s10 =	sadd.s32 $0x960, s7;
	s11 =	simm.s32 $0x5780  }
0x1df: {  	[hbm4b:s10+s3] =	stream.linear.scatter [tilespmem:s11], [sflag:$0x3], $0x1900, $0x38;
	[tilespmem:$0x1B580] =	vst v63  }
0x1e0: {  	s10 =	sadd.s32 $0xC80, s7;
	s11 =	simm.s32 $0x7080  }
0x1e1: {  	[hbm4b:s10+s3] =	stream.linear.scatter [tilespmem:s11], [sflag:$0x3], $0x1900, $0x38;
	[tilespmem:$0x1B580] =	vst v63  }
0x1e2: {  	s10 =	sadd.s32 $0xFA0, s7;
	s11 =	simm.s32 $0x8980  }
0x1e3: {  	[hbm4b:s10+s3] =	stream.linear.scatter [tilespmem:s11], [sflag:$0x3], $0x1900, $0x38;
	[tilespmem:$0x1B580] =	vst v63  }
0x1e4: {  	s11 =	sadd.s32 $0x12C0, s7  }
0x1e5: {  	[hbm4b:s11+s3] =	stream.linear.scatter [tilespmem:s12], [sflag:$0x3], $0x1900, $0x38;
	[tilespmem:$0x1B580] =	vst v63  }
0x1e6: {  	p1 =	seq.s32 s8, $0x0;
	s7 =	sadd.s32 $0x15E0, s7  }
0x1e7: {  	[hbm4b:s7+s3] =	stream.linear.scatter [tilespmem:s13], [sflag:$0x3], $0x1900, $0x38;
	[tilespmem:$0x1B580] =	vst v63  }
0x1e8: {  	s7 =	simm.s32 @!p1 $0x4  }
0x1e9: {  	_ =	swait.ge @!p1 [sflag:s7], $0x1900  }
0x1ea: {  	[sflag:s7] =	ssyncset.done @!p1 $0x0  }
0x1eb: {  	s9 =	simm.s32 @!p1 $0x6;
	[sflag:s7] =	ssyncadd.s32 @!p1 $0xFFFFE700  }
0x1ec: {  	_ =	swait.ge @!p1 [sflag:s9], $0xC8  }
0x1ed: {  	[sflag:s9] =	ssyncset.done @!p1 $0x0  }
0x1ee: {  	[sflag:s9] =	ssyncadd.s32 @!p1 $0xFFFFFF38  }
0x1ef: {  	_ =	swait.ge @!p1 [sflag:s7], $0x1900  }
0x1f0: {  	[sflag:s7] =	ssyncset.done @!p1 $0x0  }
0x1f1: {  	[sflag:s7] =	ssyncadd.s32 @!p1 $0xFFFFE700  }
0x1f2: {  	_ =	swait.ge @!p1 [sflag:s9], $0xC8  }
0x1f3: {  	[sflag:s9] =	ssyncset.done @!p1 $0x0  }
0x1f4: {  	[sflag:s9] =	ssyncadd.s32 @!p1 $0xFFFFFF38  }
0x1f5: {  	_ =	swait.ge @!p1 [sflag:s7], $0x1900  }
0x1f6: {  	[sflag:s7] =	ssyncset.done @!p1 $0x0  }
0x1f7: {  	[sflag:s7] =	ssyncadd.s32 @!p1 $0xFFFFE700  }
0x1f8: {  	_ =	swait.ge @!p1 [sflag:s9], $0xC8  }
0x1f9: {  	[sflag:s9] =	ssyncset.done @!p1 $0x0  }
0x1fa: {  	[sflag:s9] =	ssyncadd.s32 @!p1 $0xFFFFFF38  }
0x1fb: {  	_ =	swait.ge @!p1 [sflag:s7], $0x1900  }
0x1fc: {  	[sflag:s7] =	ssyncset.done @!p1 $0x0  }
0x1fd: {  	[sflag:s7] =	ssyncadd.s32 @!p1 $0xFFFFE700  }
0x1fe: {  	_ =	swait.ge @!p1 [sflag:s9], $0xC8  }
0x1ff: {  	[sflag:s9] =	ssyncset.done @!p1 $0x0  }
0x200: {  	[sflag:s9] =	ssyncadd.s32 @!p1 $0xFFFFFF38  }
0x201: {  	_ =	swait.ge @!p1 [sflag:s7], $0x1900  }
0x202: {  	[sflag:s7] =	ssyncset.done @!p1 $0x0  }
0x203: {  	[sflag:s7] =	ssyncadd.s32 @!p1 $0xFFFFE700  }
0x204: {  	_ =	swait.ge @!p1 [sflag:s9], $0xC8  }
0x205: {  	[sflag:s9] =	ssyncset.done @!p1 $0x0  }
0x206: {  	[sflag:s9] =	ssyncadd.s32 @!p1 $0xFFFFFF38  }
0x207: {  	_ =	swait.ge @!p1 [sflag:s7], $0x1900  }
0x208: {  	[sflag:s7] =	ssyncset.done @!p1 $0x0  }
0x209: {  	[sflag:s7] =	ssyncadd.s32 @!p1 $0xFFFFE700  }
0x20a: {  	_ =	swait.ge @!p1 [sflag:s9], $0xC8  }
0x20b: {  	[sflag:s9] =	ssyncset.done @!p1 $0x0  }
0x20c: {  	[sflag:s9] =	ssyncadd.s32 @!p1 $0xFFFFFF38  }
0x20d: {  	_ =	swait.ge @!p1 [sflag:s7], $0x1900  }
0x20e: {  	[sflag:s7] =	ssyncset.done @!p1 $0x0  }
0x20f: {  	[sflag:s7] =	ssyncadd.s32 @!p1 $0xFFFFE700  }
0x210: {  	_ =	swait.ge @!p1 [sflag:s9], $0xC8  }
0x211: {  	[sflag:s9] =	ssyncset.done @!p1 $0x0  }
0x212: {  	[sflag:s9] =	ssyncadd.s32 @!p1 $0xFFFFFF38  }
0x213: {  	_ =	swait.ge @!p1 [sflag:s7], $0x1900  }
0x214: {  	[sflag:s7] =	ssyncset.done @!p1 $0x0  }
0x215: {  	[sflag:s7] =	ssyncadd.s32 @!p1 $0xFFFFE700  }
0x216: {  	_ =	swait.ge @!p1 [sflag:s9], $0xC8  }
0x217: {  	[sflag:s9] =	ssyncset.done @!p1 $0x0  }
0x218: {  	s7 =	simm.s32 @!p1 $0x640;
	[sflag:s9] =	ssyncadd.s32 @!p1 $0xFFFFFF38;
	s9 =	simm.s32 @!p1 $0xD480  }
0x219: {  	[tilespmem:s9], [sflag:$0x2] =	stream.indirect.gather @!p1 [hbm4b:s6+s7], $0x20, s7, s7, $0xb8;
	[tilespmem:$0x1B580] =	vst v63  }
0x21a: {  	s7 =	sadd.s32 @!p0 s23, s26  }
0x21b: {  	_ =	swait.ge [sflag:s14], $0xC800;
	s9 =	smul.u32 @!p0 $0x19, s7  }
0x21c: {  	s10 =	simm.s32 @!p0 $0x0;
	s11 =	simm.s32 @!p0 $0x640;
	[sflag:s14] =	ssyncset.done $0x0  }
0x21d: {  	s7 =	smul.u32 @!p0 $0xC8, s7;
	[sflag:s14] =	ssyncadd.s32 $0xFFFF3800;
	s9 =	sadd.s32 @!p0 s5, s9  }
0x21e: {  	[tilespmem:s11], [sflag:$0x6] =	stream.linear.gather @!p0 [hbm4b:s9+s10], $0xC8, $0x38;
	[tilespmem:$0x1B580] =	vst v63  }
0x21f: {  	s9 =	sadd.s32 @!p0 $0xC8, s7  }
0x220: {  	s9 =	sshrl.u32 @!p0 s9, $0x3  }
0x221: {  	s11 =	simm.s32 @!p0 $0x708;
	s9 =	sadd.s32 @!p0 s5, s9  }
0x222: {  	[tilespmem:s11], [sflag:$0x6] =	stream.linear.gather @!p0 [hbm4b:s9+s10], $0xC8, $0x38;
	[tilespmem:$0x1B580] =	vst v63  }
0x223: {  	s9 =	sshrl.u32 @!p0 s7, $0x3  }
0x224: {  	s9 =	sadd.s32 @!p0 s5, s9  }
0x225: {  	s23 =	simm.s32 @!p0 $0x7D0;
	s11 =	sadd.s32 @!p0 $0x32, s9  }
0x226: {  	[tilespmem:s23], [sflag:$0x6] =	stream.linear.gather @!p0 [hbm4b:s11+s10], $0xC8, $0x38;
	[tilespmem:$0x1B580] =	vst v63  }
0x227: {  	s11 =	sadd.s32 @!p0 $0x258, s7  }
0x228: {  	s11 =	sshrl.u32 @!p0 s11, $0x3  }
0x229: {  	s23 =	simm.s32 @!p0 $0x898;
	s11 =	sadd.s32 @!p0 s5, s11  }
0x22a: {  	[tilespmem:s23], [sflag:$0x6] =	stream.linear.gather @!p0 [hbm4b:s11+s10], $0xC8, $0x38;
	[tilespmem:$0x1B580] =	vst v63  }
0x22b: {  	s11 =	sadd.s32 @!p0 $0x64, s9;
	s23 =	simm.s32 @!p0 $0x960  }
0x22c: {  	[tilespmem:s23], [sflag:$0x6] =	stream.linear.gather @!p0 [hbm4b:s11+s10], $0xC8, $0x38;
	[tilespmem:$0x1B580] =	vst v63  }
0x22d: {  	s11 =	sadd.s32 @!p0 $0x3E8, s7  }
0x22e: {  	s11 =	sshrl.u32 @!p0 s11, $0x3  }
0x22f: {  	s23 =	simm.s32 @!p0 $0xA28;
	s7 =	sadd.s32 @!p0 $0x578, s7;
	s11 =	sadd.s32 @!p0 s5, s11  }
0x230: {  	[tilespmem:s23], [sflag:$0x6] =	stream.linear.gather @!p0 [hbm4b:s11+s10], $0xC8, $0x38;
	[tilespmem:$0x1B580] =	vst v63  }
0x231: {  	s9 =	sadd.s32 @!p0 $0x96, s9;
	s7 =	sshrl.u32 @!p0 s7, $0x3;
	s11 =	simm.s32 @!p0 $0xAF0  }
0x232: {  	[tilespmem:s11], [sflag:$0x6] =	stream.linear.gather @!p0 [hbm4b:s9+s10], $0xC8, $0x38;
	[tilespmem:$0x1B580] =	vst v63  }
0x233: {  	s7 =	sadd.s32 @!p0 s5, s7;
	s9 =	simm.s32 @!p0 $0xBB8  }
0x234: {  	[tilespmem:s9], [sflag:$0x6] =	stream.linear.gather @!p0 [hbm4b:s7+s10], $0xC8, $0x38;
	[tilespmem:$0x1B580] =	vst v63  }
0x235: {  	s7 =	simm.s32 $0x0  }
0x236: {  	v0 =	vld [tilespmem:s7+$0x19D70]  }
0x237: {  	v1 =	vld [tilespmem:s7+$0x19C80]  }
0x238: {  	v2 =	vld [tilespmem:s7+$0x19C90]  }
0x239: {  	v3 =	vld [tilespmem:s7+$0x19CA0]  }
0x23a: {  	v4 =	vld [tilespmem:s7+$0x19CB0]  }
0x23b: {  	v5 =	vld [tilespmem:s7+$0x19CC0]  }
0x23c: {  	v6 =	vld [tilespmem:s7+$0x19CD0]  }
0x23d: {  	v7 =	vld [tilespmem:s7+$0x19CE0]  }
0x23e: {  	v8 =	vld [tilespmem:s7+$0x19CF0]  }
0x23f: {  	v9 =	vld [tilespmem:s7+$0x19D00]  }
0x240: {  	v10 =	vld [tilespmem:s7+$0x19D10]  }
0x241: {  	v11 =	vld [tilespmem:s7+$0x19D20]  }
0x242: {  	v12 =	vld [tilespmem:s7+$0x19D30]  }
0x243: {  	v13 =	vld [tilespmem:s7+$0x19D40]  }
0x244: {  	v14 =	vld [tilespmem:s7+$0x19D50]  }
0x245: {  	v15 =	vld [tilespmem:s7+$0x19D60]  }
0x246: {  	[tilespmem:s7+$0x18470] =	vst.add.f32.msk $0xffff, v0  }
0x247: {  	[tilespmem:s7+$0xD480] =	vst.add.f32.msk $0xffff, v1  }
0x248: {  	[tilespmem:s7+$0xED80] =	vst.add.f32.msk $0xffff, v1  }
0x249: {  	[tilespmem:s7+$0x10680] =	vst.add.f32.msk $0xffff, v1  }
0x24a: {  	[tilespmem:s7+$0x11F80] =	vst.add.f32.msk $0xffff, v1  }
0x24b: {  	[tilespmem:s7+$0x13880] =	vst.add.f32.msk $0xffff, v1  }
0x24c: {  	[tilespmem:s7+$0x15180] =	vst.add.f32.msk $0xffff, v1  }
0x24d: {  	[tilespmem:s7+$0x16A80] =	vst.add.f32.msk $0xffff, v1  }
0x24e: {  	[tilespmem:s7+$0x18380] =	vst.add.f32.msk $0xffff, v1  }
0x24f: {  	[tilespmem:s7+$0xD490] =	vst.add.f32.msk $0xffff, v2  }
0x250: {  	[tilespmem:s7+$0xED90] =	vst.add.f32.msk $0xffff, v2  }
0x251: {  	[tilespmem:s7+$0x10690] =	vst.add.f32.msk $0xffff, v2  }
0x252: {  	[tilespmem:s7+$0x11F90] =	vst.add.f32.msk $0xffff, v2  }
0x253: {  	[tilespmem:s7+$0x13890] =	vst.add.f32.msk $0xffff, v2  }
0x254: {  	[tilespmem:s7+$0x15190] =	vst.add.f32.msk $0xffff, v2  }
0x255: {  	[tilespmem:s7+$0x16A90] =	vst.add.f32.msk $0xffff, v2  }
0x256: {  	[tilespmem:s7+$0x18390] =	vst.add.f32.msk $0xffff, v2  }
0x257: {  	[tilespmem:s7+$0xD4A0] =	vst.add.f32.msk $0xffff, v3  }
0x258: {  	[tilespmem:s7+$0xEDA0] =	vst.add.f32.msk $0xffff, v3  }
0x259: {  	[tilespmem:s7+$0x106A0] =	vst.add.f32.msk $0xffff, v3  }
0x25a: {  	[tilespmem:s7+$0x11FA0] =	vst.add.f32.msk $0xffff, v3  }
0x25b: {  	[tilespmem:s7+$0x138A0] =	vst.add.f32.msk $0xffff, v3  }
0x25c: {  	[tilespmem:s7+$0x151A0] =	vst.add.f32.msk $0xffff, v3  }
0x25d: {  	[tilespmem:s7+$0x16AA0] =	vst.add.f32.msk $0xffff, v3  }
0x25e: {  	[tilespmem:s7+$0x183A0] =	vst.add.f32.msk $0xffff, v3  }
0x25f: {  	[tilespmem:s7+$0xD4B0] =	vst.add.f32.msk $0xffff, v4  }
0x260: {  	[tilespmem:s7+$0xEDB0] =	vst.add.f32.msk $0xffff, v4  }
0x261: {  	[tilespmem:s7+$0x106B0] =	vst.add.f32.msk $0xffff, v4  }
0x262: {  	[tilespmem:s7+$0x11FB0] =	vst.add.f32.msk $0xffff, v4  }
0x263: {  	[tilespmem:s7+$0x138B0] =	vst.add.f32.msk $0xffff, v4  }
0x264: {  	[tilespmem:s7+$0x151B0] =	vst.add.f32.msk $0xffff, v4  }
0x265: {  	[tilespmem:s7+$0x16AB0] =	vst.add.f32.msk $0xffff, v4  }
0x266: {  	[tilespmem:s7+$0x183B0] =	vst.add.f32.msk $0xffff, v4  }
0x267: {  	[tilespmem:s7+$0xD4C0] =	vst.add.f32.msk $0xffff, v5  }
0x268: {  	[tilespmem:s7+$0xEDC0] =	vst.add.f32.msk $0xffff, v5  }
0x269: {  	[tilespmem:s7+$0x106C0] =	vst.add.f32.msk $0xffff, v5  }
0x26a: {  	[tilespmem:s7+$0x11FC0] =	vst.add.f32.msk $0xffff, v5  }
0x26b: {  	[tilespmem:s7+$0x138C0] =	vst.add.f32.msk $0xffff, v5  }
0x26c: {  	[tilespmem:s7+$0x151C0] =	vst.add.f32.msk $0xffff, v5  }
0x26d: {  	[tilespmem:s7+$0x16AC0] =	vst.add.f32.msk $0xffff, v5  }
0x26e: {  	[tilespmem:s7+$0x183C0] =	vst.add.f32.msk $0xffff, v5  }
0x26f: {  	[tilespmem:s7+$0xD4D0] =	vst.add.f32.msk $0xffff, v6  }
0x270: {  	[tilespmem:s7+$0xEDD0] =	vst.add.f32.msk $0xffff, v6  }
0x271: {  	[tilespmem:s7+$0x106D0] =	vst.add.f32.msk $0xffff, v6  }
0x272: {  	[tilespmem:s7+$0x11FD0] =	vst.add.f32.msk $0xffff, v6  }
0x273: {  	[tilespmem:s7+$0x138D0] =	vst.add.f32.msk $0xffff, v6  }
0x274: {  	[tilespmem:s7+$0x151D0] =	vst.add.f32.msk $0xffff, v6  }
0x275: {  	[tilespmem:s7+$0x16AD0] =	vst.add.f32.msk $0xffff, v6  }
0x276: {  	[tilespmem:s7+$0x183D0] =	vst.add.f32.msk $0xffff, v6  }
0x277: {  	[tilespmem:s7+$0xD4E0] =	vst.add.f32.msk $0xffff, v7  }
0x278: {  	[tilespmem:s7+$0xEDE0] =	vst.add.f32.msk $0xffff, v7  }
0x279: {  	[tilespmem:s7+$0x106E0] =	vst.add.f32.msk $0xffff, v7  }
0x27a: {  	[tilespmem:s7+$0x11FE0] =	vst.add.f32.msk $0xffff, v7  }
0x27b: {  	[tilespmem:s7+$0x138E0] =	vst.add.f32.msk $0xffff, v7  }
0x27c: {  	[tilespmem:s7+$0x151E0] =	vst.add.f32.msk $0xffff, v7  }
0x27d: {  	[tilespmem:s7+$0x16AE0] =	vst.add.f32.msk $0xffff, v7  }
0x27e: {  	[tilespmem:s7+$0x183E0] =	vst.add.f32.msk $0xffff, v7  }
0x27f: {  	[tilespmem:s7+$0xD4F0] =	vst.add.f32.msk $0xffff, v8  }
0x280: {  	[tilespmem:s7+$0xEDF0] =	vst.add.f32.msk $0xffff, v8  }
0x281: {  	[tilespmem:s7+$0x106F0] =	vst.add.f32.msk $0xffff, v8  }
0x282: {  	[tilespmem:s7+$0x11FF0] =	vst.add.f32.msk $0xffff, v8  }
0x283: {  	[tilespmem:s7+$0x138F0] =	vst.add.f32.msk $0xffff, v8  }
0x284: {  	[tilespmem:s7+$0x151F0] =	vst.add.f32.msk $0xffff, v8  }
0x285: {  	[tilespmem:s7+$0x16AF0] =	vst.add.f32.msk $0xffff, v8  }
0x286: {  	[tilespmem:s7+$0x183F0] =	vst.add.f32.msk $0xffff, v8  }
0x287: {  	[tilespmem:s7+$0xD500] =	vst.add.f32.msk $0xffff, v9  }
0x288: {  	[tilespmem:s7+$0xEE00] =	vst.add.f32.msk $0xffff, v9  }
0x289: {  	[tilespmem:s7+$0x10700] =	vst.add.f32.msk $0xffff, v9  }
0x28a: {  	[tilespmem:s7+$0x12000] =	vst.add.f32.msk $0xffff, v9  }
0x28b: {  	[tilespmem:s7+$0x13900] =	vst.add.f32.msk $0xffff, v9  }
0x28c: {  	[tilespmem:s7+$0x15200] =	vst.add.f32.msk $0xffff, v9  }
0x28d: {  	[tilespmem:s7+$0x16B00] =	vst.add.f32.msk $0xffff, v9  }
0x28e: {  	[tilespmem:s7+$0x18400] =	vst.add.f32.msk $0xffff, v9  }
0x28f: {  	[tilespmem:s7+$0xD510] =	vst.add.f32.msk $0xffff, v10  }
0x290: {  	[tilespmem:s7+$0xEE10] =	vst.add.f32.msk $0xffff, v10  }
0x291: {  	[tilespmem:s7+$0x10710] =	vst.add.f32.msk $0xffff, v10  }
0x292: {  	[tilespmem:s7+$0x12010] =	vst.add.f32.msk $0xffff, v10  }
0x293: {  	[tilespmem:s7+$0x13910] =	vst.add.f32.msk $0xffff, v10  }
0x294: {  	[tilespmem:s7+$0x15210] =	vst.add.f32.msk $0xffff, v10  }
0x295: {  	[tilespmem:s7+$0x16B10] =	vst.add.f32.msk $0xffff, v10  }
0x296: {  	[tilespmem:s7+$0x18410] =	vst.add.f32.msk $0xffff, v10  }
0x297: {  	[tilespmem:s7+$0xD520] =	vst.add.f32.msk $0xffff, v11  }
0x298: {  	[tilespmem:s7+$0xEE20] =	vst.add.f32.msk $0xffff, v11  }
0x299: {  	[tilespmem:s7+$0x10720] =	vst.add.f32.msk $0xffff, v11  }
0x29a: {  	[tilespmem:s7+$0x12020] =	vst.add.f32.msk $0xffff, v11  }
0x29b: {  	[tilespmem:s7+$0x13920] =	vst.add.f32.msk $0xffff, v11  }
0x29c: {  	[tilespmem:s7+$0x15220] =	vst.add.f32.msk $0xffff, v11  }
0x29d: {  	[tilespmem:s7+$0x16B20] =	vst.add.f32.msk $0xffff, v11  }
0x29e: {  	[tilespmem:s7+$0x18420] =	vst.add.f32.msk $0xffff, v11  }
0x29f: {  	[tilespmem:s7+$0xD530] =	vst.add.f32.msk $0xffff, v12  }
0x2a0: {  	[tilespmem:s7+$0xEE30] =	vst.add.f32.msk $0xffff, v12  }
0x2a1: {  	[tilespmem:s7+$0x10730] =	vst.add.f32.msk $0xffff, v12  }
0x2a2: {  	[tilespmem:s7+$0x12030] =	vst.add.f32.msk $0xffff, v12  }
0x2a3: {  	[tilespmem:s7+$0x13930] =	vst.add.f32.msk $0xffff, v12  }
0x2a4: {  	[tilespmem:s7+$0x15230] =	vst.add.f32.msk $0xffff, v12  }
0x2a5: {  	[tilespmem:s7+$0x16B30] =	vst.add.f32.msk $0xffff, v12  }
0x2a6: {  	[tilespmem:s7+$0x18430] =	vst.add.f32.msk $0xffff, v12  }
0x2a7: {  	[tilespmem:s7+$0xD540] =	vst.add.f32.msk $0xffff, v13  }
0x2a8: {  	[tilespmem:s7+$0xEE40] =	vst.add.f32.msk $0xffff, v13  }
0x2a9: {  	[tilespmem:s7+$0x10740] =	vst.add.f32.msk $0xffff, v13  }
0x2aa: {  	[tilespmem:s7+$0x12040] =	vst.add.f32.msk $0xffff, v13  }
0x2ab: {  	[tilespmem:s7+$0x13940] =	vst.add.f32.msk $0xffff, v13  }
0x2ac: {  	[tilespmem:s7+$0x15240] =	vst.add.f32.msk $0xffff, v13  }
0x2ad: {  	[tilespmem:s7+$0x16B40] =	vst.add.f32.msk $0xffff, v13  }
0x2ae: {  	[tilespmem:s7+$0x18440] =	vst.add.f32.msk $0xffff, v13  }
0x2af: {  	[tilespmem:s7+$0xD550] =	vst.add.f32.msk $0xffff, v14  }
0x2b0: {  	[tilespmem:s7+$0xEE50] =	vst.add.f32.msk $0xffff, v14  }
0x2b1: {  	[tilespmem:s7+$0x10750] =	vst.add.f32.msk $0xffff, v14  }
0x2b2: {  	[tilespmem:s7+$0x12050] =	vst.add.f32.msk $0xffff, v14  }
0x2b3: {  	[tilespmem:s7+$0x13950] =	vst.add.f32.msk $0xffff, v14  }
0x2b4: {  	[tilespmem:s7+$0x15250] =	vst.add.f32.msk $0xffff, v14  }
0x2b5: {  	[tilespmem:s7+$0x16B50] =	vst.add.f32.msk $0xffff, v14  }
0x2b6: {  	[tilespmem:s7+$0x18450] =	vst.add.f32.msk $0xffff, v14  }
0x2b7: {  	[tilespmem:s7+$0xD560] =	vst.add.f32.msk $0xffff, v15  }
0x2b8: {  	[tilespmem:s7+$0xEE60] =	vst.add.f32.msk $0xffff, v15  }
0x2b9: {  	[tilespmem:s7+$0x10760] =	vst.add.f32.msk $0xffff, v15  }
0x2ba: {  	[tilespmem:s7+$0x12060] =	vst.add.f32.msk $0xffff, v15  }
0x2bb: {  	[tilespmem:s7+$0x13960] =	vst.add.f32.msk $0xffff, v15  }
0x2bc: {  	[tilespmem:s7+$0x15260] =	vst.add.f32.msk $0xffff, v15  }
0x2bd: {  	[tilespmem:s7+$0x16B60] =	vst.add.f32.msk $0xffff, v15  }
0x2be: {  	[tilespmem:s7+$0x18460] =	vst.add.f32.msk $0xffff, v15  }
0x2bf: {  	[tilespmem:s7+$0xD570] =	vst.add.f32.msk $0xffff, v0  }
0x2c0: {  	[tilespmem:s7+$0xEE70] =	vst.add.f32.msk $0xffff, v0  }
0x2c1: {  	[tilespmem:s7+$0x10770] =	vst.add.f32.msk $0xffff, v0  }
0x2c2: {  	[tilespmem:s7+$0x12070] =	vst.add.f32.msk $0xffff, v0  }
0x2c3: {  	[tilespmem:s7+$0x13970] =	vst.add.f32.msk $0xffff, v0  }
0x2c4: {  	s23 =	sor.u32 $0x8, s28;
	s9 =	simm.s32 $0x0;
	s10 =	simm.s32 $0x400;
	[tilespmem:s7+$0x15270] =	vst.add.f32.msk $0xffff, v0  }
.LBB2_5:
0x2c5: {  	s9 =	sadd.s32 $0x8, s9;
	[tilespmem:s7+$0x16B70] =	vst.add.f32.msk $0xffff, v0;
	s7 =	sshra.s32 s10, $0x2  }
0x2c6: {  	v0 =	vld [tilespmem:s7+$0x19D70];
	p1 =	slt.u32 s9, $0xC0  }
0x2c7: {  	v9 =	vld [tilespmem:s7+$0x19C80]  }
0x2c8: {  	v10 =	vld [tilespmem:s7+$0x19C90]  }
0x2c9: {  	v11 =	vld [tilespmem:s7+$0x19CA0]  }
0x2ca: {  	v12 =	vld [tilespmem:s7+$0x19CB0]  }
0x2cb: {  	[tilespmem:s7+$0x18470] =	vst.add.f32.msk $0xffff, v0  }
0x2cc: {  	v13 =	vld [tilespmem:s7+$0x19CC0]  }
0x2cd: {  	v14 =	vld [tilespmem:s7+$0x19CD0]  }
0x2ce: {  	v15 =	vld [tilespmem:s7+$0x19CE0]  }
0x2cf: {  	v8 =	vld [tilespmem:s7+$0x19CF0]  }
0x2d0: {  	v7 =	vld [tilespmem:s7+$0x19D00]  }
0x2d1: {  	v6 =	vld [tilespmem:s7+$0x19D10]  }
0x2d2: {  	v5 =	vld [tilespmem:s7+$0x19D20]  }
0x2d3: {  	v4 =	vld [tilespmem:s7+$0x19D30]  }
0x2d4: {  	v3 =	vld [tilespmem:s7+$0x19D40]  }
0x2d5: {  	v2 =	vld [tilespmem:s7+$0x19D50]  }
0x2d6: {  	v1 =	vld [tilespmem:s7+$0x19D60]  }
0x2d7: {  	[tilespmem:s7+$0xD480] =	vst.add.f32.msk $0xffff, v9  }
0x2d8: {  	[tilespmem:s7+$0xED80] =	vst.add.f32.msk $0xffff, v9  }
0x2d9: {  	[tilespmem:s7+$0x10680] =	vst.add.f32.msk $0xffff, v9  }
0x2da: {  	[tilespmem:s7+$0x11F80] =	vst.add.f32.msk $0xffff, v9  }
0x2db: {  	[tilespmem:s7+$0x13880] =	vst.add.f32.msk $0xffff, v9  }
0x2dc: {  	[tilespmem:s7+$0x15180] =	vst.add.f32.msk $0xffff, v9  }
0x2dd: {  	[tilespmem:s7+$0x16A80] =	vst.add.f32.msk $0xffff, v9  }
0x2de: {  	[tilespmem:s7+$0x18380] =	vst.add.f32.msk $0xffff, v9  }
0x2df: {  	[tilespmem:s7+$0xD490] =	vst.add.f32.msk $0xffff, v10  }
0x2e0: {  	[tilespmem:s7+$0xED90] =	vst.add.f32.msk $0xffff, v10  }
0x2e1: {  	[tilespmem:s7+$0x10690] =	vst.add.f32.msk $0xffff, v10  }
0x2e2: {  	[tilespmem:s7+$0x11F90] =	vst.add.f32.msk $0xffff, v10  }
0x2e3: {  	[tilespmem:s7+$0x13890] =	vst.add.f32.msk $0xffff, v10  }
0x2e4: {  	[tilespmem:s7+$0x15190] =	vst.add.f32.msk $0xffff, v10  }
0x2e5: {  	[tilespmem:s7+$0x16A90] =	vst.add.f32.msk $0xffff, v10  }
0x2e6: {  	[tilespmem:s7+$0x18390] =	vst.add.f32.msk $0xffff, v10  }
0x2e7: {  	[tilespmem:s7+$0xD4A0] =	vst.add.f32.msk $0xffff, v11  }
0x2e8: {  	[tilespmem:s7+$0xEDA0] =	vst.add.f32.msk $0xffff, v11  }
0x2e9: {  	[tilespmem:s7+$0x106A0] =	vst.add.f32.msk $0xffff, v11  }
0x2ea: {  	[tilespmem:s7+$0x11FA0] =	vst.add.f32.msk $0xffff, v11  }
0x2eb: {  	[tilespmem:s7+$0x138A0] =	vst.add.f32.msk $0xffff, v11  }
0x2ec: {  	[tilespmem:s7+$0x151A0] =	vst.add.f32.msk $0xffff, v11  }
0x2ed: {  	[tilespmem:s7+$0x16AA0] =	vst.add.f32.msk $0xffff, v11  }
0x2ee: {  	[tilespmem:s7+$0x183A0] =	vst.add.f32.msk $0xffff, v11  }
0x2ef: {  	[tilespmem:s7+$0xD4B0] =	vst.add.f32.msk $0xffff, v12  }
0x2f0: {  	[tilespmem:s7+$0xEDB0] =	vst.add.f32.msk $0xffff, v12  }
0x2f1: {  	[tilespmem:s7+$0x106B0] =	vst.add.f32.msk $0xffff, v12  }
0x2f2: {  	[tilespmem:s7+$0x11FB0] =	vst.add.f32.msk $0xffff, v12  }
0x2f3: {  	[tilespmem:s7+$0x138B0] =	vst.add.f32.msk $0xffff, v12  }
0x2f4: {  	[tilespmem:s7+$0x151B0] =	vst.add.f32.msk $0xffff, v12  }
0x2f5: {  	[tilespmem:s7+$0x16AB0] =	vst.add.f32.msk $0xffff, v12  }
0x2f6: {  	[tilespmem:s7+$0x183B0] =	vst.add.f32.msk $0xffff, v12  }
0x2f7: {  	[tilespmem:s7+$0xD4C0] =	vst.add.f32.msk $0xffff, v13  }
0x2f8: {  	[tilespmem:s7+$0xEDC0] =	vst.add.f32.msk $0xffff, v13  }
0x2f9: {  	[tilespmem:s7+$0x106C0] =	vst.add.f32.msk $0xffff, v13  }
0x2fa: {  	[tilespmem:s7+$0x11FC0] =	vst.add.f32.msk $0xffff, v13  }
0x2fb: {  	[tilespmem:s7+$0x138C0] =	vst.add.f32.msk $0xffff, v13  }
0x2fc: {  	[tilespmem:s7+$0x151C0] =	vst.add.f32.msk $0xffff, v13  }
0x2fd: {  	[tilespmem:s7+$0x16AC0] =	vst.add.f32.msk $0xffff, v13  }
0x2fe: {  	[tilespmem:s7+$0x183C0] =	vst.add.f32.msk $0xffff, v13  }
0x2ff: {  	[tilespmem:s7+$0xD4D0] =	vst.add.f32.msk $0xffff, v14  }
0x300: {  	[tilespmem:s7+$0xEDD0] =	vst.add.f32.msk $0xffff, v14  }
0x301: {  	[tilespmem:s7+$0x106D0] =	vst.add.f32.msk $0xffff, v14  }
0x302: {  	[tilespmem:s7+$0x11FD0] =	vst.add.f32.msk $0xffff, v14  }
0x303: {  	[tilespmem:s7+$0x138D0] =	vst.add.f32.msk $0xffff, v14  }
0x304: {  	[tilespmem:s7+$0x151D0] =	vst.add.f32.msk $0xffff, v14  }
0x305: {  	[tilespmem:s7+$0x16AD0] =	vst.add.f32.msk $0xffff, v14  }
0x306: {  	[tilespmem:s7+$0x183D0] =	vst.add.f32.msk $0xffff, v14  }
0x307: {  	[tilespmem:s7+$0xD4E0] =	vst.add.f32.msk $0xffff, v15  }
0x308: {  	[tilespmem:s7+$0xEDE0] =	vst.add.f32.msk $0xffff, v15  }
0x309: {  	[tilespmem:s7+$0x106E0] =	vst.add.f32.msk $0xffff, v15  }
0x30a: {  	[tilespmem:s7+$0x11FE0] =	vst.add.f32.msk $0xffff, v15  }
0x30b: {  	[tilespmem:s7+$0x138E0] =	vst.add.f32.msk $0xffff, v15  }
0x30c: {  	[tilespmem:s7+$0x151E0] =	vst.add.f32.msk $0xffff, v15  }
0x30d: {  	[tilespmem:s7+$0x16AE0] =	vst.add.f32.msk $0xffff, v15  }
0x30e: {  	[tilespmem:s7+$0x183E0] =	vst.add.f32.msk $0xffff, v15  }
0x30f: {  	[tilespmem:s7+$0xD4F0] =	vst.add.f32.msk $0xffff, v8  }
0x310: {  	[tilespmem:s7+$0xEDF0] =	vst.add.f32.msk $0xffff, v8  }
0x311: {  	[tilespmem:s7+$0x106F0] =	vst.add.f32.msk $0xffff, v8  }
0x312: {  	[tilespmem:s7+$0x11FF0] =	vst.add.f32.msk $0xffff, v8  }
0x313: {  	[tilespmem:s7+$0x138F0] =	vst.add.f32.msk $0xffff, v8  }
0x314: {  	[tilespmem:s7+$0x151F0] =	vst.add.f32.msk $0xffff, v8  }
0x315: {  	[tilespmem:s7+$0x16AF0] =	vst.add.f32.msk $0xffff, v8  }
0x316: {  	[tilespmem:s7+$0x183F0] =	vst.add.f32.msk $0xffff, v8  }
0x317: {  	[tilespmem:s7+$0xD500] =	vst.add.f32.msk $0xffff, v7  }
0x318: {  	[tilespmem:s7+$0xEE00] =	vst.add.f32.msk $0xffff, v7  }
0x319: {  	[tilespmem:s7+$0x10700] =	vst.add.f32.msk $0xffff, v7  }
0x31a: {  	[tilespmem:s7+$0x12000] =	vst.add.f32.msk $0xffff, v7  }
0x31b: {  	[tilespmem:s7+$0x13900] =	vst.add.f32.msk $0xffff, v7  }
0x31c: {  	[tilespmem:s7+$0x15200] =	vst.add.f32.msk $0xffff, v7  }
0x31d: {  	[tilespmem:s7+$0x16B00] =	vst.add.f32.msk $0xffff, v7  }
0x31e: {  	[tilespmem:s7+$0x18400] =	vst.add.f32.msk $0xffff, v7  }
0x31f: {  	[tilespmem:s7+$0xD510] =	vst.add.f32.msk $0xffff, v6  }
0x320: {  	[tilespmem:s7+$0xEE10] =	vst.add.f32.msk $0xffff, v6  }
0x321: {  	[tilespmem:s7+$0x10710] =	vst.add.f32.msk $0xffff, v6  }
0x322: {  	[tilespmem:s7+$0x12010] =	vst.add.f32.msk $0xffff, v6  }
0x323: {  	[tilespmem:s7+$0x13910] =	vst.add.f32.msk $0xffff, v6  }
0x324: {  	[tilespmem:s7+$0x15210] =	vst.add.f32.msk $0xffff, v6  }
0x325: {  	[tilespmem:s7+$0x16B10] =	vst.add.f32.msk $0xffff, v6  }
0x326: {  	[tilespmem:s7+$0x18410] =	vst.add.f32.msk $0xffff, v6  }
0x327: {  	[tilespmem:s7+$0xD520] =	vst.add.f32.msk $0xffff, v5  }
0x328: {  	[tilespmem:s7+$0xEE20] =	vst.add.f32.msk $0xffff, v5  }
0x329: {  	[tilespmem:s7+$0x10720] =	vst.add.f32.msk $0xffff, v5  }
0x32a: {  	[tilespmem:s7+$0x12020] =	vst.add.f32.msk $0xffff, v5  }
0x32b: {  	[tilespmem:s7+$0x13920] =	vst.add.f32.msk $0xffff, v5  }
0x32c: {  	[tilespmem:s7+$0x15220] =	vst.add.f32.msk $0xffff, v5  }
0x32d: {  	[tilespmem:s7+$0x16B20] =	vst.add.f32.msk $0xffff, v5  }
0x32e: {  	[tilespmem:s7+$0x18420] =	vst.add.f32.msk $0xffff, v5  }
0x32f: {  	[tilespmem:s7+$0xD530] =	vst.add.f32.msk $0xffff, v4  }
0x330: {  	[tilespmem:s7+$0xEE30] =	vst.add.f32.msk $0xffff, v4  }
0x331: {  	[tilespmem:s7+$0x10730] =	vst.add.f32.msk $0xffff, v4  }
0x332: {  	[tilespmem:s7+$0x12030] =	vst.add.f32.msk $0xffff, v4  }
0x333: {  	[tilespmem:s7+$0x13930] =	vst.add.f32.msk $0xffff, v4  }
0x334: {  	[tilespmem:s7+$0x15230] =	vst.add.f32.msk $0xffff, v4  }
0x335: {  	[tilespmem:s7+$0x16B30] =	vst.add.f32.msk $0xffff, v4  }
0x336: {  	[tilespmem:s7+$0x18430] =	vst.add.f32.msk $0xffff, v4  }
0x337: {  	[tilespmem:s7+$0xD540] =	vst.add.f32.msk $0xffff, v3  }
0x338: {  	[tilespmem:s7+$0xEE40] =	vst.add.f32.msk $0xffff, v3  }
0x339: {  	[tilespmem:s7+$0x10740] =	vst.add.f32.msk $0xffff, v3  }
0x33a: {  	[tilespmem:s7+$0x12040] =	vst.add.f32.msk $0xffff, v3  }
0x33b: {  	[tilespmem:s7+$0x13940] =	vst.add.f32.msk $0xffff, v3  }
0x33c: {  	[tilespmem:s7+$0x15240] =	vst.add.f32.msk $0xffff, v3  }
0x33d: {  	[tilespmem:s7+$0x16B40] =	vst.add.f32.msk $0xffff, v3  }
0x33e: {  	[tilespmem:s7+$0x18440] =	vst.add.f32.msk $0xffff, v3  }
0x33f: {  	[tilespmem:s7+$0xD550] =	vst.add.f32.msk $0xffff, v2  }
0x340: {  	[tilespmem:s7+$0xEE50] =	vst.add.f32.msk $0xffff, v2  }
0x341: {  	[tilespmem:s7+$0x10750] =	vst.add.f32.msk $0xffff, v2  }
0x342: {  	[tilespmem:s7+$0x12050] =	vst.add.f32.msk $0xffff, v2  }
0x343: {  	[tilespmem:s7+$0x13950] =	vst.add.f32.msk $0xffff, v2  }
0x344: {  	[tilespmem:s7+$0x15250] =	vst.add.f32.msk $0xffff, v2  }
0x345: {  	[tilespmem:s7+$0x16B50] =	vst.add.f32.msk $0xffff, v2  }
0x346: {  	[tilespmem:s7+$0x18450] =	vst.add.f32.msk $0xffff, v2  }
0x347: {  	[tilespmem:s7+$0xD560] =	vst.add.f32.msk $0xffff, v1  }
0x348: {  	[tilespmem:s7+$0xEE60] =	vst.add.f32.msk $0xffff, v1  }
0x349: {  	[tilespmem:s7+$0x10760] =	vst.add.f32.msk $0xffff, v1  }
0x34a: {  	[tilespmem:s7+$0x12060] =	vst.add.f32.msk $0xffff, v1  }
0x34b: {  	[tilespmem:s7+$0x13960] =	vst.add.f32.msk $0xffff, v1  }
0x34c: {  	[tilespmem:s7+$0x15260] =	vst.add.f32.msk $0xffff, v1  }
0x34d: {  	[tilespmem:s7+$0x16B60] =	vst.add.f32.msk $0xffff, v1  }
0x34e: {  	[tilespmem:s7+$0x18460] =	vst.add.f32.msk $0xffff, v1  }
0x34f: {  	[tilespmem:s7+$0xD570] =	vst.add.f32.msk $0xffff, v0  }
.Ltmp3:
0x350: {  	[tilespmem:s7+$0xEE70] =	vst.add.f32.msk $0xffff, v0;
	(pc) =	sbr.rel @p1 .LBB2_5-.Ltmp3, $4  }
0x351: {  	[tilespmem:s7+$0x10770] =	vst.add.f32.msk $0xffff, v0  }
0x352: {  	[tilespmem:s7+$0x12070] =	vst.add.f32.msk $0xffff, v0  }
0x353: {  	[tilespmem:s7+$0x13970] =	vst.add.f32.msk $0xffff, v0  }
0x354: {  	s10 =	sadd.s32 $0x400, s10;
	[tilespmem:s7+$0x15270] =	vst.add.f32.msk $0xffff, v0  }
0x355: {  	s9 =	smul.u32 $0x320, s23  }
0x356: {  	s10 =	smul.u32 $0x1900, s23;
	_ =	sdelay $0x1  }
0x357: {  	[tilespmem:s7+$0x16B70] =	vst.add.f32.msk $0xffff, v0;
	s9 =	sadd.s32 s2, s9;
	s11 =	sshrl.u32 s10, $0x3  }
0x358: {  	[hbm4b:s9+s3] =	stream.linear.scatter [tilespmem:s30], [sflag:$0x4], $0x1900, $0x38;
	[tilespmem:$0x1B580] =	vst v63  }
0x359: {  	s7 =	sadd.s32 s2, s11  }
0x35a: {  	s23 =	sadd.s32 $0x320, s7  }
0x35b: {  	[hbm4b:s23+s3] =	stream.linear.scatter [tilespmem:s15], [sflag:$0x4], $0x1900, $0x38;
	[tilespmem:$0x1B580] =	vst v63  }
0x35c: {  	s28 =	sadd.s32 $0x640, s7  }
0x35d: {  	[hbm4b:s28+s3] =	stream.linear.scatter [tilespmem:s16], [sflag:$0x4], $0x1900, $0x38;
	[tilespmem:$0x1B580] =	vst v63  }
0x35e: {  	s10 =	sadd.s32 $0x960, s7  }
0x35f: {  	[hbm4b:s10+s3] =	stream.linear.scatter [tilespmem:s17], [sflag:$0x4], $0x1900, $0x38;
	[tilespmem:$0x1B580] =	vst v63  }
0x360: {  	s11 =	sadd.s32 $0xC80, s7  }
0x361: {  	[hbm4b:s11+s3] =	stream.linear.scatter [tilespmem:s18], [sflag:$0x4], $0x1900, $0x38;
	[tilespmem:$0x1B580] =	vst v63  }
0x362: {  	s23 =	sadd.s32 $0xFA0, s7  }
0x363: {  	[hbm4b:s23+s3] =	stream.linear.scatter [tilespmem:s19], [sflag:$0x4], $0x1900, $0x38;
	[tilespmem:$0x1B580] =	vst v63  }
0x364: {  	s28 =	sadd.s32 $0x12C0, s7  }
0x365: {  	[hbm4b:s28+s3] =	stream.linear.scatter [tilespmem:s20], [sflag:$0x4], $0x1900, $0x38;
	[tilespmem:$0x1B580] =	vst v63  }
.Ltmp4:
0x366: {  	s7 =	sadd.s32 $0x15E0, s7;
	(pc) =	sbr.rel @p0 .LBB2_8-.Ltmp4, $4  }
0x367: {  	[hbm4b:s7+s3] =	stream.linear.scatter [tilespmem:s21], [sflag:$0x4], $0x1900, $0x38;
	[tilespmem:$0x1B580] =	vst v63  }
0x368: {  	_ =	swait.ge [sflag:s22], $0x1900  }
0x369: {  	[sflag:s22] =	ssyncset.done $0x0  }
0x36a: {  	[sflag:s22] =	ssyncadd.s32 $0xFFFFE700  }
0x36b: {  	_ =	swait.ge [sflag:s25], $0xC8  }
0x36c: {  	[sflag:s25] =	ssyncset.done $0x0  }
0x36d: {  	[sflag:s25] =	ssyncadd.s32 $0xFFFFFF38  }
0x36e: {  	_ =	swait.ge [sflag:s22], $0x1900  }
0x36f: {  	[sflag:s22] =	ssyncset.done $0x0  }
0x370: {  	[sflag:s22] =	ssyncadd.s32 $0xFFFFE700  }
0x371: {  	_ =	swait.ge [sflag:s25], $0xC8  }
0x372: {  	[sflag:s25] =	ssyncset.done $0x0  }
0x373: {  	[sflag:s25] =	ssyncadd.s32 $0xFFFFFF38  }
0x374: {  	_ =	swait.ge [sflag:s22], $0x1900  }
0x375: {  	[sflag:s22] =	ssyncset.done $0x0  }
0x376: {  	[sflag:s22] =	ssyncadd.s32 $0xFFFFE700  }
0x377: {  	_ =	swait.ge [sflag:s25], $0xC8  }
0x378: {  	[sflag:s25] =	ssyncset.done $0x0  }
0x379: {  	[sflag:s25] =	ssyncadd.s32 $0xFFFFFF38  }
0x37a: {  	_ =	swait.ge [sflag:s22], $0x1900  }
0x37b: {  	[sflag:s22] =	ssyncset.done $0x0  }
0x37c: {  	[sflag:s22] =	ssyncadd.s32 $0xFFFFE700  }
0x37d: {  	_ =	swait.ge [sflag:s25], $0xC8  }
0x37e: {  	[sflag:s25] =	ssyncset.done $0x0  }
0x37f: {  	[sflag:s25] =	ssyncadd.s32 $0xFFFFFF38  }
0x380: {  	_ =	swait.ge [sflag:s22], $0x1900  }
0x381: {  	[sflag:s22] =	ssyncset.done $0x0  }
0x382: {  	[sflag:s22] =	ssyncadd.s32 $0xFFFFE700  }
0x383: {  	_ =	swait.ge [sflag:s25], $0xC8  }
0x384: {  	[sflag:s25] =	ssyncset.done $0x0  }
0x385: {  	[sflag:s25] =	ssyncadd.s32 $0xFFFFFF38  }
0x386: {  	_ =	swait.ge [sflag:s22], $0x1900  }
0x387: {  	[sflag:s22] =	ssyncset.done $0x0  }
0x388: {  	[sflag:s22] =	ssyncadd.s32 $0xFFFFE700  }
0x389: {  	_ =	swait.ge [sflag:s25], $0xC8  }
0x38a: {  	[sflag:s25] =	ssyncset.done $0x0  }
0x38b: {  	[sflag:s25] =	ssyncadd.s32 $0xFFFFFF38  }
0x38c: {  	_ =	swait.ge [sflag:s22], $0x1900  }
0x38d: {  	[sflag:s22] =	ssyncset.done $0x0  }
0x38e: {  	[sflag:s22] =	ssyncadd.s32 $0xFFFFE700  }
0x38f: {  	_ =	swait.ge [sflag:s25], $0xC8  }
0x390: {  	[sflag:s25] =	ssyncset.done $0x0  }
0x391: {  	[sflag:s25] =	ssyncadd.s32 $0xFFFFFF38  }
0x392: {  	_ =	swait.ge [sflag:s22], $0x1900  }
0x393: {  	[sflag:s22] =	ssyncset.done $0x0  }
.Ltmp5:
0x394: {  	[sflag:s22] =	ssyncadd.s32 $0xFFFFE700;
	(pc) =	sbr.rel .LBB2_2-.Ltmp5, $4  }
0x395: {  	_ =	swait.ge [sflag:s25], $0xC8  }
0x396: {  	[sflag:s25] =	ssyncset.done $0x0  }
0x397: {  	s8 =	sadd.s32 $0x1, s8;
	[sflag:s25] =	ssyncadd.s32 $0xFFFFFF38  }
0x398: {  	[tilespmem:s1], [sflag:$0x1] =	stream.indirect.gather [hbm4b:s6+s0], $0x20, s3, s0, $0xb8;
	[tilespmem:$0x1B580] =	vst v63  }
.LBB2_9:
0x399: {  	_ =	sfence.sel $0x180000  }
0x39a: {  	[bflag:$0x0] =	sbarrier.arrive $0xFFFF  }
0x39b: {  	_ =	strace $0x90000047  }
0x39c: {  	s0 =	stileid.u32;
	[bflag:$0x2] =	sbarrier.arrive $0xFFFF  }
0x39d: {  	p0 =	sne.s32 s0, $0x0;
	s0 =	rddreg [dreg:$0x2]  }
0x39e: {  	s0 =	sadd.s32 @!p0 $0x100000, s0  }
0x39f: {  	[sflag:s0] =	ssyncadd.tile.s32 @!p0 $0x1;
	_ =	shalt  }
.Lfunc_end2:
_tile_overlayer_lowered:
.L_overlay_start_2:
0x3a0: {  	(tag) =	ssettag $0x2  }
0x3a1: {  	s0 =	rddreg [dreg:$0x0];
	s2 =	stileid.u32  }
0x3a2: {  	s1 =	rddreg [dreg:$0x1];
	p0 =	sne.s32 s2, $0x0  }
0x3a3: {  	s3 =	rddreg [dreg:$0x2];
	[bflag:$0x3] =	sbarrier.arrive $0xFFFF;
	s2 =	simm.s32 @!p0 $0x1C07  }
0x3a4: {  	[timem:s3], [sflag:s2] =	dma.local @!p0 [hbm:s0], s1  }
0x3a5: {  	s0 =	simm.s32 @!p0 $0x7  }
0x3a6: {  	_ =	swait.ge @!p0 [sflag:s0], s1  }
0x3a7: {  	s1 =	ssub.s32 @!p0 $0x0, s1;
	[sflag:s0] =	ssyncset.done @!p0 $0x0  }
0x3a8: {  	[sflag:s0] =	ssyncadd.s32 @!p0 s1  }
0x3a9: {  	[bflag:$0x3] =	sbarrier.arrive $0xFFFF  }
0x3aa: {  	_ =	shalt  }

// kernel: sparse-core-data-format-call.cloned.1.call-start
scs
called_computation_lowered:
.L_overlay_start_0:
0x0: {  	s2 =	sld [smem:$0x3FD9]  }
0x1: {  	s3 =	sld [smem:$0x3FFE];
	_ =	sdelay $0x1  }
0x2: {  	s1 =	srdreg.scid  }
0x3: {  	s0 =	sand.u32 $0x1, s1  }
0x4: {  	s18 =	sshll.u32 s0, $0xA;
	s2 =	sadd.s32 s3, s2  }
0x5: {  	s2 =	sadd.s32 s2, s18  }
0x6: {  	[smem:$0x3FC5] =	sst s2  }
0x7: {  	_ = 	snop  }
0x8: {  	s2 =	sld [smem:$0x3FD0];
	(tm) =	ssettm $0x1  }
0x9: {  	s19 =	sld [smem:$0x3FFB];
	_ =	sdelay $0x3  }
0xa: {  	_ =	strace s19  }
0xb: {  	s3 =	sld [smem:$0x3FFC];
	_ =	sdelay $0x3  }
0xc: {  	_ =	strace s3  }
0xd: {  	s3 =	sld [smem:$0x3FFD];
	_ =	sdelay $0x3  }
0xe: {  	_ =	strace s3  }
0xf: {  	_ =	strace $0x8FFFFFFF  }
0x10: {  	s20 =	sld [smem:$0x3FDB];
	_ =	sdelay $0x1  }
0x11: {  	s4 =	simm.s32 $_scs_section_size  }
0x12: {  	s5 =	simm.s32 $_size__tile_overlayer_lowered;
	s6 =	simm.s32 $_tile_overlayer_lowered  }
0x13: {  	s23 =	simm.s32 $0x1BFF;
	s22 =	sshll.u32 s6, $0x1;
	s3 =	sadd.s32 s4, s20  }
0x14: {  	s7 =	simm.s32 $0x0;
	s21 =	sshll.u32 s5, $0x1;
	s5 =	sadd.s32 s22, s3  }
0x15: {  	[timem:s7], [sflag:s23] =	dma.local [hbm:s5], s21  }
0x16: {  	_ =	swait.ge [sflag:s23], s21  }
0x17: {  	s4 =	ssub.s32 $0x0, s21;
	[sflag:s23] =	ssyncset.done $0x0  }
0x18: {  	[sflag:s23] =	ssyncadd.s32 s4;
	_ =	sdelay $0x1  }
0x19: {  	s24 =	simm.s32 $0x1B8B  }
0x1a: {  	_ =	swait.ge [sflag:s24], $0x1  }
0x1b: {  	[sflag:s24] =	ssyncset.done $0x0  }
0x1c: {  	s26 =	simm.s32 $0x1B8E;
	s25 =	sld [smem:$0x3FFE];
	[sflag:s24] =	ssyncadd.s32 $0xFFFFFFFF  }
0x1d: {  	s27 =	simm.s32 $execute0_lowered;
	[smem:$0x3FD2] =	sst s26  }
0x1e: {  	s5 =	sshll.u32 s27, $0x1;
	_ =	strace $0x80000049;
	[dreg:$0x1] =	wrdreg $0xFFFFFFFF  }
0x1f: {  	s28 =	simm.s32 $_size_execute0_lowered;
	s3 =	sadd.s32 s3, s5;
	[dreg:$0x0] =	wrdreg $0x0  }
0x20: {  	s5 =	sshll.u32 s28, $0x1;
	[dreg:$0x2] =	wrdreg s3  }
0x21: {  	[dreg:$0x3] =	wrdreg s5  }
0x22: {  	[dreg:$0x4] =	wrdreg $0xC0  }
0x23: {  	_ =	task [dreg:s7], $0x5FFFF  }
0x24: {  	[dreg:$0x1] =	wrdreg $0xFFFFFFFF  }
0x25: {  	[dreg:$0x0] =	wrdreg $0x60  }
0x26: {  	[dreg:$0x2] =	wrdreg s25  }
0x27: {  	[dreg:$0x3] =	wrdreg s2  }
0x28: {  	[dreg:$0x4] =	wrdreg $0x9  }
0x29: {  	_ =	task.clear_ibuf [dreg:s7], $0x5FFFF;
	_ =	strace $0x90000049  }
0x2a: {  	s29 =	simm.s32 $0x9;
	_ =	strace $0x8000004B  }
0x2b: {  	_ =	swait.ge [sflag:s29], $0x1  }
0x2c: {  	[sflag:s29] =	ssyncadd.s32 $0xFFFFFFFF  }
0x2d: {  	_ =	strace $0x9000004B  }
0x2e: {  	_ =	sfence  }
0x2f: {  	s30 =	sld [smem:$0x0];
	_ =	sdelay $0x2  }
0x30: {  	s31 =	sshll.u32 s1, $0xD;
	s1 =	sshrl.u32 s1, $0x2  }
0x31: {  	s3 =	sand.u32 $0x4000, s31;
	s1 =	sadd.s32 s1, s30  }
0x32: {  	s0 =	sor.u32 s3, s0;
	s1 =	sshll.u32 s1, $0x11  }
0x33: {  	s0 =	sor.u32 s1, s0  }
0x34: {  	s0 =	sadd.s32 $0x8F2B, s0  }
0x35: {  	[sflag:s0] =	ssyncadd.remote.s32 $0x1  }
0x36: {  	_ =	sfence.sel $0xFFFF  }
0x37: {  	[dreg:$0x0] =	wrdreg $0xFFFFFFFF;
	(pc) =	sbr.abs _section_cstart, $3  }
0x38: {  	[dreg:$0x1] =	wrdreg $0xFFFFFFFF  }
0x39: {  	_ =	task.clear_ibuf [dreg:s7], $0x2FFFF;
	_ =	strace $0x9FFFFFFF  }
0x3a: {  	(tm) =	ssettm $0x7FFFFFFF  }
0x3b: {  	_ =	shalt  }
tec
execute0_lowered:
.L_overlay_start_1:
0x0: {  	(tag) =	ssettag $0x1  }
0x1: {  	s0 =	srdreg.scid  }
0x2: {  	s1 =	sshll.u32 s0, $0x4  }
0x3: {  	s0 =	stileid.u32;
	s1 =	sand.u32 $0x10, s1  }
0x4: {  	s1 =	sor.u32 s0, s1  }
0x5: {  	s6 =	rddreg [dreg:$0x0];
	s4 =	simm.s32 $0x1;
	s2 =	sshll.u32 s1, $0x7  }
0x6: {  	s7 =	simm.s32 $0x2;
	s12 =	simm.s32 $0x0;
	s1 =	ssub.s32 $0x4000, s2  }
0x7: {  	s8 =	simm.s32 $0x20000;
	s13 =	simm.s32 $0x0;
	s3 =	sand.u32 $0xF80, s1  }
0x8: {  	s9 =	simm.s32 $0x0;
	s5 =	sshrl.u32 s1, $0xC;
	p0 =	sne.s32 s3, $0x0  }
.Ltmp0:
0x9: {  	s1 =	rddreg [dreg:$0x2];
	s4 =	simm.s32 @!p0 $0x0;
	(pc) =	sbr.rel .LBB1_1-.Ltmp0, $4  }
0xa: {  	s11 =	simm.s32 $0x0;
	s3 =	rddreg [dreg:$0x1];
	s5 =	sadd.s32 s4, s5  }
0xb: {  	_ =	strace $0x8000004A;
	s4 =	simm.s32 $0x1;
	s5 =	smul.u32 $0xC8, s5  }
0xc: {  	s6 =	sadd.s32 $0x800, s6;
	s10 =	smov.u32 s2;
	[sflag:s4] =	ssyncpa.u1 $0x0  }
0xd: {  	p0 =	por $0x0, $0x0;
	[sflag:s7] =	ssyncpa.u1 $0x0;
	s7 =	sor.u32 $0x1, s5  }
.LBB1_4:
0xe: {  	s16 =	sshll.u32 s13, $0x3;
	s17 =	sand.u32 $0x78, s13  }
0xf: {  	s30 =	sand.u32 $0xF800, s13;
	s12 =	sshll.u32 s12, $0x10;
	s16 =	sand.u32 $0x3C00, s16  }
0x10: {  	s31 =	sand.u32 $0x7, s13;
	s16 =	sor.u32 s17, s16;
	s17 =	sadd.s32 s3, s30  }
0x11: {  	s13 =	sshll.u32 s31, $0x12;
	s16 =	sshrl.u32 s16, $0x3;
	s12 =	sadd.s32 s12, s17  }
0x12: {  	[tilespmem:s15+$0x0 ss:$0x81] =	vst.msk $0xffff, v0;
	s13 =	sor.u32 $0x400, s13;
	s12 =	sadd.s32 s16, s12  }
0x13: {  	[hbm4b:s12+s13] =	stream.strided.scatter [tilespmem:s14], [sflag:$0x2], $0x1000, s8, s13, $0x20;
	[tilespmem:$0x4040] =	vst v63  }
.LBB1_5:
0x14: {  	s14 =	sadd.s32 $0x1, s9  }
0x15: {  	s12 =	sadd.s32 $0x1000, s10;
	s16 =	smov.u32 s10;
	p2 =	sgt.s32 s14, $0xC7  }
0x16: {  	s16 =	smov.u32 @p2 s12  }
0x17: {  	s14 =	simm.s32 @p2 $0x0;
	p2 =	sgt.s32 s16, $0x3FFF  }
0x18: {  	s16 =	smov.u32 @p2 s2;
	p2 =	sne.s32 s11, s7  }
.Ltmp1:
0x19: {  	p1 =	slt.u32 s11, $0x2;
	(pc) =	sbr.rel @!p2 .LBB1_6-.Ltmp1, $4  }
0x1a: {  	s15 =	simm.s32 @!p1 $0x2  }
0x1b: {  	s13 =	smov.u32 s10;
	p0 =	por !p0, !p0;
	_ =	swait.ge @!p1 [sflag:s15], $0x1000  }
0x1c: {  	s12 =	smov.u32 s9;
	[sflag:s15] =	ssyncset.done @!p1 $0x0;
	s9 =	smov.u32 s14  }
0x1d: {  	s11 =	sadd.s32 $0x1, s11;
	[sflag:s15] =	ssyncadd.s32 @!p1 $0xFFFFF000;
	s10 =	smov.u32 s16  }
.LBB1_1:
0x1e: {  	p1 =	sge.u32 s11, s5  }
0x1f: {  	s14 =	sand.u32 @!p1 $0x1FFFFFF, s9  }
0x20: {  	s15 =	smulhi.u32 @!p1 $0x147AE15, s14;
	_ =	sdelay $0x1  }
0x21: {  	s15 =	smul.u32 @!p1 $0xC8, s15  }
0x22: {  	s16 =	sxor.u32 @!p1 $0xFFFFFFFF, s11;
	s17 =	smul.u32 @!p1 $0xC80, s10  }
0x23: {  	s31 =	sadd.s32 $0xFFFFFFFF, s11;
	s16 =	sshll.u32 @!p1 s16, $0xC;
	s14 =	ssub.s32 @!p1 s14, s15  }
0x24: {  	s15 =	sand.u32 @!p1 $0x1000, s16;
	s16 =	sadd.s32 @!p1 s6, s17;
	s14 =	sshll.u32 @!p1 s14, $0x4  }
0x25: {  	s17 =	simm.s32 @!p1 $0x6400;
	s14 =	sadd.s32 @!p1 s14, s16;
	s16 =	simm.s32 @!p1 $0x20  }
0x26: {  	[tilespmem:s15], [sflag:$0x1] =	stream.strided.gather @!p1 [hbm4b:s14+s16], $0x1000, s17, s16, $0x38;
	[tilespmem:$0x4040] =	vst v63  }
0x27: {  	p1 =	sge.u32 s31, s5  }
.Ltmp2:
0x28: {  	_ = 	snop;
	(pc) =	sbr.rel @p1 .LBB1_5-.Ltmp2, $1  }
0x29: {  	_ =	sdelay $0x3  }
0x2a: {  	s14 =	simm.s32 $0x1  }
0x2b: {  	_ =	swait.ge [sflag:s4], $0x1000;
	s14 =	simm.s32 @!p0 $0x0  }
0x2c: {  	[sflag:s4] =	ssyncset.done $0x0;
	s15 =	sshll.u32 s14, $0xC  }
0x2d: {  	[sflag:s4] =	ssyncadd.s32 $0xFFFFF000;
	s18 =	sor.u32 $0x10, s15  }
0x2e: {  	s14 =	smul.u32 $0x4080, s14;
	v1 =	vld [tilespmem:s18+$0x0]  }
0x2f: {  	s30 =	sand.u32 $0x1, s11;
	v0 =	vld [tilespmem:s18+$0xFFFFFFF0]  }
0x30: {  	s15 =	smul.u32 $0x4080, s30;
	s14 =	sshrl.u32 s14, $0x2  }
0x31: {  	s16 =	sor.u32 $0x2000, s14  }
0x32: {  	s31 =	sshrl.u32 s15, $0x2;
	s15 =	sadd.s32 $0x0, s16  }
0x33: {  	s17 =	simm.s32 $0x4;
	s18 =	sadd.s32 $0x20, s18;
	s14 =	sor.u32 $0x2000, s31;
	[tilespmem:s15+$0x810 ss:$0x81] =	vst.msk $0xffff, v1  }
.LBB1_3:
0x34: {  	v1 =	vld [tilespmem:s18+$0x0];
	p1 =	sne.s32 s17, $0x1FC;
	[tilespmem:s15+$0x0 ss:$0x81] =	vst.msk $0xffff, v0;
	s15 =	smov.u32 s17;
	s17 =	sadd.s32 $0x4, s17  }
.Ltmp3:
0x35: {  	v0 =	vld [tilespmem:s18+$0xFFFFFFF0];
	(pc) =	sbr.rel @p1 .LBB1_3-.Ltmp3, $4  }
0x36: {  	_ = 	snop  }
0x37: {  	s15 =	sshra.s32 s15, $0x2  }
0x38: {  	s15 =	sadd.s32 s15, s16  }
0x39: {  	s18 =	sadd.s32 $0x20, s18;
	[tilespmem:s15+$0x810 ss:$0x81] =	vst.msk $0xffff, v1  }
.Ltmp4:
0x3a: {  	_ = 	snop;
	(pc) =	sbr.rel .LBB1_4-.Ltmp4, $1  }
0x3b: {  	_ =	sdelay $0x3  }
.LBB1_6:
0x3c: {  	_ =	sfence.sel $0x180000  }
0x3d: {  	s2 =	simm.s32 $0x1;
	[bflag:$0x0] =	sbarrier.arrive $0xFFFF  }
0x3e: {  	s31 =	simm.s32 $0x2;
	[sflag:s2] =	ssyncpa.u1 $0x1  }
0x3f: {  	[sflag:s31] =	ssyncpa.u1 $0x1  }
0x40: {  	p0 =	sne.s32 s0, $0x0;
	_ =	strace $0x9000004A  }
0x41: {  	s0 =	sadd.s32 @!p0 $0x100000, s1;
	[bflag:$0x2] =	sbarrier.arrive $0xFFFF  }
0x42: {  	[sflag:s0] =	ssyncadd.tile.s32 @!p0 $0x1;
	_ =	shalt  }
.Lfunc_end1:
_tile_overlayer_lowered:
.L_overlay_start_2:
0x43: {  	(tag) =	ssettag $0x2  }
0x44: {  	s0 =	rddreg [dreg:$0x0];
	s2 =	stileid.u32  }
0x45: {  	s1 =	rddreg [dreg:$0x1];
	p0 =	sne.s32 s2, $0x0  }
0x46: {  	s3 =	rddreg [dreg:$0x2];
	[bflag:$0x3] =	sbarrier.arrive $0xFFFF;
	s2 =	simm.s32 @!p0 $0x1C01  }
0x47: {  	[timem:s3], [sflag:s2] =	dma.local @!p0 [hbm:s0], s1  }
0x48: {  	s0 =	simm.s32 @!p0 $0x1  }
0x49: {  	_ =	swait.ge @!p0 [sflag:s0], s1  }
0x4a: {  	s1 =	ssub.s32 @!p0 $0x0, s1;
	[sflag:s0] =	ssyncset.done @!p0 $0x0  }
0x4b: {  	[sflag:s0] =	ssyncadd.s32 @!p0 s1  }
0x4c: {  	[bflag:$0x3] =	sbarrier.arrive $0xFFFF  }
0x4d: {  	_ =	shalt  }

</sc_bundles>
